<compile_context>
chip_gen: v7x
topology: tpu7x:2x2x1
jax: 0.10.2.dev20260603
libtpu: 0.0.44.dev20260713+nightly
codegen_flags: <defaults>
</compile_context>

<pallas_src>
import functools

import jax
import jax.numpy as jnp
import numpy as np
from jax import lax
from jax.experimental import pallas as pl
from jax.experimental.pallas import tpu as pltpu
from jax.experimental.pallas import tpu_sc as plsc

_RMAX = 3.0
_RSTEP = 0.01
_LBOX = 13
_L3 = _LBOX * _LBOX * _LBOX
_NCHUNK = 18
_PTS = _NCHUNK * 128
_LANES = 16
_NC, _NS = 2, 16
_NPF = 10
_BIG = 1.0e9


def _mod(a, m):
    r = lax.rem(a, m)
    return jnp.where(r < 0, r + m, r)


def _build_bin_table():
    rstep = np.float32(_RSTEP)
    nbins = int(_RMAX / _RSTEP) + 2
    s = np.full(512, np.inf, np.float32)
    s[0] = -np.inf
    f32i = np.float32(np.inf)
    for k in range(1, nbins):
        t = np.float32(k * _RSTEP)
        while np.float32(t / rstep) >= k:
            t = np.nextafter(t, -f32i, dtype=np.float32)
        while np.float32(t / rstep) < k:
            t = np.nextafter(t, f32i, dtype=np.float32)
        x = np.float32(t * t)
        while np.float32(np.sqrt(x)) >= t:
            x = np.nextafter(x, -f32i, dtype=np.float32)
        while np.float32(np.sqrt(x)) < t:
            x = np.nextafter(x, f32i, dtype=np.float32)
        s[k] = x
    return s


_S_TABLE = _build_bin_table()


def _bf16_round(v):
    u = lax.bitcast_convert_type(v, jnp.int32)
    lsb = lax.shift_right_logical(u, 16) & 1
    u = (u + 0x7FFF + lsb) & jnp.int32(-65536)
    return lax.bitcast_convert_type(u, jnp.float32)


def _sc_body(tabg_hbm, pf_hbm, m_hbm, rad_hbm, s_hbm, seed_hbm, out_hbm,
             tabg_v, pf_v, m_v, rad_v, s_v, relb_v, con_v, val_v, idx_v,
             grid_sh, sem,
             *, apw, nflat_sc, gz, gy, gx, nrad_m1):
    cid = lax.axis_index("c")
    sid = lax.axis_index("s")
    wid = cid * _NS + sid
    share = nflat_sc // _NS

    pltpu.sync_copy(seed_hbm.at[cid, pl.ds(sid * share, share)],
                    grid_sh.at[pl.ds(sid * share, share)])

    pltpu.sync_copy(tabg_hbm, tabg_v)
    pltpu.sync_copy(pf_hbm.at[wid], pf_v)
    pltpu.sync_copy(m_hbm, m_v)
    pltpu.sync_copy(s_hbm, s_v)
    plsc.subcore_barrier()

    g00 = m_v[pl.ds(0, _LANES)]
    g01 = m_v[pl.ds(16, _LANES)]
    g02 = m_v[pl.ds(32, _LANES)]
    g10 = m_v[pl.ds(48, _LANES)]
    g11 = m_v[pl.ds(64, _LANES)]
    g12 = m_v[pl.ds(80, _LANES)]
    g20 = m_v[pl.ds(96, _LANES)]
    g21 = m_v[pl.ds(112, _LANES)]
    g22 = m_v[pl.ds(128, _LANES)]
    rmax2 = jnp.full((_LANES,), _RMAX * _RMAX, jnp.float32)
    rstep_inv = jnp.full((_LANES,), jnp.float32(1.0) / jnp.float32(_RSTEP),
                         jnp.float32)
    half = jnp.full((_LANES,), 0.5, jnp.float32)
    onep5 = jnp.full((_LANES,), 1.5, jnp.float32)
    magic = jnp.full((_LANES,), 0x5F3759DF, jnp.int32)
    big = jnp.full((_LANES,), _BIG, jnp.float32)
    dcap = jnp.full((_LANES,), 4.0, jnp.float32)
    iota_i = lax.iota(jnp.int32, 16)
    iota_f = iota_i.astype(jnp.float32)

    def atom_body(a, _):
        gid = wid * apw + a
        pltpu.sync_copy(rad_hbm.at[gid], rad_v)

        cz = pf_v[a, pl.ds(0, _LANES)]
        cy = pf_v[a, pl.ds(16, _LANES)]
        cx = pf_v[a, pl.ds(32, _LANES)]
        bzf = pf_v[a, pl.ds(48, _LANES)]
        byf = pf_v[a, pl.ds(64, _LANES)]
        bxf = pf_v[a, pl.ds(80, _LANES)]
        ez = pf_v[a, pl.ds(96, _LANES)]
        ey = pf_v[a, pl.ds(112, _LANES)]
        ex = pf_v[a, pl.ds(128, _LANES)]
        w = pf_v[a, pl.ds(144, _LANES)]

        rzb = jnp.where(iota_f > ez, big, _bf16_round((bzf + iota_f) - cz))
        ryb = jnp.where(iota_f > ey, big, _bf16_round((byf + iota_f) - cy))
        rxb = jnp.where(iota_f > ex, big, _bf16_round((bxf + iota_f) - cx))
        bz = bzf.astype(jnp.int32)
        by = byf.astype(jnp.int32)
        bx = bxf.astype(jnp.int32)
        zcon = _mod(bz + iota_i, gz) * (gy * gx)
        ycon = _mod(by + iota_i, gy) * gx
        xcon = _mod(bx + iota_i, gx)
        relb_v[pl.ds(0, _LANES)] = rzb
        relb_v[pl.ds(128, _LANES)] = ryb
        relb_v[pl.ds(256, _LANES)] = rxb
        con_v[pl.ds(0, _LANES)] = zcon
        con_v[pl.ds(128, _LANES)] = ycon
        con_v[pl.ds(256, _LANES)] = xcon

        @plsc.parallel_loop(0, _NCHUNK, 1, unroll=3)
        def row_body(j):
            for cc in range(128 // _LANES):
                base = j * 128 + cc * _LANES
                iz = tabg_v[0, pl.ds(base, _LANES)]
                iy = tabg_v[1, pl.ds(base, _LANES)]
                ix = tabg_v[2, pl.ds(base, _LANES)]

                rz = plsc.load_gather(relb_v, [iz])
                ry = plsc.load_gather(relb_v, [iy])
                rx = plsc.load_gather(relb_v, [ix])
                c0 = (rz * g00 + ry * g01) + rx * g02
                c1 = (rz * g10 + ry * g11) + rx * g12
                c2 = (rz * g20 + ry * g21) + rx * g22
                d2 = (c0 * c0 + c1 * c1) + c2 * c2
                x = jnp.maximum(d2, jnp.float32(1e-12))
                i = lax.bitcast_convert_type(x, jnp.int32)
                y = lax.bitcast_convert_type(
                    magic - lax.shift_right_arithmetic(i, 1), jnp.float32)
                hx = half * x
                y = y * (onep5 - hx * y * y)
                y = y * (onep5 - hx * y * y)
                d = jnp.minimum(x * y, dcap)
                k0 = (d * rstep_inv).astype(jnp.int32)
                slo = plsc.load_gather(s_v, [k0])
                shi = plsc.load_gather(s_v, [k0 + 1])
                up = (x >= shi).astype(jnp.int32)
                dn = (x < slo).astype(jnp.int32)
                ridx = jnp.minimum(k0 + up - dn, nrad_m1)
                dens = plsc.load_gather(rad_v, [ridx])
                val = jnp.where(d2 <= rmax2, dens * w, jnp.float32(0.0))

                zc = plsc.load_gather(con_v, [iz])
                yc = plsc.load_gather(con_v, [iy])
                xc = plsc.load_gather(con_v, [ix])
                flat = (zc + yc) + xc

                val_v[pl.ds(base, _LANES)] = val
                idx_v[j, pl.ds(cc * _LANES, _LANES)] = flat
            pltpu.async_copy(val_v.at[pl.ds(j * 128, 128)],
                             grid_sh.at[idx_v.at[j]], sem, add=True)

        for j in range(_NCHUNK):
            pltpu.make_async_copy(val_v.at[pl.ds(j * 128, 128)],
                                  grid_sh.at[idx_v.at[j]], sem).wait()
        return 0

    lax.fori_loop(0, apw, atom_body, 0)

    plsc.subcore_barrier()
    pltpu.sync_copy(grid_sh.at[pl.ds(sid * share, share)],
                    out_hbm.at[cid, pl.ds(sid * share, share)])


def kernel(coordinates, active, occupancies, lmax, radial_densities,
           grid_to_cartesian, out):
    b, n = coordinates.shape[:2]
    bn = b * n
    gz, gy, gx = out.shape[1], out.shape[2], out.shape[3]
    nflat_sc = gz * gy * gx
    nrad = radial_densities.shape[-1]
    nrad_pad = ((nrad + 127) // 128) * 128
    apw = bn // (_NC * _NS)

    f32 = jnp.float32
    coords = coordinates.reshape(bn, 3)
    b_min = jnp.ceil(coords - lmax[None, :]).astype(jnp.int32)
    b_max = jnp.floor(coords + lmax[None, :]).astype(jnp.int32)
    ext = (b_max - b_min).astype(f32)
    w = occupancies.reshape(bn) * active.reshape(bn).astype(f32)

    params = jnp.stack([
        coords[:, 0], coords[:, 1], coords[:, 2],
        b_min[:, 0].astype(f32), b_min[:, 1].astype(f32),
        b_min[:, 2].astype(f32),
        ext[:, 0], ext[:, 1], ext[:, 2],
        w,
    ], axis=1)
    pf = jnp.broadcast_to(params[:, :, None], (bn, _NPF, _LANES))
    pf = jnp.pad(pf.reshape(bn, _NPF * _LANES),
                 ((0, 0), (0, 256 - _NPF * _LANES)))
    pf = pf.reshape(_NC * _NS, apw, 256)

    gb = grid_to_cartesian.astype(jnp.bfloat16).astype(f32)
    m_in = jnp.pad(
        jnp.broadcast_to(gb.reshape(9)[:, None], (9, _LANES)).reshape(144),
        (0, 112))

    t = jnp.arange(_PTS, dtype=jnp.int32)
    oz = jnp.where(t < _L3, t // (_LBOX * _LBOX), _LBOX)
    oy = jnp.where(t < _L3, (t // _LBOX) % _LBOX, _LBOX) + 128
    ox = jnp.where(t < _L3, t % _LBOX, _LBOX) + 256
    tabg = jnp.stack([oz, oy, ox])

    rad = radial_densities.reshape(bn, nrad)
    rad = jnp.pad(rad, ((0, 0), (0, nrad_pad - nrad)))

    s_in = jnp.asarray(_S_TABLE)
    seed = out.reshape(b, nflat_sc)

    sc = functools.partial(
        pl.kernel,
        out_type=jax.ShapeDtypeStruct((b, nflat_sc), f32),
        mesh=plsc.VectorSubcoreMesh(core_axis_name="c", subcore_axis_name="s",
                                    num_cores=_NC, num_subcores=_NS),
        compiler_params=pltpu.CompilerParams(needs_layout_passes=False),
        scratch_types=[
            pltpu.VMEM((3, _PTS), jnp.int32),
            pltpu.VMEM((apw, 256), f32),
            pltpu.VMEM((256,), f32),
            pltpu.VMEM((nrad_pad,), f32),
            pltpu.VMEM((512,), f32),
            pltpu.VMEM((384,), f32),
            pltpu.VMEM((384,), jnp.int32),
            pltpu.VMEM((_PTS,), f32),
            pltpu.VMEM((_NCHUNK, 128), jnp.int32),
            pltpu.VMEM_SHARED((nflat_sc,), f32),
            pltpu.SemaphoreType.DMA,
        ],
    )(functools.partial(_sc_body, apw=apw, nflat_sc=nflat_sc,
                        gz=gz, gy=gy, gx=gx, nrad_m1=nrad - 1))

    res = sc(tabg, pf, m_in, rad, s_in, seed)
    return res.reshape(out.shape)

# --- scband reference (transcript-rebuilt; emitter-appended) ---
"""Pipeline reference for scband-differentiable-transformer-46265387712688 (READ-ONLY COPY).

The authoritative reference and input builder live on the scoring server;
editing this copy changes nothing except your own understanding.
"""

import jax, jax.numpy as jnp
import numpy as np

RMAX = 3.0
RSTEP = 0.01
GRID = (96, 96, 96)
B = 2
N = 512
NRAD = 301
LMAX_GRID = 6.0  # rmax / voxel_spacing
LBOX = 13        # 2*lmax + 1 grid points per axis


def setup_inputs(seed: int = 0) -> dict:
    key = jax.random.key(seed)
    k1, k2, k3 = jax.random.split(key, 3)
    grid_f = jnp.array(GRID, dtype=jnp.float32)
    coordinates = jax.random.uniform(k1, (B, N, 3), dtype=jnp.float32) * grid_f[None, None, :]
    active = jnp.ones((B, N), dtype=bool)
    occupancies = jax.random.uniform(k2, (B, N), dtype=jnp.float32)
    lmax = jnp.full((3,), LMAX_GRID, dtype=jnp.float32)
    radial_densities = jax.random.uniform(k3, (B, N, NRAD), dtype=jnp.float32)
    grid_to_cartesian = 0.5 * jnp.eye(3, dtype=jnp.float32)  # voxel_spacing = 0.5 A
    out = jnp.zeros((B,) + GRID, dtype=jnp.float32)
    return {
        'coordinates': coordinates,
        'active': active,
        'occupancies': occupancies,
        'lmax': lmax,
        'radial_densities': radial_densities,
        'grid_to_cartesian': grid_to_cartesian,
        'out': out,
    }


def reference(coordinates, active, occupancies, lmax, radial_densities, grid_to_cartesian, out):
    b, n = coordinates.shape[:2]
    gz, gy, gx = out.shape[1], out.shape[2], out.shape[3]
    rmax2 = RMAX * RMAX
    coords = coordinates.reshape(b * n, 3)
    occ = occupancies.reshape(b * n)
    act = active.reshape(b * n).astype(coordinates.dtype)
    rad = radial_densities.reshape(b * n, -1)
    # bounding box per atom: [ceil(c - lmax), floor(c + lmax)], fixed LBOX extent
    b_min = jnp.ceil(coords - lmax[None, :]).astype(jnp.int32)
    b_max = jnp.floor(coords + lmax[None, :]).astype(jnp.int32)
    offs = jnp.arange(LBOX, dtype=jnp.int32)
    oz, oy, ox = jnp.meshgrid(offs, offs, offs, indexing='ij')
    box = jnp.stack([oz, oy, ox], axis=-1).reshape(-1, 3)  # (L3, 3)
    pts = b_min[:, None, :] + box[None, :, :]              # (BN, L3, 3)
    rel = pts.astype(coordinates.dtype) - coords[:, None, :]
    cart = rel @ grid_to_cartesian.T
    d2 = jnp.sum(cart * cart, axis=-1)
    inbox = jnp.all(pts <= b_max[:, None, :], axis=-1)
    mask = (d2 <= rmax2) & inbox
    d = jnp.sqrt(jnp.maximum(d2, 1e-12))
    ridx = jnp.clip((d / RSTEP).astype(jnp.int32), 0, rad.shape[1] - 1)
    dens = jnp.take_along_axis(rad, ridx, axis=1) * occ[:, None] * act[:, None]
    dens = jnp.where(mask, dens, jnp.zeros_like(dens))
    zi = jnp.remainder(pts[..., 0], gz)
    yi = jnp.remainder(pts[..., 1], gy)
    xi = jnp.remainder(pts[..., 2], gx)
    batch_idx = jnp.repeat(jnp.arange(b, dtype=jnp.int32), n)[:, None]
    flat_idx = ((batch_idx * gz + zi) * gy + yi) * gx + xi
    out_flat = out.reshape(-1)
    out_flat = out_flat.at[flat_idx.reshape(-1)].add(dens.reshape(-1))
    return out_flat.reshape(out.shape)

if __name__ == "__main__":
    import jax
    _d = setup_inputs()
    print(jax.jit(kernel)(*tuple(_d.values())))

</pallas_src>

<mosaic_0001>
#map = affine_map<(d0, d1) -> (0, 0)>
#map1 = affine_map<(d0, d1) -> (0, 0, 0)>
#map2 = affine_map<(d0, d1) -> (0)>
module attributes {stable_mosaic.version = 14 : i64} {
  func.func @_sc_body(%arg0: i32, %arg1: i32, %arg2: memref<3x2304xi32, #tpu.memory_space<hbm>>, %arg3: memref<32x32x256xf32, #tpu.memory_space<hbm>>, %arg4: memref<256xf32, #tpu.memory_space<hbm>>, %arg5: memref<1024x384xf32, #tpu.memory_space<hbm>>, %arg6: memref<512xf32, #tpu.memory_space<hbm>>, %arg7: memref<2x884736xf32, #tpu.memory_space<hbm>>, %arg8: memref<2x884736xf32, #tpu.memory_space<hbm>>, %arg9: memref<3x2304xi32, #tpu.memory_space<vmem>>, %arg10: memref<32x256xf32, #tpu.memory_space<vmem>>, %arg11: memref<256xf32, #tpu.memory_space<vmem>>, %arg12: memref<384xf32, #tpu.memory_space<vmem>>, %arg13: memref<512xf32, #tpu.memory_space<vmem>>, %arg14: memref<384xf32, #tpu.memory_space<vmem>>, %arg15: memref<384xi32, #tpu.memory_space<vmem>>, %arg16: memref<2304xf32, #tpu.memory_space<vmem>>, %arg17: memref<18x128xi32, #tpu.memory_space<vmem>>, %arg18: memref<884736xf32, #tpu.memory_space<vmem_shared>>, %arg19: memref<!tpu.dma_semaphore, #tpu.memory_space<semaphore_mem>>) attributes {dimension_semantics = [#tpu.dimension_semantics<core_parallel>, #tpu.dimension_semantics<subcore_parallel>], iteration_bounds = array<i64: 2, 16>, scalar_prefetch = 0 : i64, scratch_operands = 11 : i64, tpu.core_type = #tpu.core_type<sc_vector_subcore>, window_params = [{transform_indices = #map}, {transform_indices = #map1}, {transform_indices = #map2}, {transform_indices = #map}, {transform_indices = #map2}, {transform_indices = #map}, {transform_indices = #map}]} {
    %mul3A = arith.constant 16 : i32
    %mul3A_0 = arith.muli %arg0, %mul3A : i32
    %add3A = arith.addi %mul3A_0, %arg1 : i32
    %mul3A_1 = arith.constant 55296 : i32
    %mul3A_2 = arith.muli %arg1, %mul3A_1 : i32
    %mul3A_3 = arith.constant 55296 : i32
    %mul3A_4 = arith.muli %arg1, %mul3A_3 : i32
    "tpu.region"() ({
      %run_scoped3A = tpu.sem_alloc : memref<!tpu.dma_semaphore, #tpu.memory_space<semaphore_mem>>
      %dma_start3A = tpu.memref_slice %arg18[%mul3A_4] : memref<884736xf32, #tpu.memory_space<vmem_shared>> -> memref<55296xf32, #tpu.memory_space<vmem_shared>>
      %dma_start3A_47 = tpu.memref_slice %arg7[%arg0, %mul3A_2] : memref<2x884736xf32, #tpu.memory_space<hbm>> -> memref<1x55296xf32, #tpu.memory_space<hbm>>
      %dma_start3A_48 = tpu.memref_squeeze %dma_start3A_47 : memref<1x55296xf32, #tpu.memory_space<hbm>> -> memref<55296xf32, #tpu.memory_space<hbm>>
      tpu.enqueue_dma source(%dma_start3A_48 : memref<55296xf32, #tpu.memory_space<hbm>>) target(%dma_start3A : memref<55296xf32, #tpu.memory_space<vmem_shared>>) target_semaphore(%run_scoped3A : memref<!tpu.dma_semaphore, #tpu.memory_space<semaphore_mem>>)
      %dma_wait3A = tpu.memref_slice %arg18[%mul3A_4] : memref<884736xf32, #tpu.memory_space<vmem_shared>> -> memref<55296xf32, #tpu.memory_space<vmem_shared>>
      %dma_wait3A_49 = tpu.memref_slice %arg7[%arg0, %mul3A_2] : memref<2x884736xf32, #tpu.memory_space<hbm>> -> memref<1x55296xf32, #tpu.memory_space<hbm>>
      %dma_wait3A_50 = tpu.memref_squeeze %dma_wait3A_49 : memref<1x55296xf32, #tpu.memory_space<hbm>> -> memref<55296xf32, #tpu.memory_space<hbm>>
      tpu.wait_dma2 semaphore(%run_scoped3A : memref<!tpu.dma_semaphore, #tpu.memory_space<semaphore_mem>>) src(%dma_wait3A_50 : memref<55296xf32, #tpu.memory_space<hbm>>) dst(%dma_wait3A : memref<55296xf32, #tpu.memory_space<vmem_shared>>)
      tpu.yield
    }) : () -> ()
    "tpu.region"() ({
      %run_scoped3A = tpu.sem_alloc : memref<!tpu.dma_semaphore, #tpu.memory_space<semaphore_mem>>
      tpu.enqueue_dma source(%arg2 : memref<3x2304xi32, #tpu.memory_space<hbm>>) target(%arg9 : memref<3x2304xi32, #tpu.memory_space<vmem>>) target_semaphore(%run_scoped3A : memref<!tpu.dma_semaphore, #tpu.memory_space<semaphore_mem>>)
      tpu.wait_dma2 semaphore(%run_scoped3A : memref<!tpu.dma_semaphore, #tpu.memory_space<semaphore_mem>>) src(%arg2 : memref<3x2304xi32, #tpu.memory_space<hbm>>) dst(%arg9 : memref<3x2304xi32, #tpu.memory_space<vmem>>)
      tpu.yield
    }) : () -> ()
    "tpu.region"() ({
      %run_scoped3A = tpu.sem_alloc : memref<!tpu.dma_semaphore, #tpu.memory_space<semaphore_mem>>
      %dma_start3A = arith.constant 0 : i32
      %dma_start3A_47 = arith.constant 0 : i32
      %dma_start3A_48 = tpu.memref_slice %arg3[%add3A, %dma_start3A, %dma_start3A_47] : memref<32x32x256xf32, #tpu.memory_space<hbm>> -> memref<1x32x256xf32, #tpu.memory_space<hbm>>
      %dma_start3A_49 = tpu.memref_squeeze %dma_start3A_48 : memref<1x32x256xf32, #tpu.memory_space<hbm>> -> memref<32x256xf32, #tpu.memory_space<hbm>>
      %dma_start3A_50 = arith.constant 0 : i32
      %dma_start3A_51 = arith.constant 0 : i32
      %dma_start3A_52 = tpu.memref_slice %arg3[%add3A, %dma_start3A_50, %dma_start3A_51] : memref<32x32x256xf32, #tpu.memory_space<hbm>> -> memref<1x32x256xf32, #tpu.memory_space<hbm>>
      %dma_start3A_53 = tpu.memref_squeeze %dma_start3A_52 : memref<1x32x256xf32, #tpu.memory_space<hbm>> -> memref<32x256xf32, #tpu.memory_space<hbm>>
      tpu.enqueue_dma source(%dma_start3A_53 : memref<32x256xf32, #tpu.memory_space<hbm>>) target(%arg10 : memref<32x256xf32, #tpu.memory_space<vmem>>) target_semaphore(%run_scoped3A : memref<!tpu.dma_semaphore, #tpu.memory_space<semaphore_mem>>)
      %dma_wait3A = arith.constant 0 : i32
      %dma_wait3A_54 = arith.constant 0 : i32
      %dma_wait3A_55 = tpu.memref_slice %arg3[%add3A, %dma_wait3A, %dma_wait3A_54] : memref<32x32x256xf32, #tpu.memory_space<hbm>> -> memref<1x32x256xf32, #tpu.memory_space<hbm>>
      %dma_wait3A_56 = tpu.memref_squeeze %dma_wait3A_55 : memref<1x32x256xf32, #tpu.memory_space<hbm>> -> memref<32x256xf32, #tpu.memory_space<hbm>>
      %dma_wait3A_57 = arith.constant 0 : i32
      %dma_wait3A_58 = arith.constant 0 : i32
      %dma_wait3A_59 = tpu.memref_slice %arg3[%add3A, %dma_wait3A_57, %dma_wait3A_58] : memref<32x32x256xf32, #tpu.memory_space<hbm>> -> memref<1x32x256xf32, #tpu.memory_space<hbm>>
      %dma_wait3A_60 = tpu.memref_squeeze %dma_wait3A_59 : memref<1x32x256xf32, #tpu.memory_space<hbm>> -> memref<32x256xf32, #tpu.memory_space<hbm>>
      tpu.wait_dma2 semaphore(%run_scoped3A : memref<!tpu.dma_semaphore, #tpu.memory_space<semaphore_mem>>) src(%dma_wait3A_60 : memref<32x256xf32, #tpu.memory_space<hbm>>) dst(%arg10 : memref<32x256xf32, #tpu.memory_space<vmem>>)
      tpu.yield
    }) : () -> ()
    "tpu.region"() ({
      %run_scoped3A = tpu.sem_alloc : memref<!tpu.dma_semaphore, #tpu.memory_space<semaphore_mem>>
      tpu.enqueue_dma source(%arg4 : memref<256xf32, #tpu.memory_space<hbm>>) target(%arg11 : memref<256xf32, #tpu.memory_space<vmem>>) target_semaphore(%run_scoped3A : memref<!tpu.dma_semaphore, #tpu.memory_space<semaphore_mem>>)
      tpu.wait_dma2 semaphore(%run_scoped3A : memref<!tpu.dma_semaphore, #tpu.memory_space<semaphore_mem>>) src(%arg4 : memref<256xf32, #tpu.memory_space<hbm>>) dst(%arg11 : memref<256xf32, #tpu.memory_space<vmem>>)
      tpu.yield
    }) : () -> ()
    "tpu.region"() ({
      %run_scoped3A = tpu.sem_alloc : memref<!tpu.dma_semaphore, #tpu.memory_space<semaphore_mem>>
      tpu.enqueue_dma source(%arg6 : memref<512xf32, #tpu.memory_space<hbm>>) target(%arg13 : memref<512xf32, #tpu.memory_space<vmem>>) target_semaphore(%run_scoped3A : memref<!tpu.dma_semaphore, #tpu.memory_space<semaphore_mem>>)
      tpu.wait_dma2 semaphore(%run_scoped3A : memref<!tpu.dma_semaphore, #tpu.memory_space<semaphore_mem>>) src(%arg6 : memref<512xf32, #tpu.memory_space<hbm>>) dst(%arg13 : memref<512xf32, #tpu.memory_space<vmem>>)
      tpu.yield
    }) : () -> ()
    %barrier3A = arith.constant 0 : index
    tpu.barrier barrier_id(%barrier3A)
    %get3A = arith.constant 0 : index
    %get3A_5 = tpu.vector_load %arg11[%get3A] {strides = array<i32>} : memref<256xf32, #tpu.memory_space<vmem>>, vector<16xf32>,
    %get3A_6 = arith.constant 16 : index
    %get3A_7 = tpu.vector_load %arg11[%get3A_6] {strides = array<i32>} : memref<256xf32, #tpu.memory_space<vmem>>, vector<16xf32>,
    %get3A_8 = arith.constant 32 : index
    %get3A_9 = tpu.vector_load %arg11[%get3A_8] {strides = array<i32>} : memref<256xf32, #tpu.memory_space<vmem>>, vector<16xf32>,
    %get3A_10 = arith.constant 48 : index
    %get3A_11 = tpu.vector_load %arg11[%get3A_10] {strides = array<i32>} : memref<256xf32, #tpu.memory_space<vmem>>, vector<16xf32>,
    %get3A_12 = arith.constant 64 : index
    %get3A_13 = tpu.vector_load %arg11[%get3A_12] {strides = array<i32>} : memref<256xf32, #tpu.memory_space<vmem>>, vector<16xf32>,
    %get3A_14 = arith.constant 80 : index
    %get3A_15 = tpu.vector_load %arg11[%get3A_14] {strides = array<i32>} : memref<256xf32, #tpu.memory_space<vmem>>, vector<16xf32>,
    %get3A_16 = arith.constant 96 : index
    %get3A_17 = tpu.vector_load %arg11[%get3A_16] {strides = array<i32>} : memref<256xf32, #tpu.memory_space<vmem>>, vector<16xf32>,
    %get3A_18 = arith.constant 112 : index
    %get3A_19 = tpu.vector_load %arg11[%get3A_18] {strides = array<i32>} : memref<256xf32, #tpu.memory_space<vmem>>, vector<16xf32>,
    %get3A_20 = arith.constant 128 : index
    %get3A_21 = tpu.vector_load %arg11[%get3A_20] {strides = array<i32>} : memref<256xf32, #tpu.memory_space<vmem>>, vector<16xf32>,
    %broadcast_in_dim3A = arith.constant 9.000000e+00 : f32
    %broadcast_in_dim3A_22 = vector.broadcast %broadcast_in_dim3A : f32 to vector<16xf32>
    %div3A = arith.constant 1.000000e+00 : f32
    %div3A_23 = arith.constant 0.00999999977 : f32
    %div3A_24 = arith.divf %div3A, %div3A_23 : f32
    %broadcast_in_dim3A_25 = vector.broadcast %div3A_24 : f32 to vector<16xf32>
    %broadcast_in_dim3A_26 = arith.constant 5.000000e-01 : f32
    %broadcast_in_dim3A_27 = vector.broadcast %broadcast_in_dim3A_26 : f32 to vector<16xf32>
    %broadcast_in_dim3A_28 = arith.constant 1.500000e+00 : f32
    %broadcast_in_dim3A_29 = vector.broadcast %broadcast_in_dim3A_28 : f32 to vector<16xf32>
    %broadcast_in_dim3A_30 = arith.constant 1597463007 : i32
    %broadcast_in_dim3A_31 = vector.broadcast %broadcast_in_dim3A_30 : i32 to vector<16xi32>
    %broadcast_in_dim3A_32 = arith.constant 1.000000e+09 : f32
    %broadcast_in_dim3A_33 = vector.broadcast %broadcast_in_dim3A_32 : f32 to vector<16xf32>
    %broadcast_in_dim3A_34 = arith.constant 4.000000e+00 : f32
    %broadcast_in_dim3A_35 = vector.broadcast %broadcast_in_dim3A_34 : f32 to vector<16xf32>
    %iota3A = tpu.iota {dimensions = array<i32: 0>} : vector<16xi32>
    %convert_element_type3A = arith.sitofp %iota3A : vector<16xi32> to vector<16xf32>
    %scan3A = arith.constant 0 : i32
    %scan3A_36 = arith.constant 0 : i32
    %scan3A_37 = arith.constant 32 : i32
    %scan3A_38 = arith.addi %scan3A_36, %scan3A_37 : i32
    %scan3A_39 = arith.constant 1 : i32
    %scan3A_40 = scf.for %scan3A_47 = %scan3A_36 to %scan3A_38 step %scan3A_39 iter_args(%scan3A_48 = %scan3A) -> (i32)  : i32 {
      %mul3A_49 = arith.constant 32 : i32
      %mul3A_50 = arith.muli %add3A, %mul3A_49 : i32
      %add3A_51 = arith.addi %mul3A_50, %scan3A_47 : i32
      "tpu.region"() ({
        %run_scoped3A = tpu.sem_alloc : memref<!tpu.dma_semaphore, #tpu.memory_space<semaphore_mem>>
        %dma_start3A = arith.constant 0 : i32
        %dma_start3A_330 = tpu.memref_slice %arg5[%add3A_51, %dma_start3A] : memref<1024x384xf32, #tpu.memory_space<hbm>> -> memref<1x384xf32, #tpu.memory_space<hbm>>
        %dma_start3A_331 = tpu.memref_squeeze %dma_start3A_330 : memref<1x384xf32, #tpu.memory_space<hbm>> -> memref<384xf32, #tpu.memory_space<hbm>>
        %dma_start3A_332 = arith.constant 0 : i32
        %dma_start3A_333 = tpu.memref_slice %arg5[%add3A_51, %dma_start3A_332] : memref<1024x384xf32, #tpu.memory_space<hbm>> -> memref<1x384xf32, #tpu.memory_space<hbm>>
        %dma_start3A_334 = tpu.memref_squeeze %dma_start3A_333 : memref<1x384xf32, #tpu.memory_space<hbm>> -> memref<384xf32, #tpu.memory_space<hbm>>
        tpu.enqueue_dma source(%dma_start3A_334 : memref<384xf32, #tpu.memory_space<hbm>>) target(%arg12 : memref<384xf32, #tpu.memory_space<vmem>>) target_semaphore(%run_scoped3A : memref<!tpu.dma_semaphore, #tpu.memory_space<semaphore_mem>>)
        %dma_wait3A_335 = arith.constant 0 : i32
        %dma_wait3A_336 = tpu.memref_slice %arg5[%add3A_51, %dma_wait3A_335] : memref<1024x384xf32, #tpu.memory_space<hbm>> -> memref<1x384xf32, #tpu.memory_space<hbm>>
        %dma_wait3A_337 = tpu.memref_squeeze %dma_wait3A_336 : memref<1x384xf32, #tpu.memory_space<hbm>> -> memref<384xf32, #tpu.memory_space<hbm>>
        %dma_wait3A_338 = arith.constant 0 : i32
        %dma_wait3A_339 = tpu.memref_slice %arg5[%add3A_51, %dma_wait3A_338] : memref<1024x384xf32, #tpu.memory_space<hbm>> -> memref<1x384xf32, #tpu.memory_space<hbm>>
        %dma_wait3A_340 = tpu.memref_squeeze %dma_wait3A_339 : memref<1x384xf32, #tpu.memory_space<hbm>> -> memref<384xf32, #tpu.memory_space<hbm>>
        tpu.wait_dma2 semaphore(%run_scoped3A : memref<!tpu.dma_semaphore, #tpu.memory_space<semaphore_mem>>) src(%dma_wait3A_340 : memref<384xf32, #tpu.memory_space<hbm>>) dst(%arg12 : memref<384xf32, #tpu.memory_space<vmem>>)
        tpu.yield
      }) : () -> ()
      %get3A_52 = arith.index_cast %scan3A_47 : i32 to index
      %get3A_53 = arith.constant 0 : index
      %get3A_54 = tpu.vector_load %arg10[%get3A_52, %get3A_53] {strides = array<i32>} : memref<32x256xf32, #tpu.memory_space<vmem>>, vector<16xf32>,
      %get3A_55 = arith.index_cast %scan3A_47 : i32 to index
      %get3A_56 = arith.constant 16 : index
      %get3A_57 = tpu.vector_load %arg10[%get3A_55, %get3A_56] {strides = array<i32>} : memref<32x256xf32, #tpu.memory_space<vmem>>, vector<16xf32>,
      %get3A_58 = arith.index_cast %scan3A_47 : i32 to index
      %get3A_59 = arith.constant 32 : index
      %get3A_60 = tpu.vector_load %arg10[%get3A_58, %get3A_59] {strides = array<i32>} : memref<32x256xf32, #tpu.memory_space<vmem>>, vector<16xf32>,
      %get3A_61 = arith.index_cast %scan3A_47 : i32 to index
      %get3A_62 = arith.constant 48 : index
      %get3A_63 = tpu.vector_load %arg10[%get3A_61, %get3A_62] {strides = array<i32>} : memref<32x256xf32, #tpu.memory_space<vmem>>, vector<16xf32>,
      %get3A_64 = arith.index_cast %scan3A_47 : i32 to index
      %get3A_65 = arith.constant 64 : index
      %get3A_66 = tpu.vector_load %arg10[%get3A_64, %get3A_65] {strides = array<i32>} : memref<32x256xf32, #tpu.memory_space<vmem>>, vector<16xf32>,
      %get3A_67 = arith.index_cast %scan3A_47 : i32 to index
      %get3A_68 = arith.constant 80 : index
      %get3A_69 = tpu.vector_load %arg10[%get3A_67, %get3A_68] {strides = array<i32>} : memref<32x256xf32, #tpu.memory_space<vmem>>, vector<16xf32>,
      %get3A_70 = arith.index_cast %scan3A_47 : i32 to index
      %get3A_71 = arith.constant 96 : index
      %get3A_72 = tpu.vector_load %arg10[%get3A_70, %get3A_71] {strides = array<i32>} : memref<32x256xf32, #tpu.memory_space<vmem>>, vector<16xf32>,
      %get3A_73 = arith.index_cast %scan3A_47 : i32 to index
      %get3A_74 = arith.constant 112 : index
      %get3A_75 = tpu.vector_load %arg10[%get3A_73, %get3A_74] {strides = array<i32>} : memref<32x256xf32, #tpu.memory_space<vmem>>, vector<16xf32>,
      %get3A_76 = arith.index_cast %scan3A_47 : i32 to index
      %get3A_77 = arith.constant 128 : index
      %get3A_78 = tpu.vector_load %arg10[%get3A_76, %get3A_77] {strides = array<i32>} : memref<32x256xf32, #tpu.memory_space<vmem>>, vector<16xf32>,
      %get3A_79 = arith.index_cast %scan3A_47 : i32 to index
      %get3A_80 = arith.constant 144 : index
      %get3A_81 = tpu.vector_load %arg10[%get3A_79, %get3A_80] {strides = array<i32>} : memref<32x256xf32, #tpu.memory_space<vmem>>, vector<16xf32>,
      %gt3A = arith.cmpf ogt, %convert_element_type3A, %get3A_72 : vector<16xf32>
      %add3A_82 = arith.addf %get3A_63, %convert_element_type3A : vector<16xf32>
      %sub3A = arith.subf %add3A_82, %get3A_54 : vector<16xf32>
      %bitcast_convert_type3A = tpu.bitcast %sub3A : vector<16xf32> -> vector<16xi32>
      %shift_right_logical3A = arith.constant 16 : i32
      %shift_right_logical3A_83 = vector.broadcast %shift_right_logical3A : i32 to vector<16xi32>
      %shift_right_logical3A_84 = arith.shrui %bitcast_convert_type3A, %shift_right_logical3A_83 : vector<16xi32>
      %and3A = arith.constant 1 : i32
      %and3A_85 = vector.broadcast %and3A : i32 to vector<16xi32>
      %and3A_86 = arith.andi %shift_right_logical3A_84, %and3A_85 : vector<16xi32>
      %add3A_87 = arith.constant 32767 : i32
      %add3A_88 = vector.broadcast %add3A_87 : i32 to vector<16xi32>
      %add3A_89 = arith.addi %bitcast_convert_type3A, %add3A_88 : vector<16xi32>
      %add3A_90 = arith.addi %add3A_89, %and3A_86 : vector<16xi32>
      %and3A_91 = arith.constant -65536 : i32
      %and3A_92 = vector.broadcast %and3A_91 : i32 to vector<16xi32>
      %and3A_93 = arith.andi %add3A_90, %and3A_92 : vector<16xi32>
      %bitcast_convert_type3A_94 = tpu.bitcast %and3A_93 : vector<16xi32> -> vector<16xf32>
      %select_n3A = arith.select %gt3A, %broadcast_in_dim3A_33, %bitcast_convert_type3A_94 : vector<16xi1>, vector<16xf32>
      %gt3A_95 = arith.cmpf ogt, %convert_element_type3A, %get3A_75 : vector<16xf32>
      %add3A_96 = arith.addf %get3A_66, %convert_element_type3A : vector<16xf32>
      %sub3A_97 = arith.subf %add3A_96, %get3A_57 : vector<16xf32>
      %bitcast_convert_type3A_98 = tpu.bitcast %sub3A_97 : vector<16xf32> -> vector<16xi32>
      %shift_right_logical3A_99 = arith.constant 16 : i32
      %shift_right_logical3A_100 = vector.broadcast %shift_right_logical3A_99 : i32 to vector<16xi32>
      %shift_right_logical3A_101 = arith.shrui %bitcast_convert_type3A_98, %shift_right_logical3A_100 : vector<16xi32>
      %and3A_102 = arith.constant 1 : i32
      %and3A_103 = vector.broadcast %and3A_102 : i32 to vector<16xi32>
      %and3A_104 = arith.andi %shift_right_logical3A_101, %and3A_103 : vector<16xi32>
      %add3A_105 = arith.constant 32767 : i32
      %add3A_106 = vector.broadcast %add3A_105 : i32 to vector<16xi32>
      %add3A_107 = arith.addi %bitcast_convert_type3A_98, %add3A_106 : vector<16xi32>
      %add3A_108 = arith.addi %add3A_107, %and3A_104 : vector<16xi32>
      %and3A_109 = arith.constant -65536 : i32
      %and3A_110 = vector.broadcast %and3A_109 : i32 to vector<16xi32>
      %and3A_111 = arith.andi %add3A_108, %and3A_110 : vector<16xi32>
      %bitcast_convert_type3A_112 = tpu.bitcast %and3A_111 : vector<16xi32> -> vector<16xf32>
      %select_n3A_113 = arith.select %gt3A_95, %broadcast_in_dim3A_33, %bitcast_convert_type3A_112 : vector<16xi1>, vector<16xf32>
      %gt3A_114 = arith.cmpf ogt, %convert_element_type3A, %get3A_78 : vector<16xf32>
      %add3A_115 = arith.addf %get3A_69, %convert_element_type3A : vector<16xf32>
      %sub3A_116 = arith.subf %add3A_115, %get3A_60 : vector<16xf32>
      %bitcast_convert_type3A_117 = tpu.bitcast %sub3A_116 : vector<16xf32> -> vector<16xi32>
      %shift_right_logical3A_118 = arith.constant 16 : i32
      %shift_right_logical3A_119 = vector.broadcast %shift_right_logical3A_118 : i32 to vector<16xi32>
      %shift_right_logical3A_120 = arith.shrui %bitcast_convert_type3A_117, %shift_right_logical3A_119 : vector<16xi32>
      %and3A_121 = arith.constant 1 : i32
      %and3A_122 = vector.broadcast %and3A_121 : i32 to vector<16xi32>
      %and3A_123 = arith.andi %shift_right_logical3A_120, %and3A_122 : vector<16xi32>
      %add3A_124 = arith.constant 32767 : i32
      %add3A_125 = vector.broadcast %add3A_124 : i32 to vector<16xi32>
      %add3A_126 = arith.addi %bitcast_convert_type3A_117, %add3A_125 : vector<16xi32>
      %add3A_127 = arith.addi %add3A_126, %and3A_123 : vector<16xi32>
      %and3A_128 = arith.constant -65536 : i32
      %and3A_129 = vector.broadcast %and3A_128 : i32 to vector<16xi32>
      %and3A_130 = arith.andi %add3A_127, %and3A_129 : vector<16xi32>
      %bitcast_convert_type3A_131 = tpu.bitcast %and3A_130 : vector<16xi32> -> vector<16xf32>
      %select_n3A_132 = arith.select %gt3A_114, %broadcast_in_dim3A_33, %bitcast_convert_type3A_131 : vector<16xi1>, vector<16xf32>
      %convert_element_type3A_133 = arith.fptosi %get3A_63 : vector<16xf32> to vector<16xi32>
      %convert_element_type3A_134 = arith.fptosi %get3A_66 : vector<16xf32> to vector<16xi32>
      %convert_element_type3A_135 = arith.fptosi %get3A_69 : vector<16xf32> to vector<16xi32>
      %add3A_136 = arith.addi %convert_element_type3A_133, %iota3A : vector<16xi32>
      %rem3A = arith.constant 96 : i32
      %rem3A_137 = vector.broadcast %rem3A : i32 to vector<16xi32>
      %rem3A_138 = arith.remsi %add3A_136, %rem3A_137 : vector<16xi32>
      %lt3A = arith.constant 0 : i32
      %lt3A_139 = vector.broadcast %lt3A : i32 to vector<16xi32>
      %lt3A_140 = arith.cmpi slt, %rem3A_138, %lt3A_139 : vector<16xi32>
      %add3A_141 = arith.constant 96 : i32
      %add3A_142 = vector.broadcast %add3A_141 : i32 to vector<16xi32>
      %add3A_143 = arith.addi %rem3A_138, %add3A_142 : vector<16xi32>
      %select_n3A_144 = arith.select %lt3A_140, %add3A_143, %rem3A_138 : vector<16xi1>, vector<16xi32>
      %mul3A_145 = arith.constant 9216 : i32
      %mul3A_146 = vector.broadcast %mul3A_145 : i32 to vector<16xi32>
      %mul3A_147 = arith.muli %select_n3A_144, %mul3A_146 : vector<16xi32>
      %add3A_148 = arith.addi %convert_element_type3A_134, %iota3A : vector<16xi32>
      %rem3A_149 = arith.constant 96 : i32
      %rem3A_150 = vector.broadcast %rem3A_149 : i32 to vector<16xi32>
      %rem3A_151 = arith.remsi %add3A_148, %rem3A_150 : vector<16xi32>
      %lt3A_152 = arith.constant 0 : i32
      %lt3A_153 = vector.broadcast %lt3A_152 : i32 to vector<16xi32>
      %lt3A_154 = arith.cmpi slt, %rem3A_151, %lt3A_153 : vector<16xi32>
      %add3A_155 = arith.constant 96 : i32
      %add3A_156 = vector.broadcast %add3A_155 : i32 to vector<16xi32>
      %add3A_157 = arith.addi %rem3A_151, %add3A_156 : vector<16xi32>
      %select_n3A_158 = arith.select %lt3A_154, %add3A_157, %rem3A_151 : vector<16xi1>, vector<16xi32>
      %mul3A_159 = arith.constant 96 : i32
      %mul3A_160 = vector.broadcast %mul3A_159 : i32 to vector<16xi32>
      %mul3A_161 = arith.muli %select_n3A_158, %mul3A_160 : vector<16xi32>
      %add3A_162 = arith.addi %convert_element_type3A_135, %iota3A : vector<16xi32>
      %rem3A_163 = arith.constant 96 : i32
      %rem3A_164 = vector.broadcast %rem3A_163 : i32 to vector<16xi32>
      %rem3A_165 = arith.remsi %add3A_162, %rem3A_164 : vector<16xi32>
      %lt3A_166 = arith.constant 0 : i32
      %lt3A_167 = vector.broadcast %lt3A_166 : i32 to vector<16xi32>
      %lt3A_168 = arith.cmpi slt, %rem3A_165, %lt3A_167 : vector<16xi32>
      %add3A_169 = arith.constant 96 : i32
      %add3A_170 = vector.broadcast %add3A_169 : i32 to vector<16xi32>
      %add3A_171 = arith.addi %rem3A_165, %add3A_170 : vector<16xi32>
      %select_n3A_172 = arith.select %lt3A_168, %add3A_171, %rem3A_165 : vector<16xi1>, vector<16xi32>
      %swap3A = arith.constant 0 : index
      %swap3A_173 = tpu.vector_load %arg14[%swap3A] {strides = array<i32>} : memref<384xf32, #tpu.memory_space<vmem>>, vector<16xf32>,
      tpu.vector_store %arg14[%swap3A], %select_n3A {strides = array<i32>} : memref<384xf32, #tpu.memory_space<vmem>>, vector<16xf32>,
      %swap3A_174 = arith.constant 128 : index
      %swap3A_175 = tpu.vector_load %arg14[%swap3A_174] {strides = array<i32>} : memref<384xf32, #tpu.memory_space<vmem>>, vector<16xf32>,
      tpu.vector_store %arg14[%swap3A_174], %select_n3A_113 {strides = array<i32>} : memref<384xf32, #tpu.memory_space<vmem>>, vector<16xf32>,
      %swap3A_176 = arith.constant 256 : index
      %swap3A_177 = tpu.vector_load %arg14[%swap3A_176] {strides = array<i32>} : memref<384xf32, #tpu.memory_space<vmem>>, vector<16xf32>,
      tpu.vector_store %arg14[%swap3A_176], %select_n3A_132 {strides = array<i32>} : memref<384xf32, #tpu.memory_space<vmem>>, vector<16xf32>,
      %swap3A_178 = arith.constant 0 : index
      %swap3A_179 = tpu.vector_load %arg15[%swap3A_178] {strides = array<i32>} : memref<384xi32, #tpu.memory_space<vmem>>, vector<16xi32>,
      tpu.vector_store %arg15[%swap3A_178], %mul3A_147 {strides = array<i32>} : memref<384xi32, #tpu.memory_space<vmem>>, vector<16xi32>,
      %swap3A_180 = arith.constant 128 : index
      %swap3A_181 = tpu.vector_load %arg15[%swap3A_180] {strides = array<i32>} : memref<384xi32, #tpu.memory_space<vmem>>, vector<16xi32>,
      tpu.vector_store %arg15[%swap3A_180], %mul3A_161 {strides = array<i32>} : memref<384xi32, #tpu.memory_space<vmem>>, vector<16xi32>,
      %swap3A_182 = arith.constant 256 : index
      %swap3A_183 = tpu.vector_load %arg15[%swap3A_182] {strides = array<i32>} : memref<384xi32, #tpu.memory_space<vmem>>, vector<16xi32>,
      tpu.vector_store %arg15[%swap3A_182], %select_n3A_172 {strides = array<i32>} : memref<384xi32, #tpu.memory_space<vmem>>, vector<16xi32>,
      %parallel_loop3A = arith.constant 0 : i32
      %parallel_loop3A_184 = arith.constant 18 : i32
      %parallel_loop3A_185 = arith.constant 1 : i32
      scf.for %parallel_loop3A_330 = %parallel_loop3A to %parallel_loop3A_184 step %parallel_loop3A_185  : i32 {
        %parallel_loop3A_331 = arith.constant 128 : i32
        %parallel_loop3A_332 = arith.muli %parallel_loop3A_330, %parallel_loop3A_331 : i32
        %parallel_loop3A_333 = arith.constant 0 : i32
        %parallel_loop3A_334 = arith.addi %parallel_loop3A_332, %parallel_loop3A_333 : i32
        %parallel_loop3A_335 = arith.constant 0 : i32
        %parallel_loop3A_336 = arith.index_cast %parallel_loop3A_335 : i32 to index
        %parallel_loop3A_337 = arith.index_cast %parallel_loop3A_334 : i32 to index
        %parallel_loop3A_338 = tpu.vector_load %arg9[%parallel_loop3A_336, %parallel_loop3A_337] {strides = array<i32>} : memref<3x2304xi32, #tpu.memory_space<vmem>>, vector<16xi32>,
        %parallel_loop3A_339 = arith.constant 1 : i32
        %parallel_loop3A_340 = arith.index_cast %parallel_loop3A_339 : i32 to index
        %parallel_loop3A_341 = arith.index_cast %parallel_loop3A_334 : i32 to index
        %parallel_loop3A_342 = tpu.vector_load %arg9[%parallel_loop3A_340, %parallel_loop3A_341] {strides = array<i32>} : memref<3x2304xi32, #tpu.memory_space<vmem>>, vector<16xi32>,
        %parallel_loop3A_343 = arith.constant 2 : i32
        %parallel_loop3A_344 = arith.index_cast %parallel_loop3A_343 : i32 to index
        %parallel_loop3A_345 = arith.index_cast %parallel_loop3A_334 : i32 to index
        %parallel_loop3A_346 = tpu.vector_load %arg9[%parallel_loop3A_344, %parallel_loop3A_345] {strides = array<i32>} : memref<3x2304xi32, #tpu.memory_space<vmem>>, vector<16xi32>,
        %parallel_loop3A_347 = tpu.vector_load_idx %arg14[%parallel_loop3A_338] : memref<384xf32, #tpu.memory_space<vmem>>[vector<16xi32>], vector<16xf32>,
        %parallel_loop3A_348 = tpu.vector_load_idx %arg14[%parallel_loop3A_342] : memref<384xf32, #tpu.memory_space<vmem>>[vector<16xi32>], vector<16xf32>,
        %parallel_loop3A_349 = tpu.vector_load_idx %arg14[%parallel_loop3A_346] : memref<384xf32, #tpu.memory_space<vmem>>[vector<16xi32>], vector<16xf32>,
        %parallel_loop3A_350 = arith.mulf %parallel_loop3A_347, %get3A_5 : vector<16xf32>
        %parallel_loop3A_351 = arith.mulf %parallel_loop3A_348, %get3A_7 : vector<16xf32>
        %parallel_loop3A_352 = arith.addf %parallel_loop3A_350, %parallel_loop3A_351 : vector<16xf32>
        %parallel_loop3A_353 = arith.mulf %parallel_loop3A_349, %get3A_9 : vector<16xf32>
        %parallel_loop3A_354 = arith.addf %parallel_loop3A_352, %parallel_loop3A_353 : vector<16xf32>
        %parallel_loop3A_355 = arith.mulf %parallel_loop3A_347, %get3A_11 : vector<16xf32>
        %parallel_loop3A_356 = arith.mulf %parallel_loop3A_348, %get3A_13 : vector<16xf32>
        %parallel_loop3A_357 = arith.addf %parallel_loop3A_355, %parallel_loop3A_356 : vector<16xf32>
        %parallel_loop3A_358 = arith.mulf %parallel_loop3A_349, %get3A_15 : vector<16xf32>
        %parallel_loop3A_359 = arith.addf %parallel_loop3A_357, %parallel_loop3A_358 : vector<16xf32>
        %parallel_loop3A_360 = arith.mulf %parallel_loop3A_347, %get3A_17 : vector<16xf32>
        %parallel_loop3A_361 = arith.mulf %parallel_loop3A_348, %get3A_19 : vector<16xf32>
        %parallel_loop3A_362 = arith.addf %parallel_loop3A_360, %parallel_loop3A_361 : vector<16xf32>
        %parallel_loop3A_363 = arith.mulf %parallel_loop3A_349, %get3A_21 : vector<16xf32>
        %parallel_loop3A_364 = arith.addf %parallel_loop3A_362, %parallel_loop3A_363 : vector<16xf32>
        %parallel_loop3A_365 = arith.mulf %parallel_loop3A_354, %parallel_loop3A_354 : vector<16xf32>
        %parallel_loop3A_366 = arith.mulf %parallel_loop3A_359, %parallel_loop3A_359 : vector<16xf32>
        %parallel_loop3A_367 = arith.addf %parallel_loop3A_365, %parallel_loop3A_366 : vector<16xf32>
        %parallel_loop3A_368 = arith.mulf %parallel_loop3A_364, %parallel_loop3A_364 : vector<16xf32>
        %parallel_loop3A_369 = arith.addf %parallel_loop3A_367, %parallel_loop3A_368 : vector<16xf32>
        %parallel_loop3A_370 = arith.constant 9.99999996E-13 : f32
        %parallel_loop3A_371 = vector.broadcast %parallel_loop3A_370 : f32 to vector<16xf32>
        %parallel_loop3A_372 = arith.maximumf %parallel_loop3A_369, %parallel_loop3A_371 : vector<16xf32>
        %parallel_loop3A_373 = tpu.bitcast %parallel_loop3A_372 : vector<16xf32> -> vector<16xi32>
        %parallel_loop3A_374 = arith.constant 1 : i32
        %parallel_loop3A_375 = vector.broadcast %parallel_loop3A_374 : i32 to vector<16xi32>
        %parallel_loop3A_376 = arith.shrsi %parallel_loop3A_373, %parallel_loop3A_375 : vector<16xi32>
        %parallel_loop3A_377 = arith.subi %broadcast_in_dim3A_31, %parallel_loop3A_376 : vector<16xi32>
        %parallel_loop3A_378 = tpu.bitcast %parallel_loop3A_377 : vector<16xi32> -> vector<16xf32>
        %parallel_loop3A_379 = arith.mulf %broadcast_in_dim3A_27, %parallel_loop3A_372 : vector<16xf32>
        %parallel_loop3A_380 = arith.mulf %parallel_loop3A_379, %parallel_loop3A_378 : vector<16xf32>
        %parallel_loop3A_381 = arith.mulf %parallel_loop3A_380, %parallel_loop3A_378 : vector<16xf32>
        %parallel_loop3A_382 = arith.subf %broadcast_in_dim3A_29, %parallel_loop3A_381 : vector<16xf32>
        %parallel_loop3A_383 = arith.mulf %parallel_loop3A_378, %parallel_loop3A_382 : vector<16xf32>
        %parallel_loop3A_384 = arith.mulf %parallel_loop3A_379, %parallel_loop3A_383 : vector<16xf32>
        %parallel_loop3A_385 = arith.mulf %parallel_loop3A_384, %parallel_loop3A_383 : vector<16xf32>
        %parallel_loop3A_386 = arith.subf %broadcast_in_dim3A_29, %parallel_loop3A_385 : vector<16xf32>
        %parallel_loop3A_387 = arith.mulf %parallel_loop3A_383, %parallel_loop3A_386 : vector<16xf32>
        %parallel_loop3A_388 = arith.mulf %parallel_loop3A_372, %parallel_loop3A_387 : vector<16xf32>
        %parallel_loop3A_389 = arith.minimumf %parallel_loop3A_388, %broadcast_in_dim3A_35 : vector<16xf32>
        %parallel_loop3A_390 = arith.mulf %parallel_loop3A_389, %broadcast_in_dim3A_25 : vector<16xf32>
        %parallel_loop3A_391 = arith.fptosi %parallel_loop3A_390 : vector<16xf32> to vector<16xi32>
        %parallel_loop3A_392 = tpu.vector_load_idx %arg13[%parallel_loop3A_391] : memref<512xf32, #tpu.memory_space<vmem>>[vector<16xi32>], vector<16xf32>,
        %parallel_loop3A_393 = arith.constant 1 : i32
        %parallel_loop3A_394 = vector.broadcast %parallel_loop3A_393 : i32 to vector<16xi32>
        %parallel_loop3A_395 = arith.addi %parallel_loop3A_391, %parallel_loop3A_394 : vector<16xi32>
        %parallel_loop3A_396 = tpu.vector_load_idx %arg13[%parallel_loop3A_395] : memref<512xf32, #tpu.memory_space<vmem>>[vector<16xi32>], vector<16xf32>,
        %parallel_loop3A_397 = arith.cmpf oge, %parallel_loop3A_372, %parallel_loop3A_396 : vector<16xf32>
        %parallel_loop3A_398 = arith.extui %parallel_loop3A_397 : vector<16xi1> to vector<16xi32>
        %parallel_loop3A_399 = arith.cmpf olt, %parallel_loop3A_372, %parallel_loop3A_392 : vector<16xf32>
        %parallel_loop3A_400 = arith.extui %parallel_loop3A_399 : vector<16xi1> to vector<16xi32>
        %parallel_loop3A_401 = arith.addi %parallel_loop3A_391, %parallel_loop3A_398 : vector<16xi32>
        %parallel_loop3A_402 = arith.subi %parallel_loop3A_401, %parallel_loop3A_400 : vector<16xi32>
        %parallel_loop3A_403 = arith.constant 300 : i32
        %parallel_loop3A_404 = vector.broadcast %parallel_loop3A_403 : i32 to vector<16xi32>
        %parallel_loop3A_405 = arith.minsi %parallel_loop3A_402, %parallel_loop3A_404 : vector<16xi32>
        %parallel_loop3A_406 = tpu.vector_load_idx %arg12[%parallel_loop3A_405] : memref<384xf32, #tpu.memory_space<vmem>>[vector<16xi32>], vector<16xf32>,
        %parallel_loop3A_407 = arith.cmpf ole, %parallel_loop3A_369, %broadcast_in_dim3A_22 : vector<16xf32>
        %parallel_loop3A_408 = arith.mulf %parallel_loop3A_406, %get3A_81 : vector<16xf32>
        %parallel_loop3A_409 = arith.constant 0.000000e+00 : f32
        %parallel_loop3A_410 = vector.broadcast %parallel_loop3A_409 : f32 to vector<16xf32>
        %parallel_loop3A_411 = arith.select %parallel_loop3A_407, %parallel_loop3A_408, %parallel_loop3A_410 : vector<16xi1>, vector<16xf32>
        %parallel_loop3A_412 = tpu.vector_load_idx %arg15[%parallel_loop3A_338] : memref<384xi32, #tpu.memory_space<vmem>>[vector<16xi32>], vector<16xi32>,
        %parallel_loop3A_413 = tpu.vector_load_idx %arg15[%parallel_loop3A_342] : memref<384xi32, #tpu.memory_space<vmem>>[vector<16xi32>], vector<16xi32>,
        %parallel_loop3A_414 = tpu.vector_load_idx %arg15[%parallel_loop3A_346] : memref<384xi32, #tpu.memory_space<vmem>>[vector<16xi32>], vector<16xi32>,
        %parallel_loop3A_415 = arith.addi %parallel_loop3A_412, %parallel_loop3A_413 : vector<16xi32>
        %parallel_loop3A_416 = arith.addi %parallel_loop3A_415, %parallel_loop3A_414 : vector<16xi32>
        %parallel_loop3A_417 = arith.index_cast %parallel_loop3A_334 : i32 to index
        %parallel_loop3A_418 = tpu.vector_load %arg16[%parallel_loop3A_417] {strides = array<i32>} : memref<2304xf32, #tpu.memory_space<vmem>>, vector<16xf32>,
        tpu.vector_store %arg16[%parallel_loop3A_417], %parallel_loop3A_411 {strides = array<i32>} : memref<2304xf32, #tpu.memory_space<vmem>>, vector<16xf32>,
        %parallel_loop3A_419 = arith.index_cast %parallel_loop3A_330 : i32 to index
        %parallel_loop3A_420 = arith.constant 0 : index
        %parallel_loop3A_421 = tpu.vector_load %arg17[%parallel_loop3A_419, %parallel_loop3A_420] {strides = array<i32>} : memref<18x128xi32, #tpu.memory_space<vmem>>, vector<16xi32>,
        tpu.vector_store %arg17[%parallel_loop3A_419, %parallel_loop3A_420], %parallel_loop3A_416 {strides = array<i32>} : memref<18x128xi32, #tpu.memory_space<vmem>>, vector<16xi32>,
        %parallel_loop3A_422 = arith.constant 128 : i32
        %parallel_loop3A_423 = arith.muli %parallel_loop3A_330, %parallel_loop3A_422 : i32
        %parallel_loop3A_424 = arith.constant 16 : i32
        %parallel_loop3A_425 = arith.addi %parallel_loop3A_423, %parallel_loop3A_424 : i32
        %parallel_loop3A_426 = arith.constant 0 : i32
        %parallel_loop3A_427 = arith.index_cast %parallel_loop3A_426 : i32 to index
        %parallel_loop3A_428 = arith.index_cast %parallel_loop3A_425 : i32 to index
        %parallel_loop3A_429 = tpu.vector_load %arg9[%parallel_loop3A_427, %parallel_loop3A_428] {strides = array<i32>} : memref<3x2304xi32, #tpu.memory_space<vmem>>, vector<16xi32>,
        %parallel_loop3A_430 = arith.constant 1 : i32
        %parallel_loop3A_431 = arith.index_cast %parallel_loop3A_430 : i32 to index
        %parallel_loop3A_432 = arith.index_cast %parallel_loop3A_425 : i32 to index
        %parallel_loop3A_433 = tpu.vector_load %arg9[%parallel_loop3A_431, %parallel_loop3A_432] {strides = array<i32>} : memref<3x2304xi32, #tpu.memory_space<vmem>>, vector<16xi32>,
        %parallel_loop3A_434 = arith.constant 2 : i32
        %parallel_loop3A_435 = arith.index_cast %parallel_loop3A_434 : i32 to index
        %parallel_loop3A_436 = arith.index_cast %parallel_loop3A_425 : i32 to index
        %parallel_loop3A_437 = tpu.vector_load %arg9[%parallel_loop3A_435, %parallel_loop3A_436] {strides = array<i32>} : memref<3x2304xi32, #tpu.memory_space<vmem>>, vector<16xi32>,
        %parallel_loop3A_438 = tpu.vector_load_idx %arg14[%parallel_loop3A_429] : memref<384xf32, #tpu.memory_space<vmem>>[vector<16xi32>], vector<16xf32>,
        %parallel_loop3A_439 = tpu.vector_load_idx %arg14[%parallel_loop3A_433] : memref<384xf32, #tpu.memory_space<vmem>>[vector<16xi32>], vector<16xf32>,
        %parallel_loop3A_440 = tpu.vector_load_idx %arg14[%parallel_loop3A_437] : memref<384xf32, #tpu.memory_space<vmem>>[vector<16xi32>], vector<16xf32>,
        %parallel_loop3A_441 = arith.mulf %parallel_loop3A_438, %get3A_5 : vector<16xf32>
        %parallel_loop3A_442 = arith.mulf %parallel_loop3A_439, %get3A_7 : vector<16xf32>
        %parallel_loop3A_443 = arith.addf %parallel_loop3A_441, %parallel_loop3A_442 : vector<16xf32>
        %parallel_loop3A_444 = arith.mulf %parallel_loop3A_440, %get3A_9 : vector<16xf32>
        %parallel_loop3A_445 = arith.addf %parallel_loop3A_443, %parallel_loop3A_444 : vector<16xf32>
        %parallel_loop3A_446 = arith.mulf %parallel_loop3A_438, %get3A_11 : vector<16xf32>
        %parallel_loop3A_447 = arith.mulf %parallel_loop3A_439, %get3A_13 : vector<16xf32>
        %parallel_loop3A_448 = arith.addf %parallel_loop3A_446, %parallel_loop3A_447 : vector<16xf32>
        %parallel_loop3A_449 = arith.mulf %parallel_loop3A_440, %get3A_15 : vector<16xf32>
        %parallel_loop3A_450 = arith.addf %parallel_loop3A_448, %parallel_loop3A_449 : vector<16xf32>
        %parallel_loop3A_451 = arith.mulf %parallel_loop3A_438, %get3A_17 : vector<16xf32>
        %parallel_loop3A_452 = arith.mulf %parallel_loop3A_439, %get3A_19 : vector<16xf32>
        %parallel_loop3A_453 = arith.addf %parallel_loop3A_451, %parallel_loop3A_452 : vector<16xf32>
        %parallel_loop3A_454 = arith.mulf %parallel_loop3A_440, %get3A_21 : vector<16xf32>
        %parallel_loop3A_455 = arith.addf %parallel_loop3A_453, %parallel_loop3A_454 : vector<16xf32>
        %parallel_loop3A_456 = arith.mulf %parallel_loop3A_445, %parallel_loop3A_445 : vector<16xf32>
        %parallel_loop3A_457 = arith.mulf %parallel_loop3A_450, %parallel_loop3A_450 : vector<16xf32>
        %parallel_loop3A_458 = arith.addf %parallel_loop3A_456, %parallel_loop3A_457 : vector<16xf32>
        %parallel_loop3A_459 = arith.mulf %parallel_loop3A_455, %parallel_loop3A_455 : vector<16xf32>
        %parallel_loop3A_460 = arith.addf %parallel_loop3A_458, %parallel_loop3A_459 : vector<16xf32>
        %parallel_loop3A_461 = arith.constant 9.99999996E-13 : f32
        %parallel_loop3A_462 = vector.broadcast %parallel_loop3A_461 : f32 to vector<16xf32>
        %parallel_loop3A_463 = arith.maximumf %parallel_loop3A_460, %parallel_loop3A_462 : vector<16xf32>
        %parallel_loop3A_464 = tpu.bitcast %parallel_loop3A_463 : vector<16xf32> -> vector<16xi32>
        %parallel_loop3A_465 = arith.constant 1 : i32
        %parallel_loop3A_466 = vector.broadcast %parallel_loop3A_465 : i32 to vector<16xi32>
        %parallel_loop3A_467 = arith.shrsi %parallel_loop3A_464, %parallel_loop3A_466 : vector<16xi32>
        %parallel_loop3A_468 = arith.subi %broadcast_in_dim3A_31, %parallel_loop3A_467 : vector<16xi32>
        %parallel_loop3A_469 = tpu.bitcast %parallel_loop3A_468 : vector<16xi32> -> vector<16xf32>
        %parallel_loop3A_470 = arith.mulf %broadcast_in_dim3A_27, %parallel_loop3A_463 : vector<16xf32>
        %parallel_loop3A_471 = arith.mulf %parallel_loop3A_470, %parallel_loop3A_469 : vector<16xf32>
        %parallel_loop3A_472 = arith.mulf %parallel_loop3A_471, %parallel_loop3A_469 : vector<16xf32>
        %parallel_loop3A_473 = arith.subf %broadcast_in_dim3A_29, %parallel_loop3A_472 : vector<16xf32>
        %parallel_loop3A_474 = arith.mulf %parallel_loop3A_469, %parallel_loop3A_473 : vector<16xf32>
        %parallel_loop3A_475 = arith.mulf %parallel_loop3A_470, %parallel_loop3A_474 : vector<16xf32>
        %parallel_loop3A_476 = arith.mulf %parallel_loop3A_475, %parallel_loop3A_474 : vector<16xf32>
        %parallel_loop3A_477 = arith.subf %broadcast_in_dim3A_29, %parallel_loop3A_476 : vector<16xf32>
        %parallel_loop3A_478 = arith.mulf %parallel_loop3A_474, %parallel_loop3A_477 : vector<16xf32>
        %parallel_loop3A_479 = arith.mulf %parallel_loop3A_463, %parallel_loop3A_478 : vector<16xf32>
        %parallel_loop3A_480 = arith.minimumf %parallel_loop3A_479, %broadcast_in_dim3A_35 : vector<16xf32>
        %parallel_loop3A_481 = arith.mulf %parallel_loop3A_480, %broadcast_in_dim3A_25 : vector<16xf32>
        %parallel_loop3A_482 = arith.fptosi %parallel_loop3A_481 : vector<16xf32> to vector<16xi32>
        %parallel_loop3A_483 = tpu.vector_load_idx %arg13[%parallel_loop3A_482] : memref<512xf32, #tpu.memory_space<vmem>>[vector<16xi32>], vector<16xf32>,
        %parallel_loop3A_484 = arith.constant 1 : i32
        %parallel_loop3A_485 = vector.broadcast %parallel_loop3A_484 : i32 to vector<16xi32>
        %parallel_loop3A_486 = arith.addi %parallel_loop3A_482, %parallel_loop3A_485 : vector<16xi32>
        %parallel_loop3A_487 = tpu.vector_load_idx %arg13[%parallel_loop3A_486] : memref<512xf32, #tpu.memory_space<vmem>>[vector<16xi32>], vector<16xf32>,
        %parallel_loop3A_488 = arith.cmpf oge, %parallel_loop3A_463, %parallel_loop3A_487 : vector<16xf32>
        %parallel_loop3A_489 = arith.extui %parallel_loop3A_488 : vector<16xi1> to vector<16xi32>
        %parallel_loop3A_490 = arith.cmpf olt, %parallel_loop3A_463, %parallel_loop3A_483 : vector<16xf32>
        %parallel_loop3A_491 = arith.extui %parallel_loop3A_490 : vector<16xi1> to vector<16xi32>
        %parallel_loop3A_492 = arith.addi %parallel_loop3A_482, %parallel_loop3A_489 : vector<16xi32>
        %parallel_loop3A_493 = arith.subi %parallel_loop3A_492, %parallel_loop3A_491 : vector<16xi32>
        %parallel_loop3A_494 = arith.constant 300 : i32
        %parallel_loop3A_495 = vector.broadcast %parallel_loop3A_494 : i32 to vector<16xi32>
        %parallel_loop3A_496 = arith.minsi %parallel_loop3A_493, %parallel_loop3A_495 : vector<16xi32>
        %parallel_loop3A_497 = tpu.vector_load_idx %arg12[%parallel_loop3A_496] : memref<384xf32, #tpu.memory_space<vmem>>[vector<16xi32>], vector<16xf32>,
        %parallel_loop3A_498 = arith.cmpf ole, %parallel_loop3A_460, %broadcast_in_dim3A_22 : vector<16xf32>
        %parallel_loop3A_499 = arith.mulf %parallel_loop3A_497, %get3A_81 : vector<16xf32>
        %parallel_loop3A_500 = arith.constant 0.000000e+00 : f32
        %parallel_loop3A_501 = vector.broadcast %parallel_loop3A_500 : f32 to vector<16xf32>
        %parallel_loop3A_502 = arith.select %parallel_loop3A_498, %parallel_loop3A_499, %parallel_loop3A_501 : vector<16xi1>, vector<16xf32>
        %parallel_loop3A_503 = tpu.vector_load_idx %arg15[%parallel_loop3A_429] : memref<384xi32, #tpu.memory_space<vmem>>[vector<16xi32>], vector<16xi32>,
        %parallel_loop3A_504 = tpu.vector_load_idx %arg15[%parallel_loop3A_433] : memref<384xi32, #tpu.memory_space<vmem>>[vector<16xi32>], vector<16xi32>,
        %parallel_loop3A_505 = tpu.vector_load_idx %arg15[%parallel_loop3A_437] : memref<384xi32, #tpu.memory_space<vmem>>[vector<16xi32>], vector<16xi32>,
        %parallel_loop3A_506 = arith.addi %parallel_loop3A_503, %parallel_loop3A_504 : vector<16xi32>
        %parallel_loop3A_507 = arith.addi %parallel_loop3A_506, %parallel_loop3A_505 : vector<16xi32>
        %parallel_loop3A_508 = arith.index_cast %parallel_loop3A_425 : i32 to index
        %parallel_loop3A_509 = tpu.vector_load %arg16[%parallel_loop3A_508] {strides = array<i32>} : memref<2304xf32, #tpu.memory_space<vmem>>, vector<16xf32>,
        tpu.vector_store %arg16[%parallel_loop3A_508], %parallel_loop3A_502 {strides = array<i32>} : memref<2304xf32, #tpu.memory_space<vmem>>, vector<16xf32>,
        %parallel_loop3A_510 = arith.index_cast %parallel_loop3A_330 : i32 to index
        %parallel_loop3A_511 = arith.constant 16 : index
        %parallel_loop3A_512 = tpu.vector_load %arg17[%parallel_loop3A_510, %parallel_loop3A_511] {strides = array<i32>} : memref<18x128xi32, #tpu.memory_space<vmem>>, vector<16xi32>,
        tpu.vector_store %arg17[%parallel_loop3A_510, %parallel_loop3A_511], %parallel_loop3A_507 {strides = array<i32>} : memref<18x128xi32, #tpu.memory_space<vmem>>, vector<16xi32>,
        %parallel_loop3A_513 = arith.constant 128 : i32
        %parallel_loop3A_514 = arith.muli %parallel_loop3A_330, %parallel_loop3A_513 : i32
        %parallel_loop3A_515 = arith.constant 32 : i32
        %parallel_loop3A_516 = arith.addi %parallel_loop3A_514, %parallel_loop3A_515 : i32
        %parallel_loop3A_517 = arith.constant 0 : i32
        %parallel_loop3A_518 = arith.index_cast %parallel_loop3A_517 : i32 to index
        %parallel_loop3A_519 = arith.index_cast %parallel_loop3A_516 : i32 to index
        %parallel_loop3A_520 = tpu.vector_load %arg9[%parallel_loop3A_518, %parallel_loop3A_519] {strides = array<i32>} : memref<3x2304xi32, #tpu.memory_space<vmem>>, vector<16xi32>,
        %parallel_loop3A_521 = arith.constant 1 : i32
        %parallel_loop3A_522 = arith.index_cast %parallel_loop3A_521 : i32 to index
        %parallel_loop3A_523 = arith.index_cast %parallel_loop3A_516 : i32 to index
        %parallel_loop3A_524 = tpu.vector_load %arg9[%parallel_loop3A_522, %parallel_loop3A_523] {strides = array<i32>} : memref<3x2304xi32, #tpu.memory_space<vmem>>, vector<16xi32>,
        %parallel_loop3A_525 = arith.constant 2 : i32
        %parallel_loop3A_526 = arith.index_cast %parallel_loop3A_525 : i32 to index
        %parallel_loop3A_527 = arith.index_cast %parallel_loop3A_516 : i32 to index
        %parallel_loop3A_528 = tpu.vector_load %arg9[%parallel_loop3A_526, %parallel_loop3A_527] {strides = array<i32>} : memref<3x2304xi32, #tpu.memory_space<vmem>>, vector<16xi32>,
        %parallel_loop3A_529 = tpu.vector_load_idx %arg14[%parallel_loop3A_520] : memref<384xf32, #tpu.memory_space<vmem>>[vector<16xi32>], vector<16xf32>,
        %parallel_loop3A_530 = tpu.vector_load_idx %arg14[%parallel_loop3A_524] : memref<384xf32, #tpu.memory_space<vmem>>[vector<16xi32>], vector<16xf32>,
        %parallel_loop3A_531 = tpu.vector_load_idx %arg14[%parallel_loop3A_528] : memref<384xf32, #tpu.memory_space<vmem>>[vector<16xi32>], vector<16xf32>,
        %parallel_loop3A_532 = arith.mulf %parallel_loop3A_529, %get3A_5 : vector<16xf32>
        %parallel_loop3A_533 = arith.mulf %parallel_loop3A_530, %get3A_7 : vector<16xf32>
        %parallel_loop3A_534 = arith.addf %parallel_loop3A_532, %parallel_loop3A_533 : vector<16xf32>
        %parallel_loop3A_535 = arith.mulf %parallel_loop3A_531, %get3A_9 : vector<16xf32>
        %parallel_loop3A_536 = arith.addf %parallel_loop3A_534, %parallel_loop3A_535 : vector<16xf32>
        %parallel_loop3A_537 = arith.mulf %parallel_loop3A_529, %get3A_11 : vector<16xf32>
        %parallel_loop3A_538 = arith.mulf %parallel_loop3A_530, %get3A_13 : vector<16xf32>
        %parallel_loop3A_539 = arith.addf %parallel_loop3A_537, %parallel_loop3A_538 : vector<16xf32>
        %parallel_loop3A_540 = arith.mulf %parallel_loop3A_531, %get3A_15 : vector<16xf32>
        %parallel_loop3A_541 = arith.addf %parallel_loop3A_539, %parallel_loop3A_540 : vector<16xf32>
        %parallel_loop3A_542 = arith.mulf %parallel_loop3A_529, %get3A_17 : vector<16xf32>
        %parallel_loop3A_543 = arith.mulf %parallel_loop3A_530, %get3A_19 : vector<16xf32>
        %parallel_loop3A_544 = arith.addf %parallel_loop3A_542, %parallel_loop3A_543 : vector<16xf32>
        %parallel_loop3A_545 = arith.mulf %parallel_loop3A_531, %get3A_21 : vector<16xf32>
        %parallel_loop3A_546 = arith.addf %parallel_loop3A_544, %parallel_loop3A_545 : vector<16xf32>
        %parallel_loop3A_547 = arith.mulf %parallel_loop3A_536, %parallel_loop3A_536 : vector<16xf32>
        %parallel_loop3A_548 = arith.mulf %parallel_loop3A_541, %parallel_loop3A_541 : vector<16xf32>
        %parallel_loop3A_549 = arith.addf %parallel_loop3A_547, %parallel_loop3A_548 : vector<16xf32>
        %parallel_loop3A_550 = arith.mulf %parallel_loop3A_546, %parallel_loop3A_546 : vector<16xf32>
        %parallel_loop3A_551 = arith.addf %parallel_loop3A_549, %parallel_loop3A_550 : vector<16xf32>
        %parallel_loop3A_552 = arith.constant 9.99999996E-13 : f32
        %parallel_loop3A_553 = vector.broadcast %parallel_loop3A_552 : f32 to vector<16xf32>
        %parallel_loop3A_554 = arith.maximumf %parallel_loop3A_551, %parallel_loop3A_553 : vector<16xf32>
        %parallel_loop3A_555 = tpu.bitcast %parallel_loop3A_554 : vector<16xf32> -> vector<16xi32>
        %parallel_loop3A_556 = arith.constant 1 : i32
        %parallel_loop3A_557 = vector.broadcast %parallel_loop3A_556 : i32 to vector<16xi32>
        %parallel_loop3A_558 = arith.shrsi %parallel_loop3A_555, %parallel_loop3A_557 : vector<16xi32>
        %parallel_loop3A_559 = arith.subi %broadcast_in_dim3A_31, %parallel_loop3A_558 : vector<16xi32>
        %parallel_loop3A_560 = tpu.bitcast %parallel_loop3A_559 : vector<16xi32> -> vector<16xf32>
        %parallel_loop3A_561 = arith.mulf %broadcast_in_dim3A_27, %parallel_loop3A_554 : vector<16xf32>
        %parallel_loop3A_562 = arith.mulf %parallel_loop3A_561, %parallel_loop3A_560 : vector<16xf32>
        %parallel_loop3A_563 = arith.mulf %parallel_loop3A_562, %parallel_loop3A_560 : vector<16xf32>
        %parallel_loop3A_564 = arith.subf %broadcast_in_dim3A_29, %parallel_loop3A_563 : vector<16xf32>
        %parallel_loop3A_565 = arith.mulf %parallel_loop3A_560, %parallel_loop3A_564 : vector<16xf32>
        %parallel_loop3A_566 = arith.mulf %parallel_loop3A_561, %parallel_loop3A_565 : vector<16xf32>
        %parallel_loop3A_567 = arith.mulf %parallel_loop3A_566, %parallel_loop3A_565 : vector<16xf32>
        %parallel_loop3A_568 = arith.subf %broadcast_in_dim3A_29, %parallel_loop3A_567 : vector<16xf32>
        %parallel_loop3A_569 = arith.mulf %parallel_loop3A_565, %parallel_loop3A_568 : vector<16xf32>
        %parallel_loop3A_570 = arith.mulf %parallel_loop3A_554, %parallel_loop3A_569 : vector<16xf32>
        %parallel_loop3A_571 = arith.minimumf %parallel_loop3A_570, %broadcast_in_dim3A_35 : vector<16xf32>
        %parallel_loop3A_572 = arith.mulf %parallel_loop3A_571, %broadcast_in_dim3A_25 : vector<16xf32>
        %parallel_loop3A_573 = arith.fptosi %parallel_loop3A_572 : vector<16xf32> to vector<16xi32>
        %parallel_loop3A_574 = tpu.vector_load_idx %arg13[%parallel_loop3A_573] : memref<512xf32, #tpu.memory_space<vmem>>[vector<16xi32>], vector<16xf32>,
        %parallel_loop3A_575 = arith.constant 1 : i32
        %parallel_loop3A_576 = vector.broadcast %parallel_loop3A_575 : i32 to vector<16xi32>
        %parallel_loop3A_577 = arith.addi %parallel_loop3A_573, %parallel_loop3A_576 : vector<16xi32>
        %parallel_loop3A_578 = tpu.vector_load_idx %arg13[%parallel_loop3A_577] : memref<512xf32, #tpu.memory_space<vmem>>[vector<16xi32>], vector<16xf32>,
        %parallel_loop3A_579 = arith.cmpf oge, %parallel_loop3A_554, %parallel_loop3A_578 : vector<16xf32>
        %parallel_loop3A_580 = arith.extui %parallel_loop3A_579 : vector<16xi1> to vector<16xi32>
        %parallel_loop3A_581 = arith.cmpf olt, %parallel_loop3A_554, %parallel_loop3A_574 : vector<16xf32>
        %parallel_loop3A_582 = arith.extui %parallel_loop3A_581 : vector<16xi1> to vector<16xi32>
        %parallel_loop3A_583 = arith.addi %parallel_loop3A_573, %parallel_loop3A_580 : vector<16xi32>
        %parallel_loop3A_584 = arith.subi %parallel_loop3A_583, %parallel_loop3A_582 : vector<16xi32>
        %parallel_loop3A_585 = arith.constant 300 : i32
        %parallel_loop3A_586 = vector.broadcast %parallel_loop3A_585 : i32 to vector<16xi32>
        %parallel_loop3A_587 = arith.minsi %parallel_loop3A_584, %parallel_loop3A_586 : vector<16xi32>
        %parallel_loop3A_588 = tpu.vector_load_idx %arg12[%parallel_loop3A_587] : memref<384xf32, #tpu.memory_space<vmem>>[vector<16xi32>], vector<16xf32>,
        %parallel_loop3A_589 = arith.cmpf ole, %parallel_loop3A_551, %broadcast_in_dim3A_22 : vector<16xf32>
        %parallel_loop3A_590 = arith.mulf %parallel_loop3A_588, %get3A_81 : vector<16xf32>
        %parallel_loop3A_591 = arith.constant 0.000000e+00 : f32
        %parallel_loop3A_592 = vector.broadcast %parallel_loop3A_591 : f32 to vector<16xf32>
        %parallel_loop3A_593 = arith.select %parallel_loop3A_589, %parallel_loop3A_590, %parallel_loop3A_592 : vector<16xi1>, vector<16xf32>
        %parallel_loop3A_594 = tpu.vector_load_idx %arg15[%parallel_loop3A_520] : memref<384xi32, #tpu.memory_space<vmem>>[vector<16xi32>], vector<16xi32>,
        %parallel_loop3A_595 = tpu.vector_load_idx %arg15[%parallel_loop3A_524] : memref<384xi32, #tpu.memory_space<vmem>>[vector<16xi32>], vector<16xi32>,
        %parallel_loop3A_596 = tpu.vector_load_idx %arg15[%parallel_loop3A_528] : memref<384xi32, #tpu.memory_space<vmem>>[vector<16xi32>], vector<16xi32>,
        %parallel_loop3A_597 = arith.addi %parallel_loop3A_594, %parallel_loop3A_595 : vector<16xi32>
        %parallel_loop3A_598 = arith.addi %parallel_loop3A_597, %parallel_loop3A_596 : vector<16xi32>
        %parallel_loop3A_599 = arith.index_cast %parallel_loop3A_516 : i32 to index
        %parallel_loop3A_600 = tpu.vector_load %arg16[%parallel_loop3A_599] {strides = array<i32>} : memref<2304xf32, #tpu.memory_space<vmem>>, vector<16xf32>,
        tpu.vector_store %arg16[%parallel_loop3A_599], %parallel_loop3A_593 {strides = array<i32>} : memref<2304xf32, #tpu.memory_space<vmem>>, vector<16xf32>,
        %parallel_loop3A_601 = arith.index_cast %parallel_loop3A_330 : i32 to index
        %parallel_loop3A_602 = arith.constant 32 : index
        %parallel_loop3A_603 = tpu.vector_load %arg17[%parallel_loop3A_601, %parallel_loop3A_602] {strides = array<i32>} : memref<18x128xi32, #tpu.memory_space<vmem>>, vector<16xi32>,
        tpu.vector_store %arg17[%parallel_loop3A_601, %parallel_loop3A_602], %parallel_loop3A_598 {strides = array<i32>} : memref<18x128xi32, #tpu.memory_space<vmem>>, vector<16xi32>,
        %parallel_loop3A_604 = arith.constant 128 : i32
        %parallel_loop3A_605 = arith.muli %parallel_loop3A_330, %parallel_loop3A_604 : i32
        %parallel_loop3A_606 = arith.constant 48 : i32
        %parallel_loop3A_607 = arith.addi %parallel_loop3A_605, %parallel_loop3A_606 : i32
        %parallel_loop3A_608 = arith.constant 0 : i32
        %parallel_loop3A_609 = arith.index_cast %parallel_loop3A_608 : i32 to index
        %parallel_loop3A_610 = arith.index_cast %parallel_loop3A_607 : i32 to index
        %parallel_loop3A_611 = tpu.vector_load %arg9[%parallel_loop3A_609, %parallel_loop3A_610] {strides = array<i32>} : memref<3x2304xi32, #tpu.memory_space<vmem>>, vector<16xi32>,
        %parallel_loop3A_612 = arith.constant 1 : i32
        %parallel_loop3A_613 = arith.index_cast %parallel_loop3A_612 : i32 to index
        %parallel_loop3A_614 = arith.index_cast %parallel_loop3A_607 : i32 to index
        %parallel_loop3A_615 = tpu.vector_load %arg9[%parallel_loop3A_613, %parallel_loop3A_614] {strides = array<i32>} : memref<3x2304xi32, #tpu.memory_space<vmem>>, vector<16xi32>,
        %parallel_loop3A_616 = arith.constant 2 : i32
        %parallel_loop3A_617 = arith.index_cast %parallel_loop3A_616 : i32 to index
        %parallel_loop3A_618 = arith.index_cast %parallel_loop3A_607 : i32 to index
        %parallel_loop3A_619 = tpu.vector_load %arg9[%parallel_loop3A_617, %parallel_loop3A_618] {strides = array<i32>} : memref<3x2304xi32, #tpu.memory_space<vmem>>, vector<16xi32>,
        %parallel_loop3A_620 = tpu.vector_load_idx %arg14[%parallel_loop3A_611] : memref<384xf32, #tpu.memory_space<vmem>>[vector<16xi32>], vector<16xf32>,
        %parallel_loop3A_621 = tpu.vector_load_idx %arg14[%parallel_loop3A_615] : memref<384xf32, #tpu.memory_space<vmem>>[vector<16xi32>], vector<16xf32>,
        %parallel_loop3A_622 = tpu.vector_load_idx %arg14[%parallel_loop3A_619] : memref<384xf32, #tpu.memory_space<vmem>>[vector<16xi32>], vector<16xf32>,
        %parallel_loop3A_623 = arith.mulf %parallel_loop3A_620, %get3A_5 : vector<16xf32>
        %parallel_loop3A_624 = arith.mulf %parallel_loop3A_621, %get3A_7 : vector<16xf32>
        %parallel_loop3A_625 = arith.addf %parallel_loop3A_623, %parallel_loop3A_624 : vector<16xf32>
        %parallel_loop3A_626 = arith.mulf %parallel_loop3A_622, %get3A_9 : vector<16xf32>
        %parallel_loop3A_627 = arith.addf %parallel_loop3A_625, %parallel_loop3A_626 : vector<16xf32>
        %parallel_loop3A_628 = arith.mulf %parallel_loop3A_620, %get3A_11 : vector<16xf32>
        %parallel_loop3A_629 = arith.mulf %parallel_loop3A_621, %get3A_13 : vector<16xf32>
        %parallel_loop3A_630 = arith.addf %parallel_loop3A_628, %parallel_loop3A_629 : vector<16xf32>
        %parallel_loop3A_631 = arith.mulf %parallel_loop3A_622, %get3A_15 : vector<16xf32>
        %parallel_loop3A_632 = arith.addf %parallel_loop3A_630, %parallel_loop3A_631 : vector<16xf32>
        %parallel_loop3A_633 = arith.mulf %parallel_loop3A_620, %get3A_17 : vector<16xf32>
        %parallel_loop3A_634 = arith.mulf %parallel_loop3A_621, %get3A_19 : vector<16xf32>
        %parallel_loop3A_635 = arith.addf %parallel_loop3A_633, %parallel_loop3A_634 : vector<16xf32>
        %parallel_loop3A_636 = arith.mulf %parallel_loop3A_622, %get3A_21 : vector<16xf32>
        %parallel_loop3A_637 = arith.addf %parallel_loop3A_635, %parallel_loop3A_636 : vector<16xf32>
        %parallel_loop3A_638 = arith.mulf %parallel_loop3A_627, %parallel_loop3A_627 : vector<16xf32>
        %parallel_loop3A_639 = arith.mulf %parallel_loop3A_632, %parallel_loop3A_632 : vector<16xf32>
        %parallel_loop3A_640 = arith.addf %parallel_loop3A_638, %parallel_loop3A_639 : vector<16xf32>
        %parallel_loop3A_641 = arith.mulf %parallel_loop3A_637, %parallel_loop3A_637 : vector<16xf32>
        %parallel_loop3A_642 = arith.addf %parallel_loop3A_640, %parallel_loop3A_641 : vector<16xf32>
        %parallel_loop3A_643 = arith.constant 9.99999996E-13 : f32
        %parallel_loop3A_644 = vector.broadcast %parallel_loop3A_643 : f32 to vector<16xf32>
        %parallel_loop3A_645 = arith.maximumf %parallel_loop3A_642, %parallel_loop3A_644 : vector<16xf32>
        %parallel_loop3A_646 = tpu.bitcast %parallel_loop3A_645 : vector<16xf32> -> vector<16xi32>
        %parallel_loop3A_647 = arith.constant 1 : i32
        %parallel_loop3A_648 = vector.broadcast %parallel_loop3A_647 : i32 to vector<16xi32>
        %parallel_loop3A_649 = arith.shrsi %parallel_loop3A_646, %parallel_loop3A_648 : vector<16xi32>
        %parallel_loop3A_650 = arith.subi %broadcast_in_dim3A_31, %parallel_loop3A_649 : vector<16xi32>
        %parallel_loop3A_651 = tpu.bitcast %parallel_loop3A_650 : vector<16xi32> -> vector<16xf32>
        %parallel_loop3A_652 = arith.mulf %broadcast_in_dim3A_27, %parallel_loop3A_645 : vector<16xf32>
        %parallel_loop3A_653 = arith.mulf %parallel_loop3A_652, %parallel_loop3A_651 : vector<16xf32>
        %parallel_loop3A_654 = arith.mulf %parallel_loop3A_653, %parallel_loop3A_651 : vector<16xf32>
        %parallel_loop3A_655 = arith.subf %broadcast_in_dim3A_29, %parallel_loop3A_654 : vector<16xf32>
        %parallel_loop3A_656 = arith.mulf %parallel_loop3A_651, %parallel_loop3A_655 : vector<16xf32>
        %parallel_loop3A_657 = arith.mulf %parallel_loop3A_652, %parallel_loop3A_656 : vector<16xf32>
        %parallel_loop3A_658 = arith.mulf %parallel_loop3A_657, %parallel_loop3A_656 : vector<16xf32>
        %parallel_loop3A_659 = arith.subf %broadcast_in_dim3A_29, %parallel_loop3A_658 : vector<16xf32>
        %parallel_loop3A_660 = arith.mulf %parallel_loop3A_656, %parallel_loop3A_659 : vector<16xf32>
        %parallel_loop3A_661 = arith.mulf %parallel_loop3A_645, %parallel_loop3A_660 : vector<16xf32>
        %parallel_loop3A_662 = arith.minimumf %parallel_loop3A_661, %broadcast_in_dim3A_35 : vector<16xf32>
        %parallel_loop3A_663 = arith.mulf %parallel_loop3A_662, %broadcast_in_dim3A_25 : vector<16xf32>
        %parallel_loop3A_664 = arith.fptosi %parallel_loop3A_663 : vector<16xf32> to vector<16xi32>
        %parallel_loop3A_665 = tpu.vector_load_idx %arg13[%parallel_loop3A_664] : memref<512xf32, #tpu.memory_space<vmem>>[vector<16xi32>], vector<16xf32>,
        %parallel_loop3A_666 = arith.constant 1 : i32
        %parallel_loop3A_667 = vector.broadcast %parallel_loop3A_666 : i32 to vector<16xi32>
        %parallel_loop3A_668 = arith.addi %parallel_loop3A_664, %parallel_loop3A_667 : vector<16xi32>
        %parallel_loop3A_669 = tpu.vector_load_idx %arg13[%parallel_loop3A_668] : memref<512xf32, #tpu.memory_space<vmem>>[vector<16xi32>], vector<16xf32>,
        %parallel_loop3A_670 = arith.cmpf oge, %parallel_loop3A_645, %parallel_loop3A_669 : vector<16xf32>
        %parallel_loop3A_671 = arith.extui %parallel_loop3A_670 : vector<16xi1> to vector<16xi32>
        %parallel_loop3A_672 = arith.cmpf olt, %parallel_loop3A_645, %parallel_loop3A_665 : vector<16xf32>
        %parallel_loop3A_673 = arith.extui %parallel_loop3A_672 : vector<16xi1> to vector<16xi32>
        %parallel_loop3A_674 = arith.addi %parallel_loop3A_664, %parallel_loop3A_671 : vector<16xi32>
        %parallel_loop3A_675 = arith.subi %parallel_loop3A_674, %parallel_loop3A_673 : vector<16xi32>
        %parallel_loop3A_676 = arith.constant 300 : i32
        %parallel_loop3A_677 = vector.broadcast %parallel_loop3A_676 : i32 to vector<16xi32>
        %parallel_loop3A_678 = arith.minsi %parallel_loop3A_675, %parallel_loop3A_677 : vector<16xi32>
        %parallel_loop3A_679 = tpu.vector_load_idx %arg12[%parallel_loop3A_678] : memref<384xf32, #tpu.memory_space<vmem>>[vector<16xi32>], vector<16xf32>,
        %parallel_loop3A_680 = arith.cmpf ole, %parallel_loop3A_642, %broadcast_in_dim3A_22 : vector<16xf32>
        %parallel_loop3A_681 = arith.mulf %parallel_loop3A_679, %get3A_81 : vector<16xf32>
        %parallel_loop3A_682 = arith.constant 0.000000e+00 : f32
        %parallel_loop3A_683 = vector.broadcast %parallel_loop3A_682 : f32 to vector<16xf32>
        %parallel_loop3A_684 = arith.select %parallel_loop3A_680, %parallel_loop3A_681, %parallel_loop3A_683 : vector<16xi1>, vector<16xf32>
        %parallel_loop3A_685 = tpu.vector_load_idx %arg15[%parallel_loop3A_611] : memref<384xi32, #tpu.memory_space<vmem>>[vector<16xi32>], vector<16xi32>,
        %parallel_loop3A_686 = tpu.vector_load_idx %arg15[%parallel_loop3A_615] : memref<384xi32, #tpu.memory_space<vmem>>[vector<16xi32>], vector<16xi32>,
        %parallel_loop3A_687 = tpu.vector_load_idx %arg15[%parallel_loop3A_619] : memref<384xi32, #tpu.memory_space<vmem>>[vector<16xi32>], vector<16xi32>,
        %parallel_loop3A_688 = arith.addi %parallel_loop3A_685, %parallel_loop3A_686 : vector<16xi32>
        %parallel_loop3A_689 = arith.addi %parallel_loop3A_688, %parallel_loop3A_687 : vector<16xi32>
        %parallel_loop3A_690 = arith.index_cast %parallel_loop3A_607 : i32 to index
        %parallel_loop3A_691 = tpu.vector_load %arg16[%parallel_loop3A_690] {strides = array<i32>} : memref<2304xf32, #tpu.memory_space<vmem>>, vector<16xf32>,
        tpu.vector_store %arg16[%parallel_loop3A_690], %parallel_loop3A_684 {strides = array<i32>} : memref<2304xf32, #tpu.memory_space<vmem>>, vector<16xf32>,
        %parallel_loop3A_692 = arith.index_cast %parallel_loop3A_330 : i32 to index
        %parallel_loop3A_693 = arith.constant 48 : index
        %parallel_loop3A_694 = tpu.vector_load %arg17[%parallel_loop3A_692, %parallel_loop3A_693] {strides = array<i32>} : memref<18x128xi32, #tpu.memory_space<vmem>>, vector<16xi32>,
        tpu.vector_store %arg17[%parallel_loop3A_692, %parallel_loop3A_693], %parallel_loop3A_689 {strides = array<i32>} : memref<18x128xi32, #tpu.memory_space<vmem>>, vector<16xi32>,
        %parallel_loop3A_695 = arith.constant 128 : i32
        %parallel_loop3A_696 = arith.muli %parallel_loop3A_330, %parallel_loop3A_695 : i32
        %parallel_loop3A_697 = arith.constant 64 : i32
        %parallel_loop3A_698 = arith.addi %parallel_loop3A_696, %parallel_loop3A_697 : i32
        %parallel_loop3A_699 = arith.constant 0 : i32
        %parallel_loop3A_700 = arith.index_cast %parallel_loop3A_699 : i32 to index
        %parallel_loop3A_701 = arith.index_cast %parallel_loop3A_698 : i32 to index
        %parallel_loop3A_702 = tpu.vector_load %arg9[%parallel_loop3A_700, %parallel_loop3A_701] {strides = array<i32>} : memref<3x2304xi32, #tpu.memory_space<vmem>>, vector<16xi32>,
        %parallel_loop3A_703 = arith.constant 1 : i32
        %parallel_loop3A_704 = arith.index_cast %parallel_loop3A_703 : i32 to index
        %parallel_loop3A_705 = arith.index_cast %parallel_loop3A_698 : i32 to index
        %parallel_loop3A_706 = tpu.vector_load %arg9[%parallel_loop3A_704, %parallel_loop3A_705] {strides = array<i32>} : memref<3x2304xi32, #tpu.memory_space<vmem>>, vector<16xi32>,
        %parallel_loop3A_707 = arith.constant 2 : i32
        %parallel_loop3A_708 = arith.index_cast %parallel_loop3A_707 : i32 to index
        %parallel_loop3A_709 = arith.index_cast %parallel_loop3A_698 : i32 to index
        %parallel_loop3A_710 = tpu.vector_load %arg9[%parallel_loop3A_708, %parallel_loop3A_709] {strides = array<i32>} : memref<3x2304xi32, #tpu.memory_space<vmem>>, vector<16xi32>,
        %parallel_loop3A_711 = tpu.vector_load_idx %arg14[%parallel_loop3A_702] : memref<384xf32, #tpu.memory_space<vmem>>[vector<16xi32>], vector<16xf32>,
        %parallel_loop3A_712 = tpu.vector_load_idx %arg14[%parallel_loop3A_706] : memref<384xf32, #tpu.memory_space<vmem>>[vector<16xi32>], vector<16xf32>,
        %parallel_loop3A_713 = tpu.vector_load_idx %arg14[%parallel_loop3A_710] : memref<384xf32, #tpu.memory_space<vmem>>[vector<16xi32>], vector<16xf32>,
        %parallel_loop3A_714 = arith.mulf %parallel_loop3A_711, %get3A_5 : vector<16xf32>
        %parallel_loop3A_715 = arith.mulf %parallel_loop3A_712, %get3A_7 : vector<16xf32>
        %parallel_loop3A_716 = arith.addf %parallel_loop3A_714, %parallel_loop3A_715 : vector<16xf32>
        %parallel_loop3A_717 = arith.mulf %parallel_loop3A_713, %get3A_9 : vector<16xf32>
        %parallel_loop3A_718 = arith.addf %parallel_loop3A_716, %parallel_loop3A_717 : vector<16xf32>
        %parallel_loop3A_719 = arith.mulf %parallel_loop3A_711, %get3A_11 : vector<16xf32>
        %parallel_loop3A_720 = arith.mulf %parallel_loop3A_712, %get3A_13 : vector<16xf32>
        %parallel_loop3A_721 = arith.addf %parallel_loop3A_719, %parallel_loop3A_720 : vector<16xf32>
        %parallel_loop3A_722 = arith.mulf %parallel_loop3A_713, %get3A_15 : vector<16xf32>
        %parallel_loop3A_723 = arith.addf %parallel_loop3A_721, %parallel_loop3A_722 : vector<16xf32>
        %parallel_loop3A_724 = arith.mulf %parallel_loop3A_711, %get3A_17 : vector<16xf32>
        %parallel_loop3A_725 = arith.mulf %parallel_loop3A_712, %get3A_19 : vector<16xf32>
        %parallel_loop3A_726 = arith.addf %parallel_loop3A_724, %parallel_loop3A_725 : vector<16xf32>
        %parallel_loop3A_727 = arith.mulf %parallel_loop3A_713, %get3A_21 : vector<16xf32>
        %parallel_loop3A_728 = arith.addf %parallel_loop3A_726, %parallel_loop3A_727 : vector<16xf32>
        %parallel_loop3A_729 = arith.mulf %parallel_loop3A_718, %parallel_loop3A_718 : vector<16xf32>
        %parallel_loop3A_730 = arith.mulf %parallel_loop3A_723, %parallel_loop3A_723 : vector<16xf32>
        %parallel_loop3A_731 = arith.addf %parallel_loop3A_729, %parallel_loop3A_730 : vector<16xf32>
        %parallel_loop3A_732 = arith.mulf %parallel_loop3A_728, %parallel_loop3A_728 : vector<16xf32>
        %parallel_loop3A_733 = arith.addf %parallel_loop3A_731, %parallel_loop3A_732 : vector<16xf32>
        %parallel_loop3A_734 = arith.constant 9.99999996E-13 : f32
        %parallel_loop3A_735 = vector.broadcast %parallel_loop3A_734 : f32 to vector<16xf32>
        %parallel_loop3A_736 = arith.maximumf %parallel_loop3A_733, %parallel_loop3A_735 : vector<16xf32>
        %parallel_loop3A_737 = tpu.bitcast %parallel_loop3A_736 : vector<16xf32> -> vector<16xi32>
        %parallel_loop3A_738 = arith.constant 1 : i32
        %parallel_loop3A_739 = vector.broadcast %parallel_loop3A_738 : i32 to vector<16xi32>
        %parallel_loop3A_740 = arith.shrsi %parallel_loop3A_737, %parallel_loop3A_739 : vector<16xi32>
        %parallel_loop3A_741 = arith.subi %broadcast_in_dim3A_31, %parallel_loop3A_740 : vector<16xi32>
        %parallel_loop3A_742 = tpu.bitcast %parallel_loop3A_741 : vector<16xi32> -> vector<16xf32>
        %parallel_loop3A_743 = arith.mulf %broadcast_in_dim3A_27, %parallel_loop3A_736 : vector<16xf32>
        %parallel_loop3A_744 = arith.mulf %parallel_loop3A_743, %parallel_loop3A_742 : vector<16xf32>
        %parallel_loop3A_745 = arith.mulf %parallel_loop3A_744, %parallel_loop3A_742 : vector<16xf32>
        %parallel_loop3A_746 = arith.subf %broadcast_in_dim3A_29, %parallel_loop3A_745 : vector<16xf32>
        %parallel_loop3A_747 = arith.mulf %parallel_loop3A_742, %parallel_loop3A_746 : vector<16xf32>
        %parallel_loop3A_748 = arith.mulf %parallel_loop3A_743, %parallel_loop3A_747 : vector<16xf32>
        %parallel_loop3A_749 = arith.mulf %parallel_loop3A_748, %parallel_loop3A_747 : vector<16xf32>
        %parallel_loop3A_750 = arith.subf %broadcast_in_dim3A_29, %parallel_loop3A_749 : vector<16xf32>
        %parallel_loop3A_751 = arith.mulf %parallel_loop3A_747, %parallel_loop3A_750 : vector<16xf32>
        %parallel_loop3A_752 = arith.mulf %parallel_loop3A_736, %parallel_loop3A_751 : vector<16xf32>
        %parallel_loop3A_753 = arith.minimumf %parallel_loop3A_752, %broadcast_in_dim3A_35 : vector<16xf32>
        %parallel_loop3A_754 = arith.mulf %parallel_loop3A_753, %broadcast_in_dim3A_25 : vector<16xf32>
        %parallel_loop3A_755 = arith.fptosi %parallel_loop3A_754 : vector<16xf32> to vector<16xi32>
        %parallel_loop3A_756 = tpu.vector_load_idx %arg13[%parallel_loop3A_755] : memref<512xf32, #tpu.memory_space<vmem>>[vector<16xi32>], vector<16xf32>,
        %parallel_loop3A_757 = arith.constant 1 : i32
        %parallel_loop3A_758 = vector.broadcast %parallel_loop3A_757 : i32 to vector<16xi32>
        %parallel_loop3A_759 = arith.addi %parallel_loop3A_755, %parallel_loop3A_758 : vector<16xi32>
        %parallel_loop3A_760 = tpu.vector_load_idx %arg13[%parallel_loop3A_759] : memref<512xf32, #tpu.memory_space<vmem>>[vector<16xi32>], vector<16xf32>,
        %parallel_loop3A_761 = arith.cmpf oge, %parallel_loop3A_736, %parallel_loop3A_760 : vector<16xf32>
        %parallel_loop3A_762 = arith.extui %parallel_loop3A_761 : vector<16xi1> to vector<16xi32>
        %parallel_loop3A_763 = arith.cmpf olt, %parallel_loop3A_736, %parallel_loop3A_756 : vector<16xf32>
        %parallel_loop3A_764 = arith.extui %parallel_loop3A_763 : vector<16xi1> to vector<16xi32>
        %parallel_loop3A_765 = arith.addi %parallel_loop3A_755, %parallel_loop3A_762 : vector<16xi32>
        %parallel_loop3A_766 = arith.subi %parallel_loop3A_765, %parallel_loop3A_764 : vector<16xi32>
        %parallel_loop3A_767 = arith.constant 300 : i32
        %parallel_loop3A_768 = vector.broadcast %parallel_loop3A_767 : i32 to vector<16xi32>
        %parallel_loop3A_769 = arith.minsi %parallel_loop3A_766, %parallel_loop3A_768 : vector<16xi32>
        %parallel_loop3A_770 = tpu.vector_load_idx %arg12[%parallel_loop3A_769] : memref<384xf32, #tpu.memory_space<vmem>>[vector<16xi32>], vector<16xf32>,
        %parallel_loop3A_771 = arith.cmpf ole, %parallel_loop3A_733, %broadcast_in_dim3A_22 : vector<16xf32>
        %parallel_loop3A_772 = arith.mulf %parallel_loop3A_770, %get3A_81 : vector<16xf32>
        %parallel_loop3A_773 = arith.constant 0.000000e+00 : f32
        %parallel_loop3A_774 = vector.broadcast %parallel_loop3A_773 : f32 to vector<16xf32>
        %parallel_loop3A_775 = arith.select %parallel_loop3A_771, %parallel_loop3A_772, %parallel_loop3A_774 : vector<16xi1>, vector<16xf32>
        %parallel_loop3A_776 = tpu.vector_load_idx %arg15[%parallel_loop3A_702] : memref<384xi32, #tpu.memory_space<vmem>>[vector<16xi32>], vector<16xi32>,
        %parallel_loop3A_777 = tpu.vector_load_idx %arg15[%parallel_loop3A_706] : memref<384xi32, #tpu.memory_space<vmem>>[vector<16xi32>], vector<16xi32>,
        %parallel_loop3A_778 = tpu.vector_load_idx %arg15[%parallel_loop3A_710] : memref<384xi32, #tpu.memory_space<vmem>>[vector<16xi32>], vector<16xi32>,
        %parallel_loop3A_779 = arith.addi %parallel_loop3A_776, %parallel_loop3A_777 : vector<16xi32>
        %parallel_loop3A_780 = arith.addi %parallel_loop3A_779, %parallel_loop3A_778 : vector<16xi32>
        %parallel_loop3A_781 = arith.index_cast %parallel_loop3A_698 : i32 to index
        %parallel_loop3A_782 = tpu.vector_load %arg16[%parallel_loop3A_781] {strides = array<i32>} : memref<2304xf32, #tpu.memory_space<vmem>>, vector<16xf32>,
        tpu.vector_store %arg16[%parallel_loop3A_781], %parallel_loop3A_775 {strides = array<i32>} : memref<2304xf32, #tpu.memory_space<vmem>>, vector<16xf32>,
        %parallel_loop3A_783 = arith.index_cast %parallel_loop3A_330 : i32 to index
        %parallel_loop3A_784 = arith.constant 64 : index
        %parallel_loop3A_785 = tpu.vector_load %arg17[%parallel_loop3A_783, %parallel_loop3A_784] {strides = array<i32>} : memref<18x128xi32, #tpu.memory_space<vmem>>, vector<16xi32>,
        tpu.vector_store %arg17[%parallel_loop3A_783, %parallel_loop3A_784], %parallel_loop3A_780 {strides = array<i32>} : memref<18x128xi32, #tpu.memory_space<vmem>>, vector<16xi32>,
        %parallel_loop3A_786 = arith.constant 128 : i32
        %parallel_loop3A_787 = arith.muli %parallel_loop3A_330, %parallel_loop3A_786 : i32
        %parallel_loop3A_788 = arith.constant 80 : i32
        %parallel_loop3A_789 = arith.addi %parallel_loop3A_787, %parallel_loop3A_788 : i32
        %parallel_loop3A_790 = arith.constant 0 : i32
        %parallel_loop3A_791 = arith.index_cast %parallel_loop3A_790 : i32 to index
        %parallel_loop3A_792 = arith.index_cast %parallel_loop3A_789 : i32 to index
        %parallel_loop3A_793 = tpu.vector_load %arg9[%parallel_loop3A_791, %parallel_loop3A_792] {strides = array<i32>} : memref<3x2304xi32, #tpu.memory_space<vmem>>, vector<16xi32>,
        %parallel_loop3A_794 = arith.constant 1 : i32
        %parallel_loop3A_795 = arith.index_cast %parallel_loop3A_794 : i32 to index
        %parallel_loop3A_796 = arith.index_cast %parallel_loop3A_789 : i32 to index
        %parallel_loop3A_797 = tpu.vector_load %arg9[%parallel_loop3A_795, %parallel_loop3A_796] {strides = array<i32>} : memref<3x2304xi32, #tpu.memory_space<vmem>>, vector<16xi32>,
        %parallel_loop3A_798 = arith.constant 2 : i32
        %parallel_loop3A_799 = arith.index_cast %parallel_loop3A_798 : i32 to index
        %parallel_loop3A_800 = arith.index_cast %parallel_loop3A_789 : i32 to index
        %parallel_loop3A_801 = tpu.vector_load %arg9[%parallel_loop3A_799, %parallel_loop3A_800] {strides = array<i32>} : memref<3x2304xi32, #tpu.memory_space<vmem>>, vector<16xi32>,
        %parallel_loop3A_802 = tpu.vector_load_idx %arg14[%parallel_loop3A_793] : memref<384xf32, #tpu.memory_space<vmem>>[vector<16xi32>], vector<16xf32>,
        %parallel_loop3A_803 = tpu.vector_load_idx %arg14[%parallel_loop3A_797] : memref<384xf32, #tpu.memory_space<vmem>>[vector<16xi32>], vector<16xf32>,
        %parallel_loop3A_804 = tpu.vector_load_idx %arg14[%parallel_loop3A_801] : memref<384xf32, #tpu.memory_space<vmem>>[vector<16xi32>], vector<16xf32>,
        %parallel_loop3A_805 = arith.mulf %parallel_loop3A_802, %get3A_5 : vector<16xf32>
        %parallel_loop3A_806 = arith.mulf %parallel_loop3A_803, %get3A_7 : vector<16xf32>
        %parallel_loop3A_807 = arith.addf %parallel_loop3A_805, %parallel_loop3A_806 : vector<16xf32>
        %parallel_loop3A_808 = arith.mulf %parallel_loop3A_804, %get3A_9 : vector<16xf32>
        %parallel_loop3A_809 = arith.addf %parallel_loop3A_807, %parallel_loop3A_808 : vector<16xf32>
        %parallel_loop3A_810 = arith.mulf %parallel_loop3A_802, %get3A_11 : vector<16xf32>
        %parallel_loop3A_811 = arith.mulf %parallel_loop3A_803, %get3A_13 : vector<16xf32>
        %parallel_loop3A_812 = arith.addf %parallel_loop3A_810, %parallel_loop3A_811 : vector<16xf32>
        %parallel_loop3A_813 = arith.mulf %parallel_loop3A_804, %get3A_15 : vector<16xf32>
        %parallel_loop3A_814 = arith.addf %parallel_loop3A_812, %parallel_loop3A_813 : vector<16xf32>
        %parallel_loop3A_815 = arith.mulf %parallel_loop3A_802, %get3A_17 : vector<16xf32>
        %parallel_loop3A_816 = arith.mulf %parallel_loop3A_803, %get3A_19 : vector<16xf32>
        %parallel_loop3A_817 = arith.addf %parallel_loop3A_815, %parallel_loop3A_816 : vector<16xf32>
        %parallel_loop3A_818 = arith.mulf %parallel_loop3A_804, %get3A_21 : vector<16xf32>
        %parallel_loop3A_819 = arith.addf %parallel_loop3A_817, %parallel_loop3A_818 : vector<16xf32>
        %parallel_loop3A_820 = arith.mulf %parallel_loop3A_809, %parallel_loop3A_809 : vector<16xf32>
        %parallel_loop3A_821 = arith.mulf %parallel_loop3A_814, %parallel_loop3A_814 : vector<16xf32>
        %parallel_loop3A_822 = arith.addf %parallel_loop3A_820, %parallel_loop3A_821 : vector<16xf32>
        %parallel_loop3A_823 = arith.mulf %parallel_loop3A_819, %parallel_loop3A_819 : vector<16xf32>
        %parallel_loop3A_824 = arith.addf %parallel_loop3A_822, %parallel_loop3A_823 : vector<16xf32>
        %parallel_loop3A_825 = arith.constant 9.99999996E-13 : f32
        %parallel_loop3A_826 = vector.broadcast %parallel_loop3A_825 : f32 to vector<16xf32>
        %parallel_loop3A_827 = arith.maximumf %parallel_loop3A_824, %parallel_loop3A_826 : vector<16xf32>
        %parallel_loop3A_828 = tpu.bitcast %parallel_loop3A_827 : vector<16xf32> -> vector<16xi32>
        %parallel_loop3A_829 = arith.constant 1 : i32
        %parallel_loop3A_830 = vector.broadcast %parallel_loop3A_829 : i32 to vector<16xi32>
        %parallel_loop3A_831 = arith.shrsi %parallel_loop3A_828, %parallel_loop3A_830 : vector<16xi32>
        %parallel_loop3A_832 = arith.subi %broadcast_in_dim3A_31, %parallel_loop3A_831 : vector<16xi32>
        %parallel_loop3A_833 = tpu.bitcast %parallel_loop3A_832 : vector<16xi32> -> vector<16xf32>
        %parallel_loop3A_834 = arith.mulf %broadcast_in_dim3A_27, %parallel_loop3A_827 : vector<16xf32>
        %parallel_loop3A_835 = arith.mulf %parallel_loop3A_834, %parallel_loop3A_833 : vector<16xf32>
        %parallel_loop3A_836 = arith.mulf %parallel_loop3A_835, %parallel_loop3A_833 : vector<16xf32>
        %parallel_loop3A_837 = arith.subf %broadcast_in_dim3A_29, %parallel_loop3A_836 : vector<16xf32>
        %parallel_loop3A_838 = arith.mulf %parallel_loop3A_833, %parallel_loop3A_837 : vector<16xf32>
        %parallel_loop3A_839 = arith.mulf %parallel_loop3A_834, %parallel_loop3A_838 : vector<16xf32>
        %parallel_loop3A_840 = arith.mulf %parallel_loop3A_839, %parallel_loop3A_838 : vector<16xf32>
        %parallel_loop3A_841 = arith.subf %broadcast_in_dim3A_29, %parallel_loop3A_840 : vector<16xf32>
        %parallel_loop3A_842 = arith.mulf %parallel_loop3A_838, %parallel_loop3A_841 : vector<16xf32>
        %parallel_loop3A_843 = arith.mulf %parallel_loop3A_827, %parallel_loop3A_842 : vector<16xf32>
        %parallel_loop3A_844 = arith.minimumf %parallel_loop3A_843, %broadcast_in_dim3A_35 : vector<16xf32>
        %parallel_loop3A_845 = arith.mulf %parallel_loop3A_844, %broadcast_in_dim3A_25 : vector<16xf32>
        %parallel_loop3A_846 = arith.fptosi %parallel_loop3A_845 : vector<16xf32> to vector<16xi32>
        %parallel_loop3A_847 = tpu.vector_load_idx %arg13[%parallel_loop3A_846] : memref<512xf32, #tpu.memory_space<vmem>>[vector<16xi32>], vector<16xf32>,
        %parallel_loop3A_848 = arith.constant 1 : i32
        %parallel_loop3A_849 = vector.broadcast %parallel_loop3A_848 : i32 to vector<16xi32>
        %parallel_loop3A_850 = arith.addi %parallel_loop3A_846, %parallel_loop3A_849 : vector<16xi32>
        %parallel_loop3A_851 = tpu.vector_load_idx %arg13[%parallel_loop3A_850] : memref<512xf32, #tpu.memory_space<vmem>>[vector<16xi32>], vector<16xf32>,
        %parallel_loop3A_852 = arith.cmpf oge, %parallel_loop3A_827, %parallel_loop3A_851 : vector<16xf32>
        %parallel_loop3A_853 = arith.extui %parallel_loop3A_852 : vector<16xi1> to vector<16xi32>
        %parallel_loop3A_854 = arith.cmpf olt, %parallel_loop3A_827, %parallel_loop3A_847 : vector<16xf32>
        %parallel_loop3A_855 = arith.extui %parallel_loop3A_854 : vector<16xi1> to vector<16xi32>
        %parallel_loop3A_856 = arith.addi %parallel_loop3A_846, %parallel_loop3A_853 : vector<16xi32>
        %parallel_loop3A_857 = arith.subi %parallel_loop3A_856, %parallel_loop3A_855 : vector<16xi32>
        %parallel_loop3A_858 = arith.constant 300 : i32
        %parallel_loop3A_859 = vector.broadcast %parallel_loop3A_858 : i32 to vector<16xi32>
        %parallel_loop3A_860 = arith.minsi %parallel_loop3A_857, %parallel_loop3A_859 : vector<16xi32>
        %parallel_loop3A_861 = tpu.vector_load_idx %arg12[%parallel_loop3A_860] : memref<384xf32, #tpu.memory_space<vmem>>[vector<16xi32>], vector<16xf32>,
        %parallel_loop3A_862 = arith.cmpf ole, %parallel_loop3A_824, %broadcast_in_dim3A_22 : vector<16xf32>
        %parallel_loop3A_863 = arith.mulf %parallel_loop3A_861, %get3A_81 : vector<16xf32>
        %parallel_loop3A_864 = arith.constant 0.000000e+00 : f32
        %parallel_loop3A_865 = vector.broadcast %parallel_loop3A_864 : f32 to vector<16xf32>
        %parallel_loop3A_866 = arith.select %parallel_loop3A_862, %parallel_loop3A_863, %parallel_loop3A_865 : vector<16xi1>, vector<16xf32>
        %parallel_loop3A_867 = tpu.vector_load_idx %arg15[%parallel_loop3A_793] : memref<384xi32, #tpu.memory_space<vmem>>[vector<16xi32>], vector<16xi32>,
        %parallel_loop3A_868 = tpu.vector_load_idx %arg15[%parallel_loop3A_797] : memref<384xi32, #tpu.memory_space<vmem>>[vector<16xi32>], vector<16xi32>,
        %parallel_loop3A_869 = tpu.vector_load_idx %arg15[%parallel_loop3A_801] : memref<384xi32, #tpu.memory_space<vmem>>[vector<16xi32>], vector<16xi32>,
        %parallel_loop3A_870 = arith.addi %parallel_loop3A_867, %parallel_loop3A_868 : vector<16xi32>
        %parallel_loop3A_871 = arith.addi %parallel_loop3A_870, %parallel_loop3A_869 : vector<16xi32>
        %parallel_loop3A_872 = arith.index_cast %parallel_loop3A_789 : i32 to index
        %parallel_loop3A_873 = tpu.vector_load %arg16[%parallel_loop3A_872] {strides = array<i32>} : memref<2304xf32, #tpu.memory_space<vmem>>, vector<16xf32>,
        tpu.vector_store %arg16[%parallel_loop3A_872], %parallel_loop3A_866 {strides = array<i32>} : memref<2304xf32, #tpu.memory_space<vmem>>, vector<16xf32>,
        %parallel_loop3A_874 = arith.index_cast %parallel_loop3A_330 : i32 to index
        %parallel_loop3A_875 = arith.constant 80 : index
        %parallel_loop3A_876 = tpu.vector_load %arg17[%parallel_loop3A_874, %parallel_loop3A_875] {strides = array<i32>} : memref<18x128xi32, #tpu.memory_space<vmem>>, vector<16xi32>,
        tpu.vector_store %arg17[%parallel_loop3A_874, %parallel_loop3A_875], %parallel_loop3A_871 {strides = array<i32>} : memref<18x128xi32, #tpu.memory_space<vmem>>, vector<16xi32>,
        %parallel_loop3A_877 = arith.constant 128 : i32
        %parallel_loop3A_878 = arith.muli %parallel_loop3A_330, %parallel_loop3A_877 : i32
        %parallel_loop3A_879 = arith.constant 96 : i32
        %parallel_loop3A_880 = arith.addi %parallel_loop3A_878, %parallel_loop3A_879 : i32
        %parallel_loop3A_881 = arith.constant 0 : i32
        %parallel_loop3A_882 = arith.index_cast %parallel_loop3A_881 : i32 to index
        %parallel_loop3A_883 = arith.index_cast %parallel_loop3A_880 : i32 to index
        %parallel_loop3A_884 = tpu.vector_load %arg9[%parallel_loop3A_882, %parallel_loop3A_883] {strides = array<i32>} : memref<3x2304xi32, #tpu.memory_space<vmem>>, vector<16xi32>,
        %parallel_loop3A_885 = arith.constant 1 : i32
        %parallel_loop3A_886 = arith.index_cast %parallel_loop3A_885 : i32 to index
        %parallel_loop3A_887 = arith.index_cast %parallel_loop3A_880 : i32 to index
        %parallel_loop3A_888 = tpu.vector_load %arg9[%parallel_loop3A_886, %parallel_loop3A_887] {strides = array<i32>} : memref<3x2304xi32, #tpu.memory_space<vmem>>, vector<16xi32>,
        %parallel_loop3A_889 = arith.constant 2 : i32
        %parallel_loop3A_890 = arith.index_cast %parallel_loop3A_889 : i32 to index
        %parallel_loop3A_891 = arith.index_cast %parallel_loop3A_880 : i32 to index
        %parallel_loop3A_892 = tpu.vector_load %arg9[%parallel_loop3A_890, %parallel_loop3A_891] {strides = array<i32>} : memref<3x2304xi32, #tpu.memory_space<vmem>>, vector<16xi32>,
        %parallel_loop3A_893 = tpu.vector_load_idx %arg14[%parallel_loop3A_884] : memref<384xf32, #tpu.memory_space<vmem>>[vector<16xi32>], vector<16xf32>,
        %parallel_loop3A_894 = tpu.vector_load_idx %arg14[%parallel_loop3A_888] : memref<384xf32, #tpu.memory_space<vmem>>[vector<16xi32>], vector<16xf32>,
        %parallel_loop3A_895 = tpu.vector_load_idx %arg14[%parallel_loop3A_892] : memref<384xf32, #tpu.memory_space<vmem>>[vector<16xi32>], vector<16xf32>,
        %parallel_loop3A_896 = arith.mulf %parallel_loop3A_893, %get3A_5 : vector<16xf32>
        %parallel_loop3A_897 = arith.mulf %parallel_loop3A_894, %get3A_7 : vector<16xf32>
        %parallel_loop3A_898 = arith.addf %parallel_loop3A_896, %parallel_loop3A_897 : vector<16xf32>
        %parallel_loop3A_899 = arith.mulf %parallel_loop3A_895, %get3A_9 : vector<16xf32>
        %parallel_loop3A_900 = arith.addf %parallel_loop3A_898, %parallel_loop3A_899 : vector<16xf32>
        %parallel_loop3A_901 = arith.mulf %parallel_loop3A_893, %get3A_11 : vector<16xf32>
        %parallel_loop3A_902 = arith.mulf %parallel_loop3A_894, %get3A_13 : vector<16xf32>
        %parallel_loop3A_903 = arith.addf %parallel_loop3A_901, %parallel_loop3A_902 : vector<16xf32>
        %parallel_loop3A_904 = arith.mulf %parallel_loop3A_895, %get3A_15 : vector<16xf32>
        %parallel_loop3A_905 = arith.addf %parallel_loop3A_903, %parallel_loop3A_904 : vector<16xf32>
        %parallel_loop3A_906 = arith.mulf %parallel_loop3A_893, %get3A_17 : vector<16xf32>
        %parallel_loop3A_907 = arith.mulf %parallel_loop3A_894, %get3A_19 : vector<16xf32>
        %parallel_loop3A_908 = arith.addf %parallel_loop3A_906, %parallel_loop3A_907 : vector<16xf32>
        %parallel_loop3A_909 = arith.mulf %parallel_loop3A_895, %get3A_21 : vector<16xf32>
        %parallel_loop3A_910 = arith.addf %parallel_loop3A_908, %parallel_loop3A_909 : vector<16xf32>
        %parallel_loop3A_911 = arith.mulf %parallel_loop3A_900, %parallel_loop3A_900 : vector<16xf32>
        %parallel_loop3A_912 = arith.mulf %parallel_loop3A_905, %parallel_loop3A_905 : vector<16xf32>
        %parallel_loop3A_913 = arith.addf %parallel_loop3A_911, %parallel_loop3A_912 : vector<16xf32>
        %parallel_loop3A_914 = arith.mulf %parallel_loop3A_910, %parallel_loop3A_910 : vector<16xf32>
        %parallel_loop3A_915 = arith.addf %parallel_loop3A_913, %parallel_loop3A_914 : vector<16xf32>
        %parallel_loop3A_916 = arith.constant 9.99999996E-13 : f32
        %parallel_loop3A_917 = vector.broadcast %parallel_loop3A_916 : f32 to vector<16xf32>
        %parallel_loop3A_918 = arith.maximumf %parallel_loop3A_915, %parallel_loop3A_917 : vector<16xf32>
        %parallel_loop3A_919 = tpu.bitcast %parallel_loop3A_918 : vector<16xf32> -> vector<16xi32>
        %parallel_loop3A_920 = arith.constant 1 : i32
        %parallel_loop3A_921 = vector.broadcast %parallel_loop3A_920 : i32 to vector<16xi32>
        %parallel_loop3A_922 = arith.shrsi %parallel_loop3A_919, %parallel_loop3A_921 : vector<16xi32>
        %parallel_loop3A_923 = arith.subi %broadcast_in_dim3A_31, %parallel_loop3A_922 : vector<16xi32>
        %parallel_loop3A_924 = tpu.bitcast %parallel_loop3A_923 : vector<16xi32> -> vector<16xf32>
        %parallel_loop3A_925 = arith.mulf %broadcast_in_dim3A_27, %parallel_loop3A_918 : vector<16xf32>
        %parallel_loop3A_926 = arith.mulf %parallel_loop3A_925, %parallel_loop3A_924 : vector<16xf32>
        %parallel_loop3A_927 = arith.mulf %parallel_loop3A_926, %parallel_loop3A_924 : vector<16xf32>
        %parallel_loop3A_928 = arith.subf %broadcast_in_dim3A_29, %parallel_loop3A_927 : vector<16xf32>
        %parallel_loop3A_929 = arith.mulf %parallel_loop3A_924, %parallel_loop3A_928 : vector<16xf32>
        %parallel_loop3A_930 = arith.mulf %parallel_loop3A_925, %parallel_loop3A_929 : vector<16xf32>
        %parallel_loop3A_931 = arith.mulf %parallel_loop3A_930, %parallel_loop3A_929 : vector<16xf32>
        %parallel_loop3A_932 = arith.subf %broadcast_in_dim3A_29, %parallel_loop3A_931 : vector<16xf32>
        %parallel_loop3A_933 = arith.mulf %parallel_loop3A_929, %parallel_loop3A_932 : vector<16xf32>
        %parallel_loop3A_934 = arith.mulf %parallel_loop3A_918, %parallel_loop3A_933 : vector<16xf32>
        %parallel_loop3A_935 = arith.minimumf %parallel_loop3A_934, %broadcast_in_dim3A_35 : vector<16xf32>
        %parallel_loop3A_936 = arith.mulf %parallel_loop3A_935, %broadcast_in_dim3A_25 : vector<16xf32>
        %parallel_loop3A_937 = arith.fptosi %parallel_loop3A_936 : vector<16xf32> to vector<16xi32>
        %parallel_loop3A_938 = tpu.vector_load_idx %arg13[%parallel_loop3A_937] : memref<512xf32, #tpu.memory_space<vmem>>[vector<16xi32>], vector<16xf32>,
        %parallel_loop3A_939 = arith.constant 1 : i32
        %parallel_loop3A_940 = vector.broadcast %parallel_loop3A_939 : i32 to vector<16xi32>
        %parallel_loop3A_941 = arith.addi %parallel_loop3A_937, %parallel_loop3A_940 : vector<16xi32>
        %parallel_loop3A_942 = tpu.vector_load_idx %arg13[%parallel_loop3A_941] : memref<512xf32, #tpu.memory_space<vmem>>[vector<16xi32>], vector<16xf32>,
        %parallel_loop3A_943 = arith.cmpf oge, %parallel_loop3A_918, %parallel_loop3A_942 : vector<16xf32>
        %parallel_loop3A_944 = arith.extui %parallel_loop3A_943 : vector<16xi1> to vector<16xi32>
        %parallel_loop3A_945 = arith.cmpf olt, %parallel_loop3A_918, %parallel_loop3A_938 : vector<16xf32>
        %parallel_loop3A_946 = arith.extui %parallel_loop3A_945 : vector<16xi1> to vector<16xi32>
        %parallel_loop3A_947 = arith.addi %parallel_loop3A_937, %parallel_loop3A_944 : vector<16xi32>
        %parallel_loop3A_948 = arith.subi %parallel_loop3A_947, %parallel_loop3A_946 : vector<16xi32>
        %parallel_loop3A_949 = arith.constant 300 : i32
        %parallel_loop3A_950 = vector.broadcast %parallel_loop3A_949 : i32 to vector<16xi32>
        %parallel_loop3A_951 = arith.minsi %parallel_loop3A_948, %parallel_loop3A_950 : vector<16xi32>
        %parallel_loop3A_952 = tpu.vector_load_idx %arg12[%parallel_loop3A_951] : memref<384xf32, #tpu.memory_space<vmem>>[vector<16xi32>], vector<16xf32>,
        %parallel_loop3A_953 = arith.cmpf ole, %parallel_loop3A_915, %broadcast_in_dim3A_22 : vector<16xf32>
        %parallel_loop3A_954 = arith.mulf %parallel_loop3A_952, %get3A_81 : vector<16xf32>
        %parallel_loop3A_955 = arith.constant 0.000000e+00 : f32
        %parallel_loop3A_956 = vector.broadcast %parallel_loop3A_955 : f32 to vector<16xf32>
        %parallel_loop3A_957 = arith.select %parallel_loop3A_953, %parallel_loop3A_954, %parallel_loop3A_956 : vector<16xi1>, vector<16xf32>
        %parallel_loop3A_958 = tpu.vector_load_idx %arg15[%parallel_loop3A_884] : memref<384xi32, #tpu.memory_space<vmem>>[vector<16xi32>], vector<16xi32>,
        %parallel_loop3A_959 = tpu.vector_load_idx %arg15[%parallel_loop3A_888] : memref<384xi32, #tpu.memory_space<vmem>>[vector<16xi32>], vector<16xi32>,
        %parallel_loop3A_960 = tpu.vector_load_idx %arg15[%parallel_loop3A_892] : memref<384xi32, #tpu.memory_space<vmem>>[vector<16xi32>], vector<16xi32>,
        %parallel_loop3A_961 = arith.addi %parallel_loop3A_958, %parallel_loop3A_959 : vector<16xi32>
        %parallel_loop3A_962 = arith.addi %parallel_loop3A_961, %parallel_loop3A_960 : vector<16xi32>
        %parallel_loop3A_963 = arith.index_cast %parallel_loop3A_880 : i32 to index
        %parallel_loop3A_964 = tpu.vector_load %arg16[%parallel_loop3A_963] {strides = array<i32>} : memref<2304xf32, #tpu.memory_space<vmem>>, vector<16xf32>,
        tpu.vector_store %arg16[%parallel_loop3A_963], %parallel_loop3A_957 {strides = array<i32>} : memref<2304xf32, #tpu.memory_space<vmem>>, vector<16xf32>,
        %parallel_loop3A_965 = arith.index_cast %parallel_loop3A_330 : i32 to index
        %parallel_loop3A_966 = arith.constant 96 : index
        %parallel_loop3A_967 = tpu.vector_load %arg17[%parallel_loop3A_965, %parallel_loop3A_966] {strides = array<i32>} : memref<18x128xi32, #tpu.memory_space<vmem>>, vector<16xi32>,
        tpu.vector_store %arg17[%parallel_loop3A_965, %parallel_loop3A_966], %parallel_loop3A_962 {strides = array<i32>} : memref<18x128xi32, #tpu.memory_space<vmem>>, vector<16xi32>,
        %parallel_loop3A_968 = arith.constant 128 : i32
        %parallel_loop3A_969 = arith.muli %parallel_loop3A_330, %parallel_loop3A_968 : i32
        %parallel_loop3A_970 = arith.constant 112 : i32
        %parallel_loop3A_971 = arith.addi %parallel_loop3A_969, %parallel_loop3A_970 : i32
        %parallel_loop3A_972 = arith.constant 0 : i32
        %parallel_loop3A_973 = arith.index_cast %parallel_loop3A_972 : i32 to index
        %parallel_loop3A_974 = arith.index_cast %parallel_loop3A_971 : i32 to index
        %parallel_loop3A_975 = tpu.vector_load %arg9[%parallel_loop3A_973, %parallel_loop3A_974] {strides = array<i32>} : memref<3x2304xi32, #tpu.memory_space<vmem>>, vector<16xi32>,
        %parallel_loop3A_976 = arith.constant 1 : i32
        %parallel_loop3A_977 = arith.index_cast %parallel_loop3A_976 : i32 to index
        %parallel_loop3A_978 = arith.index_cast %parallel_loop3A_971 : i32 to index
        %parallel_loop3A_979 = tpu.vector_load %arg9[%parallel_loop3A_977, %parallel_loop3A_978] {strides = array<i32>} : memref<3x2304xi32, #tpu.memory_space<vmem>>, vector<16xi32>,
        %parallel_loop3A_980 = arith.constant 2 : i32
        %parallel_loop3A_981 = arith.index_cast %parallel_loop3A_980 : i32 to index
        %parallel_loop3A_982 = arith.index_cast %parallel_loop3A_971 : i32 to index
        %parallel_loop3A_983 = tpu.vector_load %arg9[%parallel_loop3A_981, %parallel_loop3A_982] {strides = array<i32>} : memref<3x2304xi32, #tpu.memory_space<vmem>>, vector<16xi32>,
        %parallel_loop3A_984 = tpu.vector_load_idx %arg14[%parallel_loop3A_975] : memref<384xf32, #tpu.memory_space<vmem>>[vector<16xi32>], vector<16xf32>,
        %parallel_loop3A_985 = tpu.vector_load_idx %arg14[%parallel_loop3A_979] : memref<384xf32, #tpu.memory_space<vmem>>[vector<16xi32>], vector<16xf32>,
        %parallel_loop3A_986 = tpu.vector_load_idx %arg14[%parallel_loop3A_983] : memref<384xf32, #tpu.memory_space<vmem>>[vector<16xi32>], vector<16xf32>,
        %parallel_loop3A_987 = arith.mulf %parallel_loop3A_984, %get3A_5 : vector<16xf32>
        %parallel_loop3A_988 = arith.mulf %parallel_loop3A_985, %get3A_7 : vector<16xf32>
        %parallel_loop3A_989 = arith.addf %parallel_loop3A_987, %parallel_loop3A_988 : vector<16xf32>
        %parallel_loop3A_990 = arith.mulf %parallel_loop3A_986, %get3A_9 : vector<16xf32>
        %parallel_loop3A_991 = arith.addf %parallel_loop3A_989, %parallel_loop3A_990 : vector<16xf32>
        %parallel_loop3A_992 = arith.mulf %parallel_loop3A_984, %get3A_11 : vector<16xf32>
        %parallel_loop3A_993 = arith.mulf %parallel_loop3A_985, %get3A_13 : vector<16xf32>
        %parallel_loop3A_994 = arith.addf %parallel_loop3A_992, %parallel_loop3A_993 : vector<16xf32>
        %parallel_loop3A_995 = arith.mulf %parallel_loop3A_986, %get3A_15 : vector<16xf32>
        %parallel_loop3A_996 = arith.addf %parallel_loop3A_994, %parallel_loop3A_995 : vector<16xf32>
        %parallel_loop3A_997 = arith.mulf %parallel_loop3A_984, %get3A_17 : vector<16xf32>
        %parallel_loop3A_998 = arith.mulf %parallel_loop3A_985, %get3A_19 : vector<16xf32>
        %parallel_loop3A_999 = arith.addf %parallel_loop3A_997, %parallel_loop3A_998 : vector<16xf32>
        %parallel_loop3A_1000 = arith.mulf %parallel_loop3A_986, %get3A_21 : vector<16xf32>
        %parallel_loop3A_1001 = arith.addf %parallel_loop3A_999, %parallel_loop3A_1000 : vector<16xf32>
        %parallel_loop3A_1002 = arith.mulf %parallel_loop3A_991, %parallel_loop3A_991 : vector<16xf32>
        %parallel_loop3A_1003 = arith.mulf %parallel_loop3A_996, %parallel_loop3A_996 : vector<16xf32>
        %parallel_loop3A_1004 = arith.addf %parallel_loop3A_1002, %parallel_loop3A_1003 : vector<16xf32>
        %parallel_loop3A_1005 = arith.mulf %parallel_loop3A_1001, %parallel_loop3A_1001 : vector<16xf32>
        %parallel_loop3A_1006 = arith.addf %parallel_loop3A_1004, %parallel_loop3A_1005 : vector<16xf32>
        %parallel_loop3A_1007 = arith.constant 9.99999996E-13 : f32
        %parallel_loop3A_1008 = vector.broadcast %parallel_loop3A_1007 : f32 to vector<16xf32>
        %parallel_loop3A_1009 = arith.maximumf %parallel_loop3A_1006, %parallel_loop3A_1008 : vector<16xf32>
        %parallel_loop3A_1010 = tpu.bitcast %parallel_loop3A_1009 : vector<16xf32> -> vector<16xi32>
        %parallel_loop3A_1011 = arith.constant 1 : i32
        %parallel_loop3A_1012 = vector.broadcast %parallel_loop3A_1011 : i32 to vector<16xi32>
        %parallel_loop3A_1013 = arith.shrsi %parallel_loop3A_1010, %parallel_loop3A_1012 : vector<16xi32>
        %parallel_loop3A_1014 = arith.subi %broadcast_in_dim3A_31, %parallel_loop3A_1013 : vector<16xi32>
        %parallel_loop3A_1015 = tpu.bitcast %parallel_loop3A_1014 : vector<16xi32> -> vector<16xf32>
        %parallel_loop3A_1016 = arith.mulf %broadcast_in_dim3A_27, %parallel_loop3A_1009 : vector<16xf32>
        %parallel_loop3A_1017 = arith.mulf %parallel_loop3A_1016, %parallel_loop3A_1015 : vector<16xf32>
        %parallel_loop3A_1018 = arith.mulf %parallel_loop3A_1017, %parallel_loop3A_1015 : vector<16xf32>
        %parallel_loop3A_1019 = arith.subf %broadcast_in_dim3A_29, %parallel_loop3A_1018 : vector<16xf32>
        %parallel_loop3A_1020 = arith.mulf %parallel_loop3A_1015, %parallel_loop3A_1019 : vector<16xf32>
        %parallel_loop3A_1021 = arith.mulf %parallel_loop3A_1016, %parallel_loop3A_1020 : vector<16xf32>
        %parallel_loop3A_1022 = arith.mulf %parallel_loop3A_1021, %parallel_loop3A_1020 : vector<16xf32>
        %parallel_loop3A_1023 = arith.subf %broadcast_in_dim3A_29, %parallel_loop3A_1022 : vector<16xf32>
        %parallel_loop3A_1024 = arith.mulf %parallel_loop3A_1020, %parallel_loop3A_1023 : vector<16xf32>
        %parallel_loop3A_1025 = arith.mulf %parallel_loop3A_1009, %parallel_loop3A_1024 : vector<16xf32>
        %parallel_loop3A_1026 = arith.minimumf %parallel_loop3A_1025, %broadcast_in_dim3A_35 : vector<16xf32>
        %parallel_loop3A_1027 = arith.mulf %parallel_loop3A_1026, %broadcast_in_dim3A_25 : vector<16xf32>
        %parallel_loop3A_1028 = arith.fptosi %parallel_loop3A_1027 : vector<16xf32> to vector<16xi32>
        %parallel_loop3A_1029 = tpu.vector_load_idx %arg13[%parallel_loop3A_1028] : memref<512xf32, #tpu.memory_space<vmem>>[vector<16xi32>], vector<16xf32>,
        %parallel_loop3A_1030 = arith.constant 1 : i32
        %parallel_loop3A_1031 = vector.broadcast %parallel_loop3A_1030 : i32 to vector<16xi32>
        %parallel_loop3A_1032 = arith.addi %parallel_loop3A_1028, %parallel_loop3A_1031 : vector<16xi32>
        %parallel_loop3A_1033 = tpu.vector_load_idx %arg13[%parallel_loop3A_1032] : memref<512xf32, #tpu.memory_space<vmem>>[vector<16xi32>], vector<16xf32>,
        %parallel_loop3A_1034 = arith.cmpf oge, %parallel_loop3A_1009, %parallel_loop3A_1033 : vector<16xf32>
        %parallel_loop3A_1035 = arith.extui %parallel_loop3A_1034 : vector<16xi1> to vector<16xi32>
        %parallel_loop3A_1036 = arith.cmpf olt, %parallel_loop3A_1009, %parallel_loop3A_1029 : vector<16xf32>
        %parallel_loop3A_1037 = arith.extui %parallel_loop3A_1036 : vector<16xi1> to vector<16xi32>
        %parallel_loop3A_1038 = arith.addi %parallel_loop3A_1028, %parallel_loop3A_1035 : vector<16xi32>
        %parallel_loop3A_1039 = arith.subi %parallel_loop3A_1038, %parallel_loop3A_1037 : vector<16xi32>
        %parallel_loop3A_1040 = arith.constant 300 : i32
        %parallel_loop3A_1041 = vector.broadcast %parallel_loop3A_1040 : i32 to vector<16xi32>
        %parallel_loop3A_1042 = arith.minsi %parallel_loop3A_1039, %parallel_loop3A_1041 : vector<16xi32>
        %parallel_loop3A_1043 = tpu.vector_load_idx %arg12[%parallel_loop3A_1042] : memref<384xf32, #tpu.memory_space<vmem>>[vector<16xi32>], vector<16xf32>,
        %parallel_loop3A_1044 = arith.cmpf ole, %parallel_loop3A_1006, %broadcast_in_dim3A_22 : vector<16xf32>
        %parallel_loop3A_1045 = arith.mulf %parallel_loop3A_1043, %get3A_81 : vector<16xf32>
        %parallel_loop3A_1046 = arith.constant 0.000000e+00 : f32
        %parallel_loop3A_1047 = vector.broadcast %parallel_loop3A_1046 : f32 to vector<16xf32>
        %parallel_loop3A_1048 = arith.select %parallel_loop3A_1044, %parallel_loop3A_1045, %parallel_loop3A_1047 : vector<16xi1>, vector<16xf32>
        %parallel_loop3A_1049 = tpu.vector_load_idx %arg15[%parallel_loop3A_975] : memref<384xi32, #tpu.memory_space<vmem>>[vector<16xi32>], vector<16xi32>,
        %parallel_loop3A_1050 = tpu.vector_load_idx %arg15[%parallel_loop3A_979] : memref<384xi32, #tpu.memory_space<vmem>>[vector<16xi32>], vector<16xi32>,
        %parallel_loop3A_1051 = tpu.vector_load_idx %arg15[%parallel_loop3A_983] : memref<384xi32, #tpu.memory_space<vmem>>[vector<16xi32>], vector<16xi32>,
        %parallel_loop3A_1052 = arith.addi %parallel_loop3A_1049, %parallel_loop3A_1050 : vector<16xi32>
        %parallel_loop3A_1053 = arith.addi %parallel_loop3A_1052, %parallel_loop3A_1051 : vector<16xi32>
        %parallel_loop3A_1054 = arith.index_cast %parallel_loop3A_971 : i32 to index
        %parallel_loop3A_1055 = tpu.vector_load %arg16[%parallel_loop3A_1054] {strides = array<i32>} : memref<2304xf32, #tpu.memory_space<vmem>>, vector<16xf32>,
        tpu.vector_store %arg16[%parallel_loop3A_1054], %parallel_loop3A_1048 {strides = array<i32>} : memref<2304xf32, #tpu.memory_space<vmem>>, vector<16xf32>,
        %parallel_loop3A_1056 = arith.index_cast %parallel_loop3A_330 : i32 to index
        %parallel_loop3A_1057 = arith.constant 112 : index
        %parallel_loop3A_1058 = tpu.vector_load %arg17[%parallel_loop3A_1056, %parallel_loop3A_1057] {strides = array<i32>} : memref<18x128xi32, #tpu.memory_space<vmem>>, vector<16xi32>,
        tpu.vector_store %arg17[%parallel_loop3A_1056, %parallel_loop3A_1057], %parallel_loop3A_1053 {strides = array<i32>} : memref<18x128xi32, #tpu.memory_space<vmem>>, vector<16xi32>,
        %parallel_loop3A_1059 = arith.constant 128 : i32
        %parallel_loop3A_1060 = arith.muli %parallel_loop3A_330, %parallel_loop3A_1059 : i32
        %parallel_loop3A_1061 = tpu.memref_slice %arg16[%parallel_loop3A_1060] : memref<2304xf32, #tpu.memory_space<vmem>> -> memref<128xf32, #tpu.memory_space<vmem>>
        %parallel_loop3A_1062 = arith.constant 0 : i32
        %parallel_loop3A_1063 = tpu.memref_slice %arg17[%parallel_loop3A_330, %parallel_loop3A_1062] : memref<18x128xi32, #tpu.memory_space<vmem>> -> memref<1x128xi32, #tpu.memory_space<vmem>>
        %parallel_loop3A_1064 = tpu.memref_squeeze %parallel_loop3A_1063 : memref<1x128xi32, #tpu.memory_space<vmem>> -> memref<128xi32, #tpu.memory_space<vmem>>
        %parallel_loop3A_1065 = arith.constant 0 : i32
        %parallel_loop3A_1066 = tpu.memref_slice %arg18[%parallel_loop3A_1065] : memref<884736xf32, #tpu.memory_space<vmem_shared>> -> memref<884736xf32, #tpu.memory_space<vmem_shared>>
        tpu.enqueue_indirect_dma source(%parallel_loop3A_1061 : memref<128xf32, #tpu.memory_space<vmem>>) target(%parallel_loop3A_1066 : memref<884736xf32, #tpu.memory_space<vmem_shared>>) offsets(%parallel_loop3A_1064 : memref<128xi32, #tpu.memory_space<vmem>>) semaphore(%arg19 : memref<!tpu.dma_semaphore, #tpu.memory_space<semaphore_mem>>) {add = true}
      } {sc.loop_unroll_factor = 3 : i64, sc.parallel_access}
      %dma_wait3A = arith.constant 0 : i32
      %dma_wait3A_186 = arith.constant 0 : i32
      %dma_wait3A_187 = tpu.memref_slice %arg16[%dma_wait3A_186] : memref<2304xf32, #tpu.memory_space<vmem>> -> memref<128xf32, #tpu.memory_space<vmem>>
      %dma_wait3A_188 = arith.constant 0 : i32
      %dma_wait3A_189 = tpu.memref_slice %arg17[%dma_wait3A, %dma_wait3A_188] : memref<18x128xi32, #tpu.memory_space<vmem>> -> memref<1x128xi32, #tpu.memory_space<vmem>>
      %dma_wait3A_190 = tpu.memref_squeeze %dma_wait3A_189 : memref<1x128xi32, #tpu.memory_space<vmem>> -> memref<128xi32, #tpu.memory_space<vmem>>
      %dma_wait3A_191 = arith.constant 0 : i32
      %dma_wait3A_192 = tpu.memref_slice %arg18[%dma_wait3A_191] : memref<884736xf32, #tpu.memory_space<vmem_shared>> -> memref<884736xf32, #tpu.memory_space<vmem_shared>>
      tpu.wait_indirect_dma semaphore(%arg19 : memref<!tpu.dma_semaphore, #tpu.memory_space<semaphore_mem>>) src(%dma_wait3A_187 : memref<128xf32, #tpu.memory_space<vmem>>) dst(%dma_wait3A_192 : memref<884736xf32, #tpu.memory_space<vmem_shared>>)
      %dma_wait3A_193 = arith.constant 1 : i32
      %dma_wait3A_194 = arith.constant 128 : i32
      %dma_wait3A_195 = tpu.memref_slice %arg16[%dma_wait3A_194] : memref<2304xf32, #tpu.memory_space<vmem>> -> memref<128xf32, #tpu.memory_space<vmem>>
      %dma_wait3A_196 = arith.constant 0 : i32
      %dma_wait3A_197 = tpu.memref_slice %arg17[%dma_wait3A_193, %dma_wait3A_196] : memref<18x128xi32, #tpu.memory_space<vmem>> -> memref<1x128xi32, #tpu.memory_space<vmem>>
      %dma_wait3A_198 = tpu.memref_squeeze %dma_wait3A_197 : memref<1x128xi32, #tpu.memory_space<vmem>> -> memref<128xi32, #tpu.memory_space<vmem>>
      %dma_wait3A_199 = arith.constant 0 : i32
      %dma_wait3A_200 = tpu.memref_slice %arg18[%dma_wait3A_199] : memref<884736xf32, #tpu.memory_space<vmem_shared>> -> memref<884736xf32, #tpu.memory_space<vmem_shared>>
      tpu.wait_indirect_dma semaphore(%arg19 : memref<!tpu.dma_semaphore, #tpu.memory_space<semaphore_mem>>) src(%dma_wait3A_195 : memref<128xf32, #tpu.memory_space<vmem>>) dst(%dma_wait3A_200 : memref<884736xf32, #tpu.memory_space<vmem_shared>>)
      %dma_wait3A_201 = arith.constant 2 : i32
      %dma_wait3A_202 = arith.constant 256 : i32
      %dma_wait3A_203 = tpu.memref_slice %arg16[%dma_wait3A_202] : memref<2304xf32, #tpu.memory_space<vmem>> -> memref<128xf32, #tpu.memory_space<vmem>>
      %dma_wait3A_204 = arith.constant 0 : i32
      %dma_wait3A_205 = tpu.memref_slice %arg17[%dma_wait3A_201, %dma_wait3A_204] : memref<18x128xi32, #tpu.memory_space<vmem>> -> memref<1x128xi32, #tpu.memory_space<vmem>>
      %dma_wait3A_206 = tpu.memref_squeeze %dma_wait3A_205 : memref<1x128xi32, #tpu.memory_space<vmem>> -> memref<128xi32, #tpu.memory_space<vmem>>
      %dma_wait3A_207 = arith.constant 0 : i32
      %dma_wait3A_208 = tpu.memref_slice %arg18[%dma_wait3A_207] : memref<884736xf32, #tpu.memory_space<vmem_shared>> -> memref<884736xf32, #tpu.memory_space<vmem_shared>>
      tpu.wait_indirect_dma semaphore(%arg19 : memref<!tpu.dma_semaphore, #tpu.memory_space<semaphore_mem>>) src(%dma_wait3A_203 : memref<128xf32, #tpu.memory_space<vmem>>) dst(%dma_wait3A_208 : memref<884736xf32, #tpu.memory_space<vmem_shared>>)
      %dma_wait3A_209 = arith.constant 3 : i32
      %dma_wait3A_210 = arith.constant 384 : i32
      %dma_wait3A_211 = tpu.memref_slice %arg16[%dma_wait3A_210] : memref<2304xf32, #tpu.memory_space<vmem>> -> memref<128xf32, #tpu.memory_space<vmem>>
      %dma_wait3A_212 = arith.constant 0 : i32
      %dma_wait3A_213 = tpu.memref_slice %arg17[%dma_wait3A_209, %dma_wait3A_212] : memref<18x128xi32, #tpu.memory_space<vmem>> -> memref<1x128xi32, #tpu.memory_space<vmem>>
      %dma_wait3A_214 = tpu.memref_squeeze %dma_wait3A_213 : memref<1x128xi32, #tpu.memory_space<vmem>> -> memref<128xi32, #tpu.memory_space<vmem>>
      %dma_wait3A_215 = arith.constant 0 : i32
      %dma_wait3A_216 = tpu.memref_slice %arg18[%dma_wait3A_215] : memref<884736xf32, #tpu.memory_space<vmem_shared>> -> memref<884736xf32, #tpu.memory_space<vmem_shared>>
      tpu.wait_indirect_dma semaphore(%arg19 : memref<!tpu.dma_semaphore, #tpu.memory_space<semaphore_mem>>) src(%dma_wait3A_211 : memref<128xf32, #tpu.memory_space<vmem>>) dst(%dma_wait3A_216 : memref<884736xf32, #tpu.memory_space<vmem_shared>>)
      %dma_wait3A_217 = arith.constant 4 : i32
      %dma_wait3A_218 = arith.constant 512 : i32
      %dma_wait3A_219 = tpu.memref_slice %arg16[%dma_wait3A_218] : memref<2304xf32, #tpu.memory_space<vmem>> -> memref<128xf32, #tpu.memory_space<vmem>>
      %dma_wait3A_220 = arith.constant 0 : i32
      %dma_wait3A_221 = tpu.memref_slice %arg17[%dma_wait3A_217, %dma_wait3A_220] : memref<18x128xi32, #tpu.memory_space<vmem>> -> memref<1x128xi32, #tpu.memory_space<vmem>>
      %dma_wait3A_222 = tpu.memref_squeeze %dma_wait3A_221 : memref<1x128xi32, #tpu.memory_space<vmem>> -> memref<128xi32, #tpu.memory_space<vmem>>
      %dma_wait3A_223 = arith.constant 0 : i32
      %dma_wait3A_224 = tpu.memref_slice %arg18[%dma_wait3A_223] : memref<884736xf32, #tpu.memory_space<vmem_shared>> -> memref<884736xf32, #tpu.memory_space<vmem_shared>>
      tpu.wait_indirect_dma semaphore(%arg19 : memref<!tpu.dma_semaphore, #tpu.memory_space<semaphore_mem>>) src(%dma_wait3A_219 : memref<128xf32, #tpu.memory_space<vmem>>) dst(%dma_wait3A_224 : memref<884736xf32, #tpu.memory_space<vmem_shared>>)
      %dma_wait3A_225 = arith.constant 5 : i32
      %dma_wait3A_226 = arith.constant 640 : i32
      %dma_wait3A_227 = tpu.memref_slice %arg16[%dma_wait3A_226] : memref<2304xf32, #tpu.memory_space<vmem>> -> memref<128xf32, #tpu.memory_space<vmem>>
      %dma_wait3A_228 = arith.constant 0 : i32
      %dma_wait3A_229 = tpu.memref_slice %arg17[%dma_wait3A_225, %dma_wait3A_228] : memref<18x128xi32, #tpu.memory_space<vmem>> -> memref<1x128xi32, #tpu.memory_space<vmem>>
      %dma_wait3A_230 = tpu.memref_squeeze %dma_wait3A_229 : memref<1x128xi32, #tpu.memory_space<vmem>> -> memref<128xi32, #tpu.memory_space<vmem>>
      %dma_wait3A_231 = arith.constant 0 : i32
      %dma_wait3A_232 = tpu.memref_slice %arg18[%dma_wait3A_231] : memref<884736xf32, #tpu.memory_space<vmem_shared>> -> memref<884736xf32, #tpu.memory_space<vmem_shared>>
      tpu.wait_indirect_dma semaphore(%arg19 : memref<!tpu.dma_semaphore, #tpu.memory_space<semaphore_mem>>) src(%dma_wait3A_227 : memref<128xf32, #tpu.memory_space<vmem>>) dst(%dma_wait3A_232 : memref<884736xf32, #tpu.memory_space<vmem_shared>>)
      %dma_wait3A_233 = arith.constant 6 : i32
      %dma_wait3A_234 = arith.constant 768 : i32
      %dma_wait3A_235 = tpu.memref_slice %arg16[%dma_wait3A_234] : memref<2304xf32, #tpu.memory_space<vmem>> -> memref<128xf32, #tpu.memory_space<vmem>>
      %dma_wait3A_236 = arith.constant 0 : i32
      %dma_wait3A_237 = tpu.memref_slice %arg17[%dma_wait3A_233, %dma_wait3A_236] : memref<18x128xi32, #tpu.memory_space<vmem>> -> memref<1x128xi32, #tpu.memory_space<vmem>>
      %dma_wait3A_238 = tpu.memref_squeeze %dma_wait3A_237 : memref<1x128xi32, #tpu.memory_space<vmem>> -> memref<128xi32, #tpu.memory_space<vmem>>
      %dma_wait3A_239 = arith.constant 0 : i32
      %dma_wait3A_240 = tpu.memref_slice %arg18[%dma_wait3A_239] : memref<884736xf32, #tpu.memory_space<vmem_shared>> -> memref<884736xf32, #tpu.memory_space<vmem_shared>>
      tpu.wait_indirect_dma semaphore(%arg19 : memref<!tpu.dma_semaphore, #tpu.memory_space<semaphore_mem>>) src(%dma_wait3A_235 : memref<128xf32, #tpu.memory_space<vmem>>) dst(%dma_wait3A_240 : memref<884736xf32, #tpu.memory_space<vmem_shared>>)
      %dma_wait3A_241 = arith.constant 7 : i32
      %dma_wait3A_242 = arith.constant 896 : i32
      %dma_wait3A_243 = tpu.memref_slice %arg16[%dma_wait3A_242] : memref<2304xf32, #tpu.memory_space<vmem>> -> memref<128xf32, #tpu.memory_space<vmem>>
      %dma_wait3A_244 = arith.constant 0 : i32
      %dma_wait3A_245 = tpu.memref_slice %arg17[%dma_wait3A_241, %dma_wait3A_244] : memref<18x128xi32, #tpu.memory_space<vmem>> -> memref<1x128xi32, #tpu.memory_space<vmem>>
      %dma_wait3A_246 = tpu.memref_squeeze %dma_wait3A_245 : memref<1x128xi32, #tpu.memory_space<vmem>> -> memref<128xi32, #tpu.memory_space<vmem>>
      %dma_wait3A_247 = arith.constant 0 : i32
      %dma_wait3A_248 = tpu.memref_slice %arg18[%dma_wait3A_247] : memref<884736xf32, #tpu.memory_space<vmem_shared>> -> memref<884736xf32, #tpu.memory_space<vmem_shared>>
      tpu.wait_indirect_dma semaphore(%arg19 : memref<!tpu.dma_semaphore, #tpu.memory_space<semaphore_mem>>) src(%dma_wait3A_243 : memref<128xf32, #tpu.memory_space<vmem>>) dst(%dma_wait3A_248 : memref<884736xf32, #tpu.memory_space<vmem_shared>>)
      %dma_wait3A_249 = arith.constant 8 : i32
      %dma_wait3A_250 = arith.constant 1024 : i32
      %dma_wait3A_251 = tpu.memref_slice %arg16[%dma_wait3A_250] : memref<2304xf32, #tpu.memory_space<vmem>> -> memref<128xf32, #tpu.memory_space<vmem>>
      %dma_wait3A_252 = arith.constant 0 : i32
      %dma_wait3A_253 = tpu.memref_slice %arg17[%dma_wait3A_249, %dma_wait3A_252] : memref<18x128xi32, #tpu.memory_space<vmem>> -> memref<1x128xi32, #tpu.memory_space<vmem>>
      %dma_wait3A_254 = tpu.memref_squeeze %dma_wait3A_253 : memref<1x128xi32, #tpu.memory_space<vmem>> -> memref<128xi32, #tpu.memory_space<vmem>>
      %dma_wait3A_255 = arith.constant 0 : i32
      %dma_wait3A_256 = tpu.memref_slice %arg18[%dma_wait3A_255] : memref<884736xf32, #tpu.memory_space<vmem_shared>> -> memref<884736xf32, #tpu.memory_space<vmem_shared>>
      tpu.wait_indirect_dma semaphore(%arg19 : memref<!tpu.dma_semaphore, #tpu.memory_space<semaphore_mem>>) src(%dma_wait3A_251 : memref<128xf32, #tpu.memory_space<vmem>>) dst(%dma_wait3A_256 : memref<884736xf32, #tpu.memory_space<vmem_shared>>)
      %dma_wait3A_257 = arith.constant 9 : i32
      %dma_wait3A_258 = arith.constant 1152 : i32
      %dma_wait3A_259 = tpu.memref_slice %arg16[%dma_wait3A_258] : memref<2304xf32, #tpu.memory_space<vmem>> -> memref<128xf32, #tpu.memory_space<vmem>>
      %dma_wait3A_260 = arith.constant 0 : i32
      %dma_wait3A_261 = tpu.memref_slice %arg17[%dma_wait3A_257, %dma_wait3A_260] : memref<18x128xi32, #tpu.memory_space<vmem>> -> memref<1x128xi32, #tpu.memory_space<vmem>>
      %dma_wait3A_262 = tpu.memref_squeeze %dma_wait3A_261 : memref<1x128xi32, #tpu.memory_space<vmem>> -> memref<128xi32, #tpu.memory_space<vmem>>
      %dma_wait3A_263 = arith.constant 0 : i32
      %dma_wait3A_264 = tpu.memref_slice %arg18[%dma_wait3A_263] : memref<884736xf32, #tpu.memory_space<vmem_shared>> -> memref<884736xf32, #tpu.memory_space<vmem_shared>>
      tpu.wait_indirect_dma semaphore(%arg19 : memref<!tpu.dma_semaphore, #tpu.memory_space<semaphore_mem>>) src(%dma_wait3A_259 : memref<128xf32, #tpu.memory_space<vmem>>) dst(%dma_wait3A_264 : memref<884736xf32, #tpu.memory_space<vmem_shared>>)
      %dma_wait3A_265 = arith.constant 10 : i32
      %dma_wait3A_266 = arith.constant 1280 : i32
      %dma_wait3A_267 = tpu.memref_slice %arg16[%dma_wait3A_266] : memref<2304xf32, #tpu.memory_space<vmem>> -> memref<128xf32, #tpu.memory_space<vmem>>
      %dma_wait3A_268 = arith.constant 0 : i32
      %dma_wait3A_269 = tpu.memref_slice %arg17[%dma_wait3A_265, %dma_wait3A_268] : memref<18x128xi32, #tpu.memory_space<vmem>> -> memref<1x128xi32, #tpu.memory_space<vmem>>
      %dma_wait3A_270 = tpu.memref_squeeze %dma_wait3A_269 : memref<1x128xi32, #tpu.memory_space<vmem>> -> memref<128xi32, #tpu.memory_space<vmem>>
      %dma_wait3A_271 = arith.constant 0 : i32
      %dma_wait3A_272 = tpu.memref_slice %arg18[%dma_wait3A_271] : memref<884736xf32, #tpu.memory_space<vmem_shared>> -> memref<884736xf32, #tpu.memory_space<vmem_shared>>
      tpu.wait_indirect_dma semaphore(%arg19 : memref<!tpu.dma_semaphore, #tpu.memory_space<semaphore_mem>>) src(%dma_wait3A_267 : memref<128xf32, #tpu.memory_space<vmem>>) dst(%dma_wait3A_272 : memref<884736xf32, #tpu.memory_space<vmem_shared>>)
      %dma_wait3A_273 = arith.constant 11 : i32
      %dma_wait3A_274 = arith.constant 1408 : i32
      %dma_wait3A_275 = tpu.memref_slice %arg16[%dma_wait3A_274] : memref<2304xf32, #tpu.memory_space<vmem>> -> memref<128xf32, #tpu.memory_space<vmem>>
      %dma_wait3A_276 = arith.constant 0 : i32
      %dma_wait3A_277 = tpu.memref_slice %arg17[%dma_wait3A_273, %dma_wait3A_276] : memref<18x128xi32, #tpu.memory_space<vmem>> -> memref<1x128xi32, #tpu.memory_space<vmem>>
      %dma_wait3A_278 = tpu.memref_squeeze %dma_wait3A_277 : memref<1x128xi32, #tpu.memory_space<vmem>> -> memref<128xi32, #tpu.memory_space<vmem>>
      %dma_wait3A_279 = arith.constant 0 : i32
      %dma_wait3A_280 = tpu.memref_slice %arg18[%dma_wait3A_279] : memref<884736xf32, #tpu.memory_space<vmem_shared>> -> memref<884736xf32, #tpu.memory_space<vmem_shared>>
      tpu.wait_indirect_dma semaphore(%arg19 : memref<!tpu.dma_semaphore, #tpu.memory_space<semaphore_mem>>) src(%dma_wait3A_275 : memref<128xf32, #tpu.memory_space<vmem>>) dst(%dma_wait3A_280 : memref<884736xf32, #tpu.memory_space<vmem_shared>>)
      %dma_wait3A_281 = arith.constant 12 : i32
      %dma_wait3A_282 = arith.constant 1536 : i32
      %dma_wait3A_283 = tpu.memref_slice %arg16[%dma_wait3A_282] : memref<2304xf32, #tpu.memory_space<vmem>> -> memref<128xf32, #tpu.memory_space<vmem>>
      %dma_wait3A_284 = arith.constant 0 : i32
      %dma_wait3A_285 = tpu.memref_slice %arg17[%dma_wait3A_281, %dma_wait3A_284] : memref<18x128xi32, #tpu.memory_space<vmem>> -> memref<1x128xi32, #tpu.memory_space<vmem>>
      %dma_wait3A_286 = tpu.memref_squeeze %dma_wait3A_285 : memref<1x128xi32, #tpu.memory_space<vmem>> -> memref<128xi32, #tpu.memory_space<vmem>>
      %dma_wait3A_287 = arith.constant 0 : i32
      %dma_wait3A_288 = tpu.memref_slice %arg18[%dma_wait3A_287] : memref<884736xf32, #tpu.memory_space<vmem_shared>> -> memref<884736xf32, #tpu.memory_space<vmem_shared>>
      tpu.wait_indirect_dma semaphore(%arg19 : memref<!tpu.dma_semaphore, #tpu.memory_space<semaphore_mem>>) src(%dma_wait3A_283 : memref<128xf32, #tpu.memory_space<vmem>>) dst(%dma_wait3A_288 : memref<884736xf32, #tpu.memory_space<vmem_shared>>)
      %dma_wait3A_289 = arith.constant 13 : i32
      %dma_wait3A_290 = arith.constant 1664 : i32
      %dma_wait3A_291 = tpu.memref_slice %arg16[%dma_wait3A_290] : memref<2304xf32, #tpu.memory_space<vmem>> -> memref<128xf32, #tpu.memory_space<vmem>>
      %dma_wait3A_292 = arith.constant 0 : i32
      %dma_wait3A_293 = tpu.memref_slice %arg17[%dma_wait3A_289, %dma_wait3A_292] : memref<18x128xi32, #tpu.memory_space<vmem>> -> memref<1x128xi32, #tpu.memory_space<vmem>>
      %dma_wait3A_294 = tpu.memref_squeeze %dma_wait3A_293 : memref<1x128xi32, #tpu.memory_space<vmem>> -> memref<128xi32, #tpu.memory_space<vmem>>
      %dma_wait3A_295 = arith.constant 0 : i32
      %dma_wait3A_296 = tpu.memref_slice %arg18[%dma_wait3A_295] : memref<884736xf32, #tpu.memory_space<vmem_shared>> -> memref<884736xf32, #tpu.memory_space<vmem_shared>>
      tpu.wait_indirect_dma semaphore(%arg19 : memref<!tpu.dma_semaphore, #tpu.memory_space<semaphore_mem>>) src(%dma_wait3A_291 : memref<128xf32, #tpu.memory_space<vmem>>) dst(%dma_wait3A_296 : memref<884736xf32, #tpu.memory_space<vmem_shared>>)
      %dma_wait3A_297 = arith.constant 14 : i32
      %dma_wait3A_298 = arith.constant 1792 : i32
      %dma_wait3A_299 = tpu.memref_slice %arg16[%dma_wait3A_298] : memref<2304xf32, #tpu.memory_space<vmem>> -> memref<128xf32, #tpu.memory_space<vmem>>
      %dma_wait3A_300 = arith.constant 0 : i32
      %dma_wait3A_301 = tpu.memref_slice %arg17[%dma_wait3A_297, %dma_wait3A_300] : memref<18x128xi32, #tpu.memory_space<vmem>> -> memref<1x128xi32, #tpu.memory_space<vmem>>
      %dma_wait3A_302 = tpu.memref_squeeze %dma_wait3A_301 : memref<1x128xi32, #tpu.memory_space<vmem>> -> memref<128xi32, #tpu.memory_space<vmem>>
      %dma_wait3A_303 = arith.constant 0 : i32
      %dma_wait3A_304 = tpu.memref_slice %arg18[%dma_wait3A_303] : memref<884736xf32, #tpu.memory_space<vmem_shared>> -> memref<884736xf32, #tpu.memory_space<vmem_shared>>
      tpu.wait_indirect_dma semaphore(%arg19 : memref<!tpu.dma_semaphore, #tpu.memory_space<semaphore_mem>>) src(%dma_wait3A_299 : memref<128xf32, #tpu.memory_space<vmem>>) dst(%dma_wait3A_304 : memref<884736xf32, #tpu.memory_space<vmem_shared>>)
      %dma_wait3A_305 = arith.constant 15 : i32
      %dma_wait3A_306 = arith.constant 1920 : i32
      %dma_wait3A_307 = tpu.memref_slice %arg16[%dma_wait3A_306] : memref<2304xf32, #tpu.memory_space<vmem>> -> memref<128xf32, #tpu.memory_space<vmem>>
      %dma_wait3A_308 = arith.constant 0 : i32
      %dma_wait3A_309 = tpu.memref_slice %arg17[%dma_wait3A_305, %dma_wait3A_308] : memref<18x128xi32, #tpu.memory_space<vmem>> -> memref<1x128xi32, #tpu.memory_space<vmem>>
      %dma_wait3A_310 = tpu.memref_squeeze %dma_wait3A_309 : memref<1x128xi32, #tpu.memory_space<vmem>> -> memref<128xi32, #tpu.memory_space<vmem>>
      %dma_wait3A_311 = arith.constant 0 : i32
      %dma_wait3A_312 = tpu.memref_slice %arg18[%dma_wait3A_311] : memref<884736xf32, #tpu.memory_space<vmem_shared>> -> memref<884736xf32, #tpu.memory_space<vmem_shared>>
      tpu.wait_indirect_dma semaphore(%arg19 : memref<!tpu.dma_semaphore, #tpu.memory_space<semaphore_mem>>) src(%dma_wait3A_307 : memref<128xf32, #tpu.memory_space<vmem>>) dst(%dma_wait3A_312 : memref<884736xf32, #tpu.memory_space<vmem_shared>>)
      %dma_wait3A_313 = arith.constant 16 : i32
      %dma_wait3A_314 = arith.constant 2048 : i32
      %dma_wait3A_315 = tpu.memref_slice %arg16[%dma_wait3A_314] : memref<2304xf32, #tpu.memory_space<vmem>> -> memref<128xf32, #tpu.memory_space<vmem>>
      %dma_wait3A_316 = arith.constant 0 : i32
      %dma_wait3A_317 = tpu.memref_slice %arg17[%dma_wait3A_313, %dma_wait3A_316] : memref<18x128xi32, #tpu.memory_space<vmem>> -> memref<1x128xi32, #tpu.memory_space<vmem>>
      %dma_wait3A_318 = tpu.memref_squeeze %dma_wait3A_317 : memref<1x128xi32, #tpu.memory_space<vmem>> -> memref<128xi32, #tpu.memory_space<vmem>>
      %dma_wait3A_319 = arith.constant 0 : i32
      %dma_wait3A_320 = tpu.memref_slice %arg18[%dma_wait3A_319] : memref<884736xf32, #tpu.memory_space<vmem_shared>> -> memref<884736xf32, #tpu.memory_space<vmem_shared>>
      tpu.wait_indirect_dma semaphore(%arg19 : memref<!tpu.dma_semaphore, #tpu.memory_space<semaphore_mem>>) src(%dma_wait3A_315 : memref<128xf32, #tpu.memory_space<vmem>>) dst(%dma_wait3A_320 : memref<884736xf32, #tpu.memory_space<vmem_shared>>)
      %dma_wait3A_321 = arith.constant 17 : i32
      %dma_wait3A_322 = arith.constant 2176 : i32
      %dma_wait3A_323 = tpu.memref_slice %arg16[%dma_wait3A_322] : memref<2304xf32, #tpu.memory_space<vmem>> -> memref<128xf32, #tpu.memory_space<vmem>>
      %dma_wait3A_324 = arith.constant 0 : i32
      %dma_wait3A_325 = tpu.memref_slice %arg17[%dma_wait3A_321, %dma_wait3A_324] : memref<18x128xi32, #tpu.memory_space<vmem>> -> memref<1x128xi32, #tpu.memory_space<vmem>>
      %dma_wait3A_326 = tpu.memref_squeeze %dma_wait3A_325 : memref<1x128xi32, #tpu.memory_space<vmem>> -> memref<128xi32, #tpu.memory_space<vmem>>
      %dma_wait3A_327 = arith.constant 0 : i32
      %dma_wait3A_328 = tpu.memref_slice %arg18[%dma_wait3A_327] : memref<884736xf32, #tpu.memory_space<vmem_shared>> -> memref<884736xf32, #tpu.memory_space<vmem_shared>>
      tpu.wait_indirect_dma semaphore(%arg19 : memref<!tpu.dma_semaphore, #tpu.memory_space<semaphore_mem>>) src(%dma_wait3A_323 : memref<128xf32, #tpu.memory_space<vmem>>) dst(%dma_wait3A_328 : memref<884736xf32, #tpu.memory_space<vmem_shared>>)
      %scan3A_329 = arith.constant 0 : i32
      scf.yield %scan3A_329 : i32
    }
    %scan3A_41 = arith.constant 32 : i32
    %barrier3A_42 = arith.constant 0 : index
    tpu.barrier barrier_id(%barrier3A_42)
    %mul3A_43 = arith.constant 55296 : i32
    %mul3A_44 = arith.muli %arg1, %mul3A_43 : i32
    %mul3A_45 = arith.constant 55296 : i32
    %mul3A_46 = arith.muli %arg1, %mul3A_45 : i32
    "tpu.region"() ({
      %run_scoped3A = tpu.sem_alloc : memref<!tpu.dma_semaphore, #tpu.memory_space<semaphore_mem>>
      %dma_start3A = tpu.memref_slice %arg8[%arg0, %mul3A_46] : memref<2x884736xf32, #tpu.memory_space<hbm>> -> memref<1x55296xf32, #tpu.memory_space<hbm>>
      %dma_start3A_47 = tpu.memref_squeeze %dma_start3A : memref<1x55296xf32, #tpu.memory_space<hbm>> -> memref<55296xf32, #tpu.memory_space<hbm>>
      %dma_start3A_48 = tpu.memref_slice %arg18[%mul3A_44] : memref<884736xf32, #tpu.memory_space<vmem_shared>> -> memref<55296xf32, #tpu.memory_space<vmem_shared>>
      tpu.enqueue_dma source(%dma_start3A_48 : memref<55296xf32, #tpu.memory_space<vmem_shared>>) target(%dma_start3A_47 : memref<55296xf32, #tpu.memory_space<hbm>>) target_semaphore(%run_scoped3A : memref<!tpu.dma_semaphore, #tpu.memory_space<semaphore_mem>>)
      %dma_wait3A = tpu.memref_slice %arg8[%arg0, %mul3A_46] : memref<2x884736xf32, #tpu.memory_space<hbm>> -> memref<1x55296xf32, #tpu.memory_space<hbm>>
      %dma_wait3A_49 = tpu.memref_squeeze %dma_wait3A : memref<1x55296xf32, #tpu.memory_space<hbm>> -> memref<55296xf32, #tpu.memory_space<hbm>>
      %dma_wait3A_50 = tpu.memref_slice %arg18[%mul3A_44] : memref<884736xf32, #tpu.memory_space<vmem_shared>> -> memref<55296xf32, #tpu.memory_space<vmem_shared>>
      tpu.wait_dma2 semaphore(%run_scoped3A : memref<!tpu.dma_semaphore, #tpu.memory_space<semaphore_mem>>) src(%dma_wait3A_50 : memref<55296xf32, #tpu.memory_space<vmem_shared>>) dst(%dma_wait3A_49 : memref<55296xf32, #tpu.memory_space<hbm>>)
      tpu.yield
    }) : () -> ()
    return
  }
}

</mosaic_0001>

<sc_bundles>
// kernel: kernel.3.cloned.1.call-start
scs
__scs_entry_jumppad:
0x0: {  	(pc) =	sbr.rel $0x88, $3  }
0x1: {  	(tag) =	ssettag $0x0;
	lr =	simm.s32 $0x1  }
0x2: {  	[smem:$0x3F9A] =	sst lr;
	_ =	strace $0xD0000000  }
0x3: {  	_ = 	snop  }
0x4: {  	_ = 	snop  }
0x5: {  	_ = 	snop  }
0x6: {  	_ = 	snop  }
0x7: {  	_ = 	snop  }
__scs_overlays_trampoline_lowered:
0x8: {  	[smem:$0x3FA9] =	sst s0  }
0x9: {  	[smem:$0x3FAA] =	sst s1  }
0xa: {  	[smem:$0x3FAB] =	sst s2  }
0xb: {  	[smem:$0x3FAC] =	sst s3  }
0xc: {  	[smem:$0x3FAD] =	sst s4  }
0xd: {  	[smem:$0x3FAE] =	sst s5  }
0xe: {  	[smem:$0x3FAF] =	sst s6  }
0xf: {  	[smem:$0x3FB0] =	sst s7  }
0x10: {  	[smem:$0x3FB1] =	sst s8  }
0x11: {  	[smem:$0x3FB2] =	sst s9;
	s0 =	simm.s32 @!p0 $0x0  }
0x12: {  	s1 =	sld [smem:$0x3F98];
	s0 =	simm.s32 @p0 $0x1  }
0x13: {  	[smem:$0x3FB3] =	sst s0;
	s0 =	simm.s32 @!p1 $0x0  }
0x14: {  	s2 =	sld [smem:$0x3F97];
	s0 =	simm.s32 @p1 $0x1  }
0x15: {  	[smem:$0x3FB4] =	sst s0;
	s0 =	simm.s32 @!p2 $0x0  }
0x16: {  	s3 =	sld [smem:$0x3FDB];
	s0 =	simm.s32 @p2 $0x1  }
0x17: {  	s4 =	simm.s32 $0x1BF5;
	[smem:$0x3FB6] =	sst s0  }
0x18: {  	s0 =	sld [smem:$0x3F99];
	_ =	swait.ge [sflag:s4], $0x0  }
0x19: {  	s7 =	sld [smem:$0x3F9A]  }
0x1a: {  	s8 =	sadd.s32 $0xFFFFE003, lr  }
0x1b: {  	s9 =	sadd.s32 $0xFFFFFEF7, lr;
	s5 =	simm.s32 $0xFFFFFFFF;
	p2 =	slt.u32 s8, $0xFFFFF086  }
0x1c: {  	p1 =	slt.u32 s9, $0xF7A;
	s5 =	simm.s32 @!p2 $0x0  }
0x1d: {  	s5 =	simm.s32 @p1 $0x1;
	p0 =	seq.s32 s7, s2  }
0x1e: {  	s7 =	smul.u32 @!p0 $0xF7A, s2;
	p2 =	seq.s32 @!p0 s5, $0x0  }
0x1f: {  	s9 =	smul.u32 $0xF7A, s1;
	s8 =	simm.s32 @!p0 $0x1BF5;
	p2 =	por !p2, p0  }
0x20: {  	[sflag:s8] =	ssyncset.s32 @!p0 $0xFFFFF086;
	s6 =	sadd.s32 @!p0 s3, s7;
	s7 =	simm.s32 @!p0 $0x108  }
0x21: {  	s3 =	sadd.s32 s3, s9;
	s6 =	sadd.s32 @!p0 $0x88, s6;
	s7 =	simm.s32 @p2 $0x1082  }
0x22: {  	[simem:s7], [sflag:s8] =	dma.local @!p0 [hbm:s6], $0xF7A  }
0x23: {  	s9 =	sor.u32 $0xD0000000, s2;
	s6 =	simm.s32 $0x108;
	_ =	swait.ge @!p0 [sflag:s8], $0x0  }
0x24: {  	s3 =	sadd.s32 $0x88, s3;
	s6 =	simm.s32 @!p1 $0x1082;
	[sflag:s4] =	ssyncset.s32 $0xFFFFF086  }
0x25: {  	[simem:s6], [sflag:s4] =	dma.local [hbm:s3], $0xF7A  }
0x26: {  	[smem:$0x3F9A] =	sst s1;
	(tag) =	ssettag s2;
	_ =	strace s9  }
0x27: {  	s1 =	sld [smem:$0x3FAA]  }
0x28: {  	s2 =	sld [smem:$0x3FAB]  }
0x29: {  	s4 =	sld [smem:$0x3FAD]  }
0x2a: {  	p0 =	seq.s32 s5, $0x0;
	s5 =	sld [smem:$0x3FAE]  }
0x2b: {  	s6 =	sld [smem:$0x3FAF]  }
0x2c: {  	s7 =	sld [smem:$0x3FB0]  }
0x2d: {  	s3 =	simm.s32 $0x108;
	s8 =	sld [smem:$0x3FB1]  }
0x2e: {  	s3 =	simm.s32 @!p0 $0x1082;
	s9 =	sld [smem:$0x3FB2]  }
0x2f: {  	lr =	sadd.s32 s0, s3;
	s0 =	sld [smem:$0x3FA9]  }
0x30: {  	s3 =	sld [smem:$0x3FAC]  }
0x31: {  	[smem:$0x3FB5] =	sst s10  }
0x32: {  	s10 =	sld [smem:$0x3FB3];
	_ =	sdelay $0x3  }
0x33: {  	p0 =	seq.s32 s10, $0x1;
	s10 =	sld [smem:$0x3FB5];
	_ =	sdelay $0x3  }
0x34: {  	[smem:$0x3FB5] =	sst s10  }
0x35: {  	s10 =	sld [smem:$0x3FB4];
	_ =	sdelay $0x3  }
0x36: {  	p1 =	seq.s32 s10, $0x1;
	s10 =	sld [smem:$0x3FB5];
	_ =	sdelay $0x3  }
0x37: {  	[smem:$0x3FB5] =	sst s10  }
0x38: {  	s10 =	sld [smem:$0x3FB6]  }
0x39: {  	_ = 	snop;
	(pc) =	sbr.ind lr, $3  }
0x3a: {  	_ = 	snop  }
0x3b: {  	_ = 	snop  }
0x3c: {  	p2 =	seq.s32 s10, $0x1;
	s10 =	sld [smem:$0x3FB5]  }
0x3d: {  	_ =	shalt  }
0x3e: {  	_ =	shalt  }
0x3f: {  	_ =	shalt  }
0x40: {  	_ =	shalt  }
0x41: {  	_ =	shalt  }
0x42: {  	_ =	shalt  }
0x43: {  	_ =	shalt  }
0x44: {  	_ =	shalt  }
0x45: {  	_ =	shalt  }
0x46: {  	_ =	shalt  }
0x47: {  	_ =	shalt  }
0x48: {  	_ =	shalt  }
0x49: {  	_ =	shalt  }
0x4a: {  	_ =	shalt  }
0x4b: {  	_ =	shalt  }
0x4c: {  	_ =	shalt  }
0x4d: {  	_ =	shalt  }
0x4e: {  	_ =	shalt  }
0x4f: {  	_ =	shalt  }
0x50: {  	_ =	shalt  }
0x51: {  	_ =	shalt  }
0x52: {  	_ =	shalt  }
0x53: {  	_ =	shalt  }
0x54: {  	_ =	shalt  }
0x55: {  	_ =	shalt  }
0x56: {  	_ =	shalt  }
0x57: {  	_ =	shalt  }
0x58: {  	_ =	shalt  }
0x59: {  	_ =	shalt  }
0x5a: {  	_ =	shalt  }
0x5b: {  	_ =	shalt  }
0x5c: {  	_ =	shalt  }
0x5d: {  	_ =	shalt  }
0x5e: {  	_ =	shalt  }
0x5f: {  	_ =	shalt  }
0x60: {  	_ =	shalt  }
0x61: {  	_ =	shalt  }
0x62: {  	_ =	shalt  }
0x63: {  	_ =	shalt  }
0x64: {  	_ =	shalt  }
0x65: {  	_ =	shalt  }
0x66: {  	_ =	shalt  }
0x67: {  	_ =	shalt  }
0x68: {  	_ =	shalt  }
0x69: {  	_ =	shalt  }
0x6a: {  	_ =	shalt  }
0x6b: {  	_ =	shalt  }
0x6c: {  	_ =	shalt  }
0x6d: {  	_ =	shalt  }
0x6e: {  	_ =	shalt  }
0x6f: {  	_ =	shalt  }
0x70: {  	_ =	shalt  }
0x71: {  	_ =	shalt  }
0x72: {  	_ =	shalt  }
0x73: {  	_ =	shalt  }
0x74: {  	_ =	shalt  }
0x75: {  	_ =	shalt  }
0x76: {  	_ =	shalt  }
0x77: {  	_ =	shalt  }
0x78: {  	_ =	shalt  }
0x79: {  	_ =	shalt  }
0x7a: {  	_ =	shalt  }
0x7b: {  	_ =	shalt  }
0x7c: {  	_ =	shalt  }
0x7d: {  	_ =	shalt  }
0x7e: {  	_ =	shalt  }
0x7f: {  	_ =	shalt  }
0x80: {  	_ =	shalt  }
0x81: {  	_ =	shalt  }
0x82: {  	_ =	shalt  }
0x83: {  	_ =	shalt  }
0x84: {  	_ =	shalt  }
0x85: {  	_ =	shalt  }
0x86: {  	_ =	shalt  }
0x87: {  	_ =	shalt  }
.Lfunc_end0:
.L_simem_size_0:
called_computation_lowered:
.L_overlay_start_0:
0x88: {  	s2 =	sld [smem:$0x3FD9]  }
0x89: {  	s3 =	sld [smem:$0x3FFE];
	_ =	sdelay $0x1  }
0x8a: {  	s1 =	srdreg.scid  }
0x8b: {  	s0 =	sand.u32 $0x1, s1  }
0x8c: {  	s17 =	sshll.u32 s0, $0xA;
	s2 =	sadd.s32 s3, s2  }
0x8d: {  	s2 =	sadd.s32 s2, s17  }
0x8e: {  	[smem:$0x3FC1] =	sst s2  }
0x8f: {  	_ = 	snop  }
0x90: {  	s2 =	sld [smem:$0x3FD0];
	(tm) =	ssettm $0x1  }
0x91: {  	s18 =	sld [smem:$0x3FFB];
	_ =	sdelay $0x3  }
0x92: {  	_ =	strace s18  }
0x93: {  	s3 =	sld [smem:$0x3FFC];
	_ =	sdelay $0x3  }
0x94: {  	_ =	strace s3  }
0x95: {  	s3 =	sld [smem:$0x3FFD];
	_ =	sdelay $0x3  }
0x96: {  	_ =	strace s3  }
0x97: {  	_ =	strace $0x8FFFFFFF  }
0x98: {  	s19 =	sld [smem:$0x3FDB];
	_ =	sdelay $0x1  }
0x99: {  	s4 =	simm.s32 $_scs_section_size  }
0x9a: {  	s5 =	simm.s32 $_size__tile_overlayer_lowered;
	s6 =	simm.s32 $_tile_overlayer_lowered  }
0x9b: {  	s22 =	simm.s32 $0x1BFF;
	s21 =	sshll.u32 s6, $0x1;
	s3 =	sadd.s32 s4, s19  }
0x9c: {  	s7 =	simm.s32 $0x0;
	s20 =	sshll.u32 s5, $0x1;
	s5 =	sadd.s32 s21, s3  }
0x9d: {  	[timem:s7], [sflag:s22] =	dma.local [hbm:s5], s20  }
0x9e: {  	_ =	swait.ge [sflag:s22], s20  }
0x9f: {  	s4 =	ssub.s32 $0x0, s20;
	[sflag:s22] =	ssyncset.done $0x0  }
0xa0: {  	[sflag:s22] =	ssyncadd.s32 s4;
	_ =	sdelay $0x1  }
0xa1: {  	s23 =	simm.s32 $0x1B8B  }
0xa2: {  	_ =	swait.ge [sflag:s23], $0x1  }
0xa3: {  	[sflag:s23] =	ssyncset.done $0x0  }
0xa4: {  	s25 =	simm.s32 $0x1B8E;
	s24 =	sld [smem:$0x3FFE];
	[sflag:s23] =	ssyncadd.s32 $0xFFFFFFFF  }
0xa5: {  	s26 =	simm.s32 $execute0_lowered;
	[smem:$0x3FD2] =	sst s25  }
0xa6: {  	s5 =	sshll.u32 s26, $0x1;
	_ =	strace $0x80000046;
	[dreg:$0x1] =	wrdreg $0xFFFFFFFF  }
0xa7: {  	s28 =	simm.s32 $_size_execute0_lowered;
	s3 =	sadd.s32 s3, s5;
	[dreg:$0x0] =	wrdreg $0x0  }
0xa8: {  	s5 =	sshll.u32 s28, $0x1;
	[dreg:$0x2] =	wrdreg s3  }
0xa9: {  	[dreg:$0x3] =	wrdreg s5  }
0xaa: {  	[dreg:$0x4] =	wrdreg $0xC0  }
0xab: {  	_ =	task [dreg:s7], $0x5FFFF  }
0xac: {  	[dreg:$0x1] =	wrdreg $0xFFFFFFFF  }
0xad: {  	[dreg:$0x0] =	wrdreg $0x60  }
0xae: {  	[dreg:$0x2] =	wrdreg s24  }
0xaf: {  	[dreg:$0x3] =	wrdreg s2  }
0xb0: {  	[dreg:$0x4] =	wrdreg $0x60800  }
0xb1: {  	[dreg:$0x5] =	wrdreg $0x9  }
0xb2: {  	_ =	task.clear_ibuf [dreg:s7], $0x6FFFF;
	_ =	strace $0x90000046  }
0xb3: {  	s29 =	simm.s32 $0x9;
	_ =	strace $0x80000048  }
0xb4: {  	_ =	swait.ge [sflag:s29], $0x1  }
0xb5: {  	[sflag:s29] =	ssyncadd.s32 $0xFFFFFFFF  }
0xb6: {  	_ =	strace $0x90000048  }
0xb7: {  	_ =	sfence  }
0xb8: {  	s30 =	sld [smem:$0x0];
	_ =	sdelay $0x2  }
0xb9: {  	s31 =	sshll.u32 s1, $0xD;
	s1 =	sshrl.u32 s1, $0x2  }
0xba: {  	s3 =	sand.u32 $0x4000, s31;
	s1 =	sadd.s32 s1, s30  }
0xbb: {  	s0 =	sor.u32 s3, s0;
	s1 =	sshll.u32 s1, $0x11  }
0xbc: {  	s0 =	sor.u32 s1, s0  }
0xbd: {  	s0 =	sadd.s32 $0x8F2B, s0  }
0xbe: {  	[sflag:s0] =	ssyncadd.remote.s32 $0x1  }
0xbf: {  	_ =	sfence.sel $0xFFFF  }
0xc0: {  	[dreg:$0x0] =	wrdreg $0xFFFFFFFF;
	(pc) =	sbr.abs _section_cstart, $3  }
0xc1: {  	[dreg:$0x1] =	wrdreg $0xFFFFFFFF  }
0xc2: {  	_ =	task.clear_ibuf [dreg:s7], $0x2FFFF;
	_ =	strace $0x9FFFFFFF  }
0xc3: {  	(tm) =	ssettm $0x7FFFFFFF  }
tec
execute0_lowered:
.L_overlay_start_1:
0x0: {  	(tag) =	ssettag $0x1  }
0x1: {  	s0 =	rddreg [dreg:$0x0]  }
0x2: {  	s1 =	rddreg [dreg:$0x1]  }
0x3: {  	s8 =	rddreg [dreg:$0x2]  }
0x4: {  	s2 =	srdreg.scid;
	s4 =	simm.s32 $0x0;
	s9 =	stileid.u32  }
0x5: {  	s21 =	simm.s32 $0x4680;
	s2 =	sand.u32 $0x1, s2;
	[smem:$0x7FF] =	sst s4  }
0x6: {  	v0 =	vimm.f32 $1.500000000e+01;
	vm0 =	vcmask $0x300;
	s5 =	smul.u32 $0x1B000, s9;
	s6 =	sadd.s32 $0x14E00, s0;
	s7 =	sadd.s32 $0xC00, s0  }
0x7: {  	vm1 =	vcmask $0x704;
	v0 =	vsel vm0, $0x0, v0;
	s25 =	sadd.s32 $0x8E00, s0;
	_ =	strace $0x80000047;
	[dreg:$0x4] =	wrdreg s6  }
0x8: {  	s26 =	smul.u32 $0x36000, s9;
	s28 =	sadd.s32 $0x15400, s0;
	v0 =	vsel vm1, $0x3F800000, v0;
	vm1 =	vcmask $0xB08;
	[dreg:$0x5] =	wrdreg s7  }
0x9: {  	vm2 =	vcmask $0xF0C;
	s30 =	sshll.u32 s9, $0x6;
	s3 =	sshll.u32 s2, $0x4;
	[dreg:$0x6] =	wrdreg s25;
	v0 =	vsel vm1, $0x40000000, v0  }
0xa: {  	s24 =	sshll.u32 s2, $0x7;
	s2 =	ssub.s32 $0x2, s2;
	[dreg:$0x7] =	wrdreg s28;
	v0 =	vsel vm2, $0x40400000, v0;
	vm2 =	vcmask $0x1310  }
0xb: {  	vm3 =	vcmask $0x1714;
	s7 =	simm.s32 $0x80;
	s25 =	simm.s32 $0x4880;
	s3 =	sor.u32 s9, s3;
	v0 =	vsel vm2, $0x40800000, v0  }
0xc: {  	s5 =	sor.u32 s24, s5;
	s29 =	sshrl.u32 s2, $0x1;
	s6 =	sshrl.u32 s26, $0x2;
	v0 =	vsel vm3, $0x40A00000, v0;
	vm3 =	vcmask $0x1B18  }
0xd: {  	vm4 =	vcmask $0x1F1C;
	s24 =	simm.s32 $0x4500;
	s26 =	simm.s32 $0x4A00;
	s23 =	sshll.u32 s3, $0xA;
	v0 =	vsel vm3, $0x40C00000, v0  }
0xe: {  	s5 =	sshrl.u32 s5, $0x3;
	s2 =	ssub.s32 s2, s29;
	s3 =	sshll.u32 s3, $0x5;
	v0 =	vsel vm4, $0x40E00000, v0;
	vm4 =	vcmask $0x2320  }
0xf: {  	vm5 =	vcmask $0x2724;
	s6 =	sadd.s32 s6, s8;
	s1 =	sadd.s32 s1, s5;
	[dreg:$0xb] =	wrdreg s3;
	v0 =	vsel vm4, $0x41000000, v0  }
0x10: {  	vm6 =	vcmask $0x2F2C;
	s8 =	simm.s32 $0x0;
	s31 =	smax.u32 s2, $0x1;
	[dreg:$0x8] =	wrdreg s1;
	v0 =	vsel vm5, $0x41100000, v0;
	vm5 =	vcmask $0x2B28  }
0x11: {  	v1 =	vimm.s32 $0xECA86420;
	vm7 =	vcmask $0x3734;
	s4 =	sadd.s32 s23, s0;
	s2 =	sshrl.u32 s6, $0x3;
	[dreg:$0xd] =	wrdreg s31;
	v0 =	vsel vm5, $0x41200000, v0  }
0x12: {  	vm8 =	vmmov $0xff;
	s0 =	sadd.s32 s5, s0;
	s4 =	sadd.s32 $0xE00, s4;
	[dreg:$0xe] =	wrdreg s2;
	v0 =	vsel vm6, $0x41300000, v0;
	vm6 =	vcmask $0x3330  }
0x13: {  	v4 =	vimm.s32 $0x0;
	v2 =	vunpack.c.l.s4.s8 v1;
	s3 =	simm.s32 $0x1;
	s0 =	sadd.s32 $0x15600, s0;
	[dreg:$0xa] =	wrdreg s4;
	v0 =	vsel vm6, $0x41400000, v0  }
0x14: {  	v1 =	vlaneseq.u32;
	s5 =	simm.s32 $0x20;
	s1 =	sor.u32 $0x1C02, s30;
	[dreg:$0xc] =	wrdreg s0;
	v0 =	vsel vm7, $0x41500000, v0;
	vm7 =	vcmask $0x3B38  }
0x15: {  	v3 =	vmul.u32 $0x2, v1;
	v2 =	vunpack.c.0.s8.s32 v2;
	s6 =	simm.s32 $0x2;
	s4 =	simm.s32 $0x10;
	[dreg:$0x9] =	wrdreg s1;
	v0 =	vsel vm7, $0x41600000, v0  }
.LBB2_1:
0x16: {  	[dreg:$0xf] =	wrdreg s8  }
0x17: {  	s0 =	rddreg [dreg:$0x8]  }
0x18: {  	[spmem:s2@s4], [sflag:s1] =	dma.strided [hbm:s0@s5], $0x1B00, s3, $0x10   }
0x19: {  	_ =	swait.ge [sflag:s6], $0x1B00  }
0x1a: {  	[sflag:s6] =	ssyncset.done $0x0  }
0x1b: {  	s20 =	simm.s32 $0x0;
	s22 =	rddreg [dreg:$0x4];
	[sflag:s6] =	ssyncadd.s32 $0xFFFFE500  }
0x1c: {  	[tilespmem:s20], [sflag:$0x2] =	stream.linear.gather [hbm4b:s22+s20], $0x2400, $0x38;
	[tilespmem:$0x13880] =	vst v63  }
0x1d: {  	_ =	swait.ge [sflag:s6], $0x2400  }
0x1e: {  	[sflag:s6] =	ssyncset.done $0x0  }
0x1f: {  	s28 =	simm.s32 $0x2400;
	s23 =	rddreg [dreg:$0xa];
	[sflag:s6] =	ssyncadd.s32 $0xFFFFDC00  }
0x20: {  	[tilespmem:s28], [sflag:$0x2] =	stream.linear.gather [hbm4b:s23+s20], $0x2000, $0x38;
	[tilespmem:$0x13880] =	vst v63  }
0x21: {  	_ =	swait.ge [sflag:s6], $0x2000  }
0x22: {  	[sflag:s6] =	ssyncset.done $0x0  }
0x23: {  	s30 =	simm.s32 $0x4400;
	s29 =	rddreg [dreg:$0x5];
	[sflag:s6] =	ssyncadd.s32 $0xFFFFE000  }
0x24: {  	[tilespmem:s30], [sflag:$0x2] =	stream.linear.gather [hbm4b:s29+s20], $0x100, $0x38;
	[tilespmem:$0x13880] =	vst v63  }
0x25: {  	_ =	swait.ge [sflag:s6], $0x100  }
0x26: {  	[sflag:s6] =	ssyncset.done $0x0  }
0x27: {  	s31 =	rddreg [dreg:$0x7];
	[sflag:s6] =	ssyncadd.s32 $0xFFFFFF00  }
0x28: {  	[tilespmem:s21], [sflag:$0x2] =	stream.linear.gather [hbm4b:s31+s20], $0x200, $0x38;
	[tilespmem:$0x13880] =	vst v63  }
0x29: {  	_ =	swait.ge [sflag:s6], $0x200  }
0x2a: {  	[sflag:s6] =	ssyncset.done $0x0  }
0x2b: {  	[sflag:s6] =	ssyncadd.s32 $0xFFFFFE00  }
0x2c: {  	[bflag:$0x0] =	sbarrier.arrive $0xFFFF  }
0x2d: {  	v5 =	vld [tilespmem:$0x4400]  }
0x2e: {  	v6 =	vld [tilespmem:$0x4410]  }
0x2f: {  	v7 =	vld [tilespmem:$0x4420]  }
0x30: {  	v8 =	vld [tilespmem:$0x4430]  }
0x31: {  	v9 =	vld [tilespmem:$0x4440]  }
0x32: {  	v10 =	vld [tilespmem:$0x4450]  }
0x33: {  	v11 =	vld [tilespmem:$0x4460]  }
0x34: {  	v12 =	vld [tilespmem:$0x4470]  }
0x35: {  	s4 =	simm.s32 $0x0;
	v13 =	vld [tilespmem:$0x4480]  }
.LBB2_2:
0x36: {  	s0 =	rddreg [dreg:$0xb]  }
0x37: {  	s0 =	sadd.s32 s0, s4  }
0x38: {  	s0 =	sshrl.u32 s0, $0x3  }
0x39: {  	s1 =	sshll.u32 s4, $0x7;
	s0 =	smul.u32 $0xC00, s0  }
0x3a: {  	s1 =	sand.u32 $0x380, s1  }
0x3b: {  	s0 =	sor.u32 s1, s0  }
0x3c: {  	s2 =	rddreg [dreg:$0x6];
	s0 =	sshrl.u32 s0, $0x3  }
0x3d: {  	s3 =	simm.s32 $0x400;
	s0 =	sadd.s32 s2, s0  }
0x3e: {  	[tilespmem:s24], [sflag:$0x2] =	stream.strided.gather [hbm4b:s0+s7], $0x180, s3, s7, $0x38;
	[tilespmem:$0x13880] =	vst v63  }
0x3f: {  	_ =	swait.ge [sflag:s6], $0x180;
	[dreg:$0x10] =	wrdreg s4;
	s4 =	sshll.u32 s4, $0x8  }
0x40: {  	[sflag:s6] =	ssyncset.done $0x0;
	s0 =	sand.u32 $0x1800, s4  }
0x41: {  	[sflag:s6] =	ssyncadd.s32 $0xFFFFFE80;
	s14 =	sor.u32 s1, s0  }
0x42: {  	v17 =	vld [tilespmem:s14+$0x2430];
	_ =	sdelay $0x4  }
0x43: {  	v14 =	vtrunc.f32 v17  }
0x44: {  	v14 =	vcvt.f32.s32 v14;
	_ =	sdelay $0x1  }
0x45: {  	v14 =	vadd.s32 v1, v14  }
0x46: {  	(v2sf) =	vpush v14, $0xD;
	_ =	sdelay $0x1  }
0x47: {  	(v2sf) =	vpush v14, $0xC;
	_ =	sdelay $0x1  }
0x48: {  	(v2sf) =	vpush v14, $0xE;
	_ =	sdelay $0x1  }
0x49: {  	(v2sf) =	vpush v14, $0xF;
	_ =	sdelay $0x1  }
0x4a: {  	(v2sf) =	vpush v14, $0x9;
	_ =	sdelay $0x1  }
0x4b: {  	(v2sf) =	vpush v14, $0x8;
	_ =	sdelay $0x1  }
0x4c: {  	(v2sf) =	vpush v14, $0xA;
	_ =	sdelay $0x1  }
0x4d: {  	(v2sf) =	vpush v14, $0xB  }
0x4e: {  	(v2sf) =	vpush v14, $0x0;
	s5 =	spop (v2sf)  }
0x4f: {  	s15 =	smulhi.u32 $0x2AAAAAAB, s5;
	s0 =	sshra.s32 s5, $0x1F  }
0x50: {  	(v2sf) =	vpush v14, $0x1;
	s6 =	spop (v2sf);
	s10 =	smul.u32 $0x2AAAAAAB, s0  }
0x51: {  	s16 =	smulhi.u32 $0x2AAAAAAB, s6;
	s0 =	sshra.s32 s6, $0x1F  }
0x52: {  	s7 =	spop (v2sf);
	(v2sf) =	vpush v14, $0x2;
	s13 =	smul.u32 $0x2AAAAAAB, s0  }
0x53: {  	s17 =	smulhi.u32 $0x2AAAAAAB, s7;
	s0 =	sshra.s32 s7, $0x1F  }
0x54: {  	s8 =	spop (v2sf);
	(v2sf) =	vpush v14, $0x3;
	s7 =	smul.u32 $0x2AAAAAAB, s0  }
0x55: {  	s19 =	smulhi.u32 $0x2AAAAAAB, s8;
	s0 =	sshra.s32 s8, $0x1F  }
0x56: {  	v18 =	vld [tilespmem:s14+$0x2440];
	s9 =	spop (v2sf);
	s18 =	smul.u32 $0x2AAAAAAB, s0  }
0x57: {  	(v2sf) =	vpush v14, $0x4;
	s23 =	smulhi.u32 $0x2AAAAAAB, s9;
	s0 =	sshra.s32 s9, $0x1F  }
0x58: {  	s11 =	spop (v2sf);
	(v2sf) =	vpush v14, $0x5;
	s5 =	smul.u32 $0x2AAAAAAB, s0  }
0x59: {  	s28 =	smulhi.u32 $0x2AAAAAAB, s11;
	s0 =	sshra.s32 s11, $0x1F  }
0x5a: {  	s12 =	spop (v2sf);
	(v2sf) =	vpush v14, $0x6;
	s4 =	smul.u32 $0x2AAAAAAB, s0  }
0x5b: {  	[dreg:$0x11] =	wrdreg s14;
	v15 =	vtrunc.f32 v18;
	s29 =	smulhi.u32 $0x2AAAAAAB, s12;
	s0 =	sshra.s32 s12, $0x1F  }
0x5c: {  	v15 =	vcvt.f32.s32 v15;
	s20 =	spop (v2sf);
	s11 =	smul.u32 $0x2AAAAAAB, s0  }
0x5d: {  	s10 =	sadd.s32 s10, s15;
	(v2sf) =	vpush v14, $0x7;
	s31 =	smulhi.u32 $0x2AAAAAAB, s20;
	s22 =	spop (v2sf)  }
0x5e: {  	v15 =	vadd.s32 v1, v15;
	[dreg:$0x1f] =	wrdreg s10;
	s0 =	sshra.s32 s20, $0x1F;
	s2 =	smulhi.u32 $0x2AAAAAAB, s22  }
0x5f: {  	(v2sf) =	vpush v15, $0xD;
	s20 =	smul.u32 $0x2AAAAAAB, s0;
	s3 =	spop (v2sf)  }
0x60: {  	s6 =	smulhi.u32 $0x2AAAAAAB, s3;
	[dreg:$0x1d] =	wrdreg s2;
	s2 =	sshra.s32 s3, $0x1F  }
0x61: {  	s16 =	sadd.s32 s13, s16;
	s12 =	smul.u32 $0x2AAAAAAB, s2;
	s3 =	spop (v2sf)  }
0x62: {  	[smem:$0x7F3] =	sst s16;
	s8 =	smulhi.u32 $0x2AAAAAAB, s3;
	s3 =	sshra.s32 s3, $0x1F  }
0x63: {  	s0 =	sshra.s32 s22, $0x1F;
	(v2sf) =	vpush v15, $0xC;
	s9 =	spop (v2sf);
	s22 =	smul.u32 $0x2AAAAAAB, s3  }
0x64: {  	[smem:$0x7DA] =	sst s6;
	s1 =	smulhi.u32 $0x2AAAAAAB, s9;
	s3 =	sshra.s32 s9, $0x1F  }
0x65: {  	[smem:$0x7DB] =	sst s8;
	s2 =	smul.u32 $0x2AAAAAAB, s3  }
0x66: {  	s3 =	spop (v2sf);
	[smem:$0x7DC] =	sst s1  }
0x67: {  	(v2sf) =	vpush v15, $0xE;
	s8 =	smulhi.u32 $0x2AAAAAAB, s3;
	s6 =	sshra.s32 s3, $0x1F;
	s9 =	spop (v2sf)  }
0x68: {  	[smem:$0x7DD] =	sst s2;
	s3 =	smul.u32 $0x2AAAAAAB, s6  }
0x69: {  	s7 =	sadd.s32 s7, s17;
	s1 =	smulhi.u32 $0x2AAAAAAB, s9;
	s2 =	spop (v2sf)  }
0x6a: {  	s6 =	sshra.s32 s9, $0x1F;
	[smem:$0x7DE] =	sst s8;
	s8 =	smulhi.u32 $0x2AAAAAAB, s2  }
0x6b: {  	[smem:$0x7F4] =	sst s7;
	(v2sf) =	vpush v15, $0xF;
	s9 =	smul.u32 $0x2AAAAAAB, s6  }
0x6c: {  	[smem:$0x7E0] =	sst s8;
	s8 =	spop (v2sf)  }
0x6d: {  	s6 =	sshra.s32 s2, $0x1F;
	[smem:$0x7DF] =	sst s1;
	s2 =	smulhi.u32 $0x2AAAAAAB, s8  }
0x6e: {  	(v2sf) =	vpush v15, $0x9;
	s1 =	smul.u32 $0x2AAAAAAB, s6;
	s6 =	spop (v2sf)  }
0x6f: {  	[smem:$0x7E2] =	sst s2;
	s2 =	smulhi.u32 $0x2AAAAAAB, s6  }
0x70: {  	s0 =	smul.u32 $0x2AAAAAAB, s0;
	(v2sf) =	vpush v15, $0x8;
	[smem:$0x7E1] =	sst s1;
	s8 =	sshra.s32 s8, $0x1F  }
0x71: {  	s1 =	smul.u32 $0x2AAAAAAB, s8;
	s8 =	sshra.s32 s6, $0x1F;
	[smem:$0x7E3] =	sst s2  }
0x72: {  	s2 =	smul.u32 $0x2AAAAAAB, s8;
	s8 =	spop (v2sf)  }
0x73: {  	s13 =	sadd.s32 s18, s19;
	(v2sf) =	vpush v15, $0xA;
	s6 =	smulhi.u32 $0x2AAAAAAB, s8;
	s8 =	sshra.s32 s8, $0x1F  }
0x74: {  	[smem:$0x7F5] =	sst s13;
	(v2sf) =	vpush v15, $0xB;
	s8 =	smul.u32 $0x2AAAAAAB, s8  }
0x75: {  	[smem:$0x7D9] =	sst s0  }
0x76: {  	[smem:$0x7E5] =	sst s8;
	s8 =	spop (v2sf)  }
0x77: {  	[smem:$0x7E4] =	sst s6;
	s6 =	smulhi.u32 $0x2AAAAAAB, s8;
	s8 =	sshra.s32 s8, $0x1F  }
0x78: {  	s30 =	sadd.s32 s5, s23;
	s5 =	rddreg [dreg:$0x1d];
	(v2sf) =	vpush v15, $0x0;
	s8 =	smul.u32 $0x2AAAAAAB, s8  }
0x79: {  	s19 =	sadd.s32 s11, s29;
	s11 =	sld [smem:$0x7DB]  }
0x7a: {  	(v2sf) =	vpush v15, $0x1;
	[smem:$0x7E7] =	sst s8;
	s8 =	spop (v2sf)  }
0x7b: {  	[smem:$0x7E6] =	sst s6;
	s6 =	smulhi.u32 $0x2AAAAAAB, s8;
	s8 =	sshra.s32 s8, $0x1F  }
0x7c: {  	s13 =	sld [smem:$0x7DC];
	s8 =	smul.u32 $0x2AAAAAAB, s8  }
0x7d: {  	v19 =	vld [tilespmem:s14+$0x2450];
	s14 =	spop (v2sf);
	[smem:$0x7E8] =	sst s6  }
0x7e: {  	s6 =	smulhi.u32 $0x2AAAAAAB, s14;
	[smem:$0x7E9] =	sst s8;
	s8 =	sshra.s32 s14, $0x1F  }
0x7f: {  	s15 =	spop (v2sf);
	s14 =	smul.u32 $0x2AAAAAAB, s8  }
0x80: {  	s10 =	sshra.s32 s15, $0x1F;
	[smem:$0x7EA] =	sst s6;
	s6 =	smulhi.u32 $0x2AAAAAAB, s15  }
0x81: {  	s18 =	sadd.s32 s4, s28;
	s4 =	sld [smem:$0x7DF];
	(v2sf) =	vpush v15, $0x2;
	s8 =	smul.u32 $0x2AAAAAAB, s10  }
0x82: {  	s10 =	spop (v2sf);
	[smem:$0x7EB] =	sst s14  }
0x83: {  	s15 =	spop (v2sf);
	[smem:$0x7EC] =	sst s6  }
0x84: {  	s0 =	sshra.s32 s10, $0x1F;
	[smem:$0x7ED] =	sst s8;
	s14 =	smulhi.u32 $0x2AAAAAAB, s10  }
0x85: {  	(v2sf) =	vpush v15, $0x3;
	s0 =	smul.u32 $0x2AAAAAAB, s0;
	s6 =	sld [smem:$0x7D9]  }
0x86: {  	s16 =	smulhi.u32 $0x2AAAAAAB, s15;
	s8 =	sld [smem:$0x7DA]  }
0x87: {  	(v2sf) =	vpush v15, $0x4;
	s17 =	spop (v2sf);
	[smem:$0x7EE] =	sst s14  }
0x88: {  	s28 =	smulhi.u32 $0x2AAAAAAB, s17;
	[smem:$0x7EF] =	sst s0  }
0x89: {  	s29 =	sshra.s32 s17, $0x1F;
	s7 =	spop (v2sf);
	[smem:$0x7F0] =	sst s16  }
0x8a: {  	(v2sf) =	vpush v15, $0x5;
	s0 =	sshra.s32 s15, $0x1F;
	s16 =	smul.u32 $0x2AAAAAAB, s29;
	s29 =	sld [smem:$0x7DE]  }
0x8b: {  	s15 =	smulhi.u32 $0x2AAAAAAB, s7;
	s10 =	sshra.s32 s7, $0x1F;
	s7 =	sld [smem:$0x7E1]  }
0x8c: {  	[smem:$0x7F2] =	sst s28  }
0x8d: {  	s0 =	smul.u32 $0x2AAAAAAB, s0;
	s28 =	sadd.s32 s22, s11;
	s22 =	sld [smem:$0x7DD]  }
0x8e: {  	s23 =	sadd.s32 s20, s31;
	s17 =	sadd.s32 s6, s5;
	s6 =	sld [smem:$0x7E0]  }
0x8f: {  	s20 =	sadd.s32 s12, s8;
	s14 =	smul.u32 $0x2AAAAAAB, s10;
	[smem:$0x7F1] =	sst s0  }
0x90: {  	s12 =	spop (v2sf);
	s0 =	sadd.s32 s9, s4;
	s4 =	sld [smem:$0x7E2]  }
0x91: {  	s8 =	sshra.s32 s12, $0x1F;
	s22 =	sadd.s32 s22, s13;
	[smem:$0x7F6] =	sst s0  }
0x92: {  	(v2sf) =	vpush v15, $0x6;
	s13 =	smulhi.u32 $0x2AAAAAAB, s12;
	s0 =	sadd.s32 s7, s6;
	s31 =	sld [smem:$0x7F1]  }
0x93: {  	s29 =	sadd.s32 s3, s29;
	s12 =	smul.u32 $0x2AAAAAAB, s8;
	[smem:$0x7F7] =	sst s0  }
0x94: {  	s3 =	spop (v2sf);
	s1 =	sadd.s32 s1, s4;
	s4 =	sld [smem:$0x7E5]  }
0x95: {  	s12 =	sadd.s32 s12, s13;
	s13 =	sld [smem:$0x7F4];
	s11 =	smulhi.u32 $0x2AAAAAAB, s3  }
0x96: {  	s5 =	sshra.s32 s3, $0x1F;
	s8 =	spop (v2sf);
	[smem:$0x7F8] =	sst s1  }
0x97: {  	s3 =	sld [smem:$0x7E4];
	s10 =	smul.u32 $0x2AAAAAAB, s5  }
0x98: {  	s9 =	smulhi.u32 $0x2AAAAAAB, s8;
	s0 =	sshra.s32 s8, $0x1F;
	s5 =	sld [smem:$0x7E3]  }
0x99: {  	s6 =	spop (v2sf);
	s8 =	smul.u32 $0x2AAAAAAB, s0  }
0x9a: {  	s7 =	smulhi.u32 $0x2AAAAAAB, s6;
	s0 =	sshra.s32 s6, $0x1F;
	s6 =	sld [smem:$0x7E7]  }
0x9b: {  	s1 =	sadd.s32 s2, s5;
	s5 =	sld [smem:$0x7E6]  }
0x9c: {  	s2 =	sld [smem:$0x7EC]  }
0x9d: {  	[smem:$0x7F9] =	sst s1  }
0x9e: {  	s1 =	sadd.s32 s4, s3;
	s4 =	sld [smem:$0x7E8]  }
0x9f: {  	[smem:$0x7FA] =	sst s1  }
0xa0: {  	s10 =	sadd.s32 s10, s11;
	s1 =	sadd.s32 s6, s5;
	s5 =	sld [smem:$0x7E9]  }
0xa1: {  	(v2sf) =	vpush v15, $0x7;
	[dreg:$0x18] =	wrdreg s10;
	s3 =	spop (v2sf)  }
0xa2: {  	v16 =	vtrunc.f32 v19;
	s6 =	smul.u32 $0x2AAAAAAB, s0;
	s0 =	sshra.s32 s3, $0x1F;
	[smem:$0x7FB] =	sst s1  }
0xa3: {  	v16 =	vcvt.f32.s32 v16;
	s1 =	sadd.s32 s5, s4;
	s5 =	smulhi.u32 $0x2AAAAAAB, s3;
	s3 =	sld [smem:$0x7EA]  }
0xa4: {  	s4 =	sld [smem:$0x7EB]  }
0xa5: {  	v16 =	vadd.s32 v1, v16;
	s8 =	sadd.s32 s8, s9;
	s9 =	rddreg [dreg:$0x1f]  }
0xa6: {  	(v2sf) =	vpush v16, $0xD;
	[smem:$0x7FC] =	sst s1  }
0xa7: {  	s1 =	sadd.s32 s4, s3;
	s3 =	sld [smem:$0x7ED]  }
0xa8: {  	s10 =	sld [smem:$0x7F3]  }
0xa9: {  	(v2sf) =	vpush v16, $0xC;
	[dreg:$0x1c] =	wrdreg s1  }
0xaa: {  	s1 =	sadd.s32 s3, s2;
	s2 =	sld [smem:$0x7EF]  }
0xab: {  	[dreg:$0x1b] =	wrdreg s1  }
0xac: {  	s1 =	sld [smem:$0x7EE]  }
0xad: {  	[dreg:$0x17] =	wrdreg s8;
	s11 =	sshrl.u32 s10, $0x1F;
	s6 =	sadd.s32 s6, s7  }
0xae: {  	s14 =	sadd.s32 s14, s15;
	v20 =	vmov s11;
	s11 =	sshrl.u32 s17, $0x4;
	[dreg:$0x16] =	wrdreg s6  }
0xaf: {  	v24 =	vmov s11;
	s11 =	sld [smem:$0x7FC];
	s4 =	smul.u32 $0x2AAAAAAB, s0;
	s1 =	sadd.s32 s2, s1  }
0xb0: {  	s8 =	sshrl.u32 s30, $0x1F;
	s0 =	spop (v2sf);
	[dreg:$0x1a] =	wrdreg s1  }
0xb1: {  	s4 =	sadd.s32 s4, s5;
	s5 =	sshrl.u32 s10, $0x4;
	s1 =	sld [smem:$0x7F0]  }
0xb2: {  	s3 =	smulhi.u32 $0x2AAAAAAB, s0;
	s0 =	sshra.s32 s0, $0x1F;
	[dreg:$0x15] =	wrdreg s4  }
0xb3: {  	s6 =	sshrl.u32 s13, $0x4;
	v51 =	vmov s5;
	s5 =	rddreg [dreg:$0x1b];
	s2 =	smul.u32 $0x2AAAAAAB, s0  }
0xb4: {  	s10 =	sshrl.u32 s18, $0x4;
	s1 =	sadd.s32 s31, s1;
	s31 =	sld [smem:$0x7F2]  }
0xb5: {  	s0 =	spop (v2sf);
	s2 =	sadd.s32 s2, s3;
	s3 =	sshrl.u32 s30, $0x4  }
0xb6: {  	[dreg:$0x19] =	wrdreg s1;
	s1 =	smulhi.u32 $0x2AAAAAAB, s0;
	s0 =	sshra.s32 s0, $0x1F  }
0xb7: {  	s30 =	sshrl.u32 s11, $0x1F;
	s31 =	sadd.s32 s16, s31;
	s16 =	smul.u32 $0x2AAAAAAB, s0  }
0xb8: {  	[dreg:$0x14] =	wrdreg s2;
	s2 =	sshrl.u32 s13, $0x1F;
	s0 =	spop (v2sf)  }
0xb9: {  	s15 =	smulhi.u32 $0x2AAAAAAB, s0;
	s0 =	sshra.s32 s0, $0x1F;
	s1 =	sadd.s32 s16, s1  }
0xba: {  	s0 =	smul.u32 $0x2AAAAAAB, s0;
	[dreg:$0x12] =	wrdreg s1;
	s1 =	sshrl.u32 s9, $0x4  }
0xbb: {  	s13 =	sshrl.u32 s23, $0x4;
	(v2sf) =	vpush v16, $0xE;
	s16 =	sshrl.u32 s17, $0x1F;
	[smem:$0x7FD] =	sst s1  }
0xbc: {  	s17 =	sshrl.u32 s22, $0x4;
	s0 =	sadd.s32 s0, s15;
	s15 =	sld [smem:$0x7F5]  }
0xbd: {  	v21 =	vmov s16;
	s16 =	sshrl.u32 s29, $0x4;
	s1 =	sshrl.u32 s19, $0x1F;
	[dreg:$0x13] =	wrdreg s0  }
0xbe: {  	v53 =	vnsel vm0, $0x0, v24;
	s0 =	sshrl.u32 s9, $0x1F;
	s9 =	sshrl.u32 s18, $0x1F;
	s18 =	sshrl.u32 s19, $0x4  }
0xbf: {  	v54 =	vmov s10;
	s19 =	sshrl.u32 s20, $0x1F;
	v20 =	vsel vm1, s0, v20;
	s0 =	sshrl.u32 s23, $0x1F;
	v50 =	vmov s9;
	s9 =	sshrl.u32 s29, $0x1F  }
0xc0: {  	v24 =	vsel vm1, s3, v54;
	(v2sf) =	vpush v16, $0xF;
	v21 =	vnsel vm0, $0x0, v21;
	s29 =	sld [smem:$0x7F7];
	s7 =	sshrl.u32 s15, $0x1F;
	s4 =	sshrl.u32 s15, $0x4  }
0xc1: {  	v49 =	vsel vm1, s19, v21;
	v20 =	vsel vm2, s2, v20;
	s15 =	sshrl.u32 s20, $0x4;
	s20 =	sshrl.u32 s28, $0x1F;
	v21 =	vsel vm1, s8, v50;
	s2 =	sld [smem:$0x7F8]  }
0xc2: {  	s23 =	sshrl.u32 s22, $0x1F;
	v22 =	vsel vm3, s7, v20;
	s7 =	sshrl.u32 s28, $0x4;
	v20 =	vsel vm2, s20, v49;
	s28 =	sld [smem:$0x7F6];
	v21 =	vsel vm2, s1, v21  }
0xc3: {  	v55 =	vsel vm2, s18, v24;
	s18 =	sshrl.u32 s14, $0x1F;
	v20 =	vsel vm3, s23, v20;
	s8 =	sshrl.u32 s29, $0x1F;
	v23 =	vsel vm3, s0, v21;
	s0 =	rddreg [dreg:$0x1a]  }
0xc4: {  	v20 =	vsel vm4, s9, v20;
	s19 =	sshrl.u32 s2, $0x4;
	s9 =	sld [smem:$0x7F9];
	s10 =	sshrl.u32 s0, $0x1F  }
0xc5: {  	(v2sf) =	vpush v16, $0x9;
	s3 =	sshrl.u32 s0, $0x4;
	s0 =	sshrl.u32 s31, $0x1F;
	s20 =	sshrl.u32 s28, $0x1F  }
0xc6: {  	(v2sf) =	vpush v16, $0x8;
	v21 =	vsel vm1, s15, v53;
	s22 =	sshrl.u32 s28, $0x4;
	s28 =	sshrl.u32 s2, $0x1F;
	s2 =	sld [smem:$0x7FA]  }
0xc7: {  	s23 =	sshrl.u32 s29, $0x4;
	s15 =	sshrl.u32 s5, $0x1F;
	v21 =	vsel vm2, s7, v21;
	v56 =	vmov s0;
	s0 =	rddreg [dreg:$0x18];
	v20 =	vsel vm5, s20, v20  }
0xc8: {  	(v2sf) =	vpush v16, $0xA;
	s5 =	sshrl.u32 s5, $0x4;
	v21 =	vsel vm3, s17, v21;
	s1 =	sshrl.u32 s9, $0x4;
	v20 =	vsel vm6, s8, v20;
	s8 =	sld [smem:$0x7FB]  }
0xc9: {  	(v2sf) =	vpush v16, $0xB;
	v27 =	vsel vm3, s13, v55;
	v21 =	vsel vm4, s16, v21;
	s13 =	sshrl.u32 s0, $0x1F;
	s29 =	sshrl.u32 s9, $0x1F;
	[dreg:$0x1e] =	wrdreg s1  }
0xca: {  	v57 =	vsel vm5, s22, v21;
	s1 =	sshrl.u32 s2, $0x1F;
	s9 =	sshrl.u32 s2, $0x4;
	s22 =	spop (v2sf)  }
0xcb: {  	v58 =	vnsel vm0, $0x0, v56;
	s20 =	sshrl.u32 s8, $0x1F;
	s2 =	sshrl.u32 s8, $0x4;
	s8 =	sld [smem:$0x7FD]  }
0xcc: {  	(v2sf) =	vpush v16, $0x0;
	s16 =	sshrl.u32 s0, $0x4;
	v21 =	vsel vm1, s18, v58;
	s0 =	smulhi.u32 $0x2AAAAAAB, s22;
	s18 =	sshra.s32 s22, $0x1F  }
0xcd: {  	(v2sf) =	vpush v16, $0x1;
	s17 =	sshrl.u32 s31, $0x4;
	v59 =	vmov s1;
	s1 =	rddreg [dreg:$0x17];
	s18 =	smul.u32 $0x2AAAAAAB, s18  }
0xce: {  	(v2sf) =	vpush v16, $0x2;
	s22 =	sshrl.u32 s1, $0x1F;
	v52 =	vsel vm1, s8, v51;
	s8 =	sshrl.u32 s11, $0x4;
	s11 =	rddreg [dreg:$0x1c]  }
0xcf: {  	v25 =	vsel vm7, s28, v20;
	v24 =	vsel vm1, s29, v59;
	s0 =	sadd.s32 s18, s0;
	s28 =	sshrl.u32 s11, $0x1F;
	v20 =	vsel vm2, s6, v52;
	s6 =	rddreg [dreg:$0x19]  }
0xd0: {  	v61 =	vmov s15;
	v60 =	vsel vm2, s20, v24;
	s11 =	sshrl.u32 s11, $0x4;
	s7 =	sshrl.u32 s6, $0x1F;
	s6 =	sshrl.u32 s6, $0x4  }
0xd1: {  	v26 =	vsel vm3, s4, v20;
	s4 =	sshrl.u32 s14, $0x4;
	s14 =	sshrl.u32 s12, $0x1F;
	v20 =	vsel vm6, s23, v57;
	v24 =	vsel vm1, s28, v61;
	s28 =	rddreg [dreg:$0x15]  }
0xd2: {  	v21 =	vsel vm2, s14, v21;
	s14 =	sshrl.u32 s1, $0x4;
	s1 =	spop (v2sf);
	v28 =	vsel vm7, s19, v20;
	v20 =	vsel vm3, s30, v60;
	s30 =	rddreg [dreg:$0x16]  }
0xd3: {  	(v2sf) =	vpush v16, $0x3;
	v32 =	vmov s5;
	s5 =	sshrl.u32 s28, $0x4;
	v21 =	vsel vm3, s13, v21;
	s13 =	smulhi.u32 $0x2AAAAAAB, s1;
	s29 =	sshra.s32 s1, $0x1F  }
0xd4: {  	s1 =	spop (v2sf);
	s23 =	sshrl.u32 s30, $0x1F;
	s15 =	smul.u32 $0x2AAAAAAB, s29  }
0xd5: {  	v29 =	vmov s17;
	(v2sf) =	vpush v16, $0x4;
	v21 =	vsel vm4, s22, v21;
	s19 =	spop (v2sf);
	s29 =	sshrl.u32 s28, $0x1F;
	s22 =	rddreg [dreg:$0x11]  }
0xd6: {  	v29 =	vnsel vm0, $0x0, v29;
	v24 =	vsel vm2, s10, v24;
	s10 =	sshra.s32 s1, $0x1F;
	s28 =	rddreg [dreg:$0x13];
	v21 =	vsel vm5, s23, v21;
	s23 =	smulhi.u32 $0x2AAAAAAB, s1  }
0xd7: {  	v22 =	vcombine.low v23, v22;
	s12 =	sshrl.u32 s12, $0x4;
	v29 =	vsel vm1, s4, v29;
	v24 =	vsel vm3, s7, v24;
	s17 =	spop (v2sf);
	s7 =	smul.u32 $0x2AAAAAAB, s10  }
0xd8: {  	v30 =	vmov s9;
	v29 =	vsel vm2, s12, v29;
	s9 =	smulhi.u32 $0x2AAAAAAB, s19;
	s12 =	sshra.s32 s19, $0x1F;
	s20 =	spop (v2sf)  }
0xd9: {  	v17 =	vadd.f32 v0, v17;
	v22 =	vperm.xlane v22, v2;
	s4 =	sshrl.u32 s30, $0x4;
	v21 =	vsel vm6, s29, v21;
	s29 =	rddreg [dreg:$0x14];
	s12 =	smul.u32 $0x2AAAAAAB, s12  }
0xda: {  	v25 =	vperm.xlane v25, v3;
	v32 =	vsel vm1, s11, v32;
	v29 =	vsel vm3, s16, v29;
	s11 =	smulhi.u32 $0x2AAAAAAB, s17;
	s17 =	sshra.s32 s17, $0x1F;
	s1 =	sshrl.u32 s29, $0x1F  }
0xdb: {  	v18 =	vadd.f32 v0, v18;
	v19 =	vadd.f32 v0, v19;
	v29 =	vsel vm4, s14, v29;
	s10 =	spop (v2sf);
	s16 =	sshrl.u32 s29, $0x4;
	s14 =	smul.u32 $0x2AAAAAAB, s17  }
0xdc: {  	v22 =	vsel vm8, v25, v22;
	v63 =	vsel vm2, s3, v32;
	v26 =	vcombine.low v27, v26;
	s3 =	smulhi.u32 $0x2AAAAAAB, s20;
	s18 =	sshra.s32 s20, $0x1F;
	s20 =	rddreg [dreg:$0x12]  }
0xdd: {  	(v2sf) =	vpush v16, $0x5;
	v29 =	vsel vm5, s4, v29;
	s29 =	sshrl.u32 s28, $0x1F;
	v21 =	vsel vm7, s1, v21;
	s19 =	spop (v2sf);
	s1 =	rddreg [dreg:$0x1e]  }
0xde: {  	v28 =	vperm.xlane v28, v3;
	v31 =	vld [tilespmem:s22+$0x2400];
	v29 =	vsel vm6, s5, v29;
	v33 =	vmov s29;
	s29 =	smulhi.u32 $0x2AAAAAAB, s10;
	s4 =	sadd.s32 s12, s9;
	s17 =	spop (v2sf)  }
0xdf: {  	v26 =	vperm.xlane v26, v2;
	v36 =	vld [tilespmem:s22+$0x2410];
	v29 =	vsel vm7, s16, v29;
	v30 =	vsel vm1, s1, v30;
	s1 =	sadd.s32 s7, s23;
	s23 =	sshrl.u32 s20, $0x1F;
	s16 =	sshrl.u32 s4, $0x1F  }
0xe0: {  	v38 =	vsel vm3, s6, v63;
	v20 =	vcombine.low v24, v20;
	v37 =	vld [tilespmem:s22+$0x2460];
	(v2sf) =	vpush v16, $0x6;
	s9 =	smulhi.u32 $0x2AAAAAAB, s19;
	s5 =	sadd.s32 s14, s11;
	s4 =	sshrl.u32 s4, $0x4  }
0xe1: {  	v46 =	vld [tilespmem:s22+$0x2420];
	v42 =	vsel vm8, v28, v26;
	v30 =	vsel vm2, s2, v30;
	s2 =	sadd.s32 s15, s13;
	s13 =	sshra.s32 s10, $0x1F;
	v40 =	vmov s16;
	s16 =	smulhi.u32 $0x2AAAAAAB, s17  }
0xe2: {  	v22 =	vadd.s32 v22, v42;
	s10 =	spop (v2sf);
	(v2sf) =	vpush v16, $0x7;
	s15 =	sshrl.u32 s0, $0x1F;
	v62 =	vsel vm3, s8, v30;
	s8 =	smul.u32 $0x2AAAAAAB, s18  }
0xe3: {  	v20 =	vperm.xlane v20, v2;
	v22 =	vmul.u32 $0x60, v22;
	v33 =	vsel vm1, s23, v33;
	s23 =	sshra.s32 s17, $0x1F;
	s0 =	sshrl.u32 s0, $0x4;
	s7 =	smul.u32 $0x2AAAAAAB, s13  }
0xe4: {  	v21 =	vperm.xlane v21, v3;
	v51 =	vperm.xlane v29, v3;
	v17 =	vsub.f32 v17, v31;
	s18 =	sshra.s32 s19, $0x1F;
	s13 =	spop (v2sf);
	s14 =	smul.u32 $0x2AAAAAAB, s23  }
0xe5: {  	v43 =	vld [tilespmem:s22+$0x2470];
	vm10 =	vlt.f32 v37, v0;
	v18 =	vsub.f32 v18, v36;
	v14 =	vsub.s32 v14, v22;
	s19 =	sshrl.u32 s1, $0x1F;
	s17 =	sshrl.u32 s2, $0x1F;
	s12 =	smul.u32 $0x2AAAAAAB, s18  }
0xe6: {  	v19 =	vsub.f32 v19, v46;
	v59 =	vmov s4;
	v39 =	vsel vm2, s15, v33;
	s1 =	sshrl.u32 s1, $0x4;
	s18 =	smulhi.u32 $0x2AAAAAAB, s10;
	s10 =	sshra.s32 s10, $0x1F  }
0xe7: {  	vm9 =	vlt.s32 v14, $0x0;
	v22 =	vadd.s32 $0x60, v14;
	v44 =	vsel vm1, s19, v40;
	s19 =	sshrl.u32 s5, $0x1F;
	s6 =	sadd.s32 s7, s29;
	s10 =	smul.u32 $0x2AAAAAAB, s10  }
0xe8: {  	v20 =	vsel vm8, v21, v20;
	v41 =	vshrl.u32 v17, $0x10;
	v47 =	vshrl.u32 v18, $0x10;
	s3 =	sadd.s32 s8, s3;
	s29 =	sshrl.u32 s6, $0x1F;
	s7 =	sadd.s32 s12, s9  }
0xe9: {  	v30 =	vsel vm3, s17, v39;
	v22 =	vsel vm9, v22, v14;
	s6 =	sshrl.u32 s6, $0x4;
	v45 =	vmov s29;
	s23 =	sshrl.u32 s7, $0x1F;
	s29 =	smulhi.u32 $0x2AAAAAAB, s13  }
0xea: {  	vm9 =	vlt.f32 v43, v0;
	v23 =	vcombine.low v38, v62;
	v53 =	vshrl.u32 v19, $0x10;
	s13 =	sshra.s32 s13, $0x1F;
	s10 =	sadd.s32 s10, s18;
	s7 =	sshrl.u32 s7, $0x4  }
0xeb: {  	v31 =	vand.u32 $0x1, v41;
	v25 =	vsel vm2, s19, v44;
	v28 =	vnsel vm0, $0x0, v45;
	s15 =	smul.u32 $0x2AAAAAAB, s13;
	s13 =	sadd.s32 s14, s16;
	s14 =	sshrl.u32 s20, $0x4  }
0xec: {  	v55 =	vand.u32 $0x1, v53;
	v62 =	vmul.u32 $0x2400, v22;
	v28 =	vsel vm1, s23, v28;
	s18 =	sshrl.u32 s13, $0x1F;
	s23 =	sshrl.u32 s10, $0x1F;
	s9 =	spop (v2sf)  }
0xed: {  	v17 =	vadd.s32 v31, v17;
	v31 =	vand.u32 $0x1, v47;
	v23 =	vperm.xlane v23, v2;
	s13 =	sshrl.u32 s13, $0x4;
	s17 =	smulhi.u32 $0x2AAAAAAB, s9;
	s8 =	sshra.s32 s9, $0x1F  }
0xee: {  	v19 =	vadd.s32 v55, v19;
	v14 =	vadd.s32 v31, v18;
	v17 =	vadd.s32 $0x7FFF, v17;
	s9 =	sadd.s32 s15, s29;
	s29 =	sshrl.u32 s3, $0x1F;
	s8 =	smul.u32 $0x2AAAAAAB, s8  }
0xef: {  	v52 =	vmov s6;
	v48 =	vsel vm2, s18, v28;
	s15 =	sshrl.u32 s9, $0x1F;
	v50 =	vsel vm3, s29, v25;
	s29 =	sshrl.u32 s28, $0x4;
	s19 =	spop (v2sf)  }
0xf0: {  	v19 =	vadd.s32 $0x7FFF, v19;
	v56 =	vnsel vm0, $0x0, v52;
	v18 =	vsel vm3, s23, v48;
	s8 =	sadd.s32 s8, s17;
	s17 =	smulhi.u32 $0x2AAAAAAB, s19;
	s11 =	sshra.s32 s19, $0x1F  }
0xf1: {  	v17 =	vand.u32 $0xFFFF0000, v17;
	v21 =	vsel vm1, s7, v56;
	v18 =	vsel vm4, s15, v18;
	s15 =	sshrl.u32 s10, $0x4;
	s11 =	smul.u32 $0x2AAAAAAB, s11;
	s18 =	spop (v2sf)  }
0xf2: {  	v54 =	vsel vm8, v51, v23;
	v21 =	vsel vm2, s13, v21;
	v58 =	vmov s29;
	s16 =	sshrl.u32 s8, $0x1F;
	s19 =	smulhi.u32 $0x2AAAAAAB, s18;
	s12 =	sshra.s32 s18, $0x1F  }
0xf3: {  	v25 =	vsel vm1, s1, v59;
	v24 =	vsel vm1, s14, v58;
	s20 =	sshrl.u32 s8, $0x4;
	v18 =	vsel vm5, s16, v18;
	s16 =	sshrl.u32 s5, $0x4;
	s12 =	smul.u32 $0x2AAAAAAB, s12  }
0xf4: {  	v57 =	vcombine.low v50, v30;
	v21 =	vsel vm3, s15, v21;
	v24 =	vsel vm2, s0, v24;
	s11 =	sadd.s32 s11, s17;
	s17 =	sshrl.u32 s9, $0x4;
	s18 =	sshrl.u32 s2, $0x4  }
0xf5: {  	v25 =	vsel vm2, s16, v25;
	s23 =	sshrl.u32 s11, $0x1F;
	v21 =	vsel vm4, s17, v21;
	v24 =	vsel vm3, s18, v24;
	s6 =	sadd.s32 s12, s19;
	s19 =	sshrl.u32 s3, $0x4  }
0xf6: {  	s28 =	sshrl.u32 s11, $0x4;
	v18 =	vsel vm6, s23, v18;
	v21 =	vsel vm5, s20, v21;
	s23 =	sshrl.u32 s6, $0x1F;
	v25 =	vsel vm3, s19, v25  }
0xf7: {  	v21 =	vsel vm6, s28, v21;
	s29 =	sshrl.u32 s6, $0x4;
	v24 =	vcombine.low v25, v24;
	v18 =	vsel vm7, s23, v18  }
0xf8: {  	v23 =	vperm.xlane v57, v2;
	v21 =	vsel vm7, s29, v21;
	v18 =	vperm.xlane v18, v3  }
0xf9: {  	v49 =	vld [tilespmem:s22+$0x2800];
	v20 =	vadd.s32 v20, v54;
	v21 =	vperm.xlane v21, v3;
	v24 =	vperm.xlane v24, v2  }
0xfa: {  	v14 =	vadd.s32 $0x7FFF, v14;
	v17 =	vsel vm10, $0x4E6E6B28, v17;
	v20 =	vmul.u32 $0x60, v20  }
0xfb: {  	v14 =	vand.u32 $0xFFFF0000, v14;
	v18 =	vsel vm8, v18, v23;
	v21 =	vsel vm8, v21, v24  }
0xfc: {  	v60 =	vsel vm9, $0x4E6E6B28, v14;
	v15 =	vsub.s32 v15, v20;
	v18 =	vadd.s32 v18, v21  }
0xfd: {  	v14 =	vld [tilespmem:s22+$0x2810];
	[tilespmem:$0x4880] =	vst v17;
	vm9 =	vlt.s32 v15, $0x0;
	v20 =	vadd.s32 $0x60, v15;
	v18 =	vmul.u32 $0x60, v18  }
0xfe: {  	v19 =	vand.u32 $0xFFFF0000, v19;
	vm10 =	vlt.f32 v49, v0;
	[tilespmem:$0x4A00] =	vst v62;
	v15 =	vsel vm9, v20, v15  }
0xff: {  	v61 =	vsel vm10, $0x4E6E6B28, v19;
	[tilespmem:$0x4900] =	vst v60;
	v15 =	vmul.u32 $0x60, v15;
	v16 =	vsub.s32 v16, v18  }
0x100: {  	[tilespmem:$0x4980] =	vst v61;
	vm9 =	vlt.s32 v16, $0x0;
	v63 =	vadd.s32 $0x60, v16  }
0x101: {  	s31 =	simm.s32 $0x0;
	s30 =	simm.s32 $0xFFFFFFFD;
	[tilespmem:$0x4A80] =	vst v15;
	v16 =	vsel vm9, v63, v16  }
0x102: {  	s4 =	rddreg [dreg:$0x2];
	s7 =	simm.s32 $0x80;
	s0 =	simm.s32 $0x2C0;
	[tilespmem:$0x4B00] =	vst v16  }
.LBB2_3:
0x103: {  	v15 =	vld [tilespmem:s0+$0xFFFFFD40]  }
0x104: {  	v16 =	vld [tilespmem:s0+$0xFFFFFDC0]  }
0x105: {  	v17 =	vld [tilespmem:s0+$0xFFFFFE40];
	_ =	sdelay $0x5  }
0x106: {  	v18 =	vld.idx.msk [tilespmem:v15+s25+$0x0], $0xffff  }
0x107: {  	v19 =	vld.idx.msk [tilespmem:v16+s25+$0x0], $0xffff  }
0x108: {  	v20 =	vld.idx.msk [tilespmem:v17+s25+$0x0], $0xffff;
	_ =	sdelay $0x2  }
0x109: {  	v21 =	vmul.f32 v18, v5  }
0x10a: {  	v22 =	vmul.f32 v19, v6;
	v23 =	vmul.f32 v18, v8  }
0x10b: {  	v24 =	vmul.f32 v19, v9;
	v29 =	vmul.f32 v20, v7  }
0x10c: {  	v18 =	vmul.f32 v18, v11;
	v19 =	vmul.f32 v19, v12  }
0x10d: {  	v25 =	vmul.f32 v20, v10;
	v21 =	vadd.f32 v22, v21;
	v23 =	vadd.f32 v24, v23  }
0x10e: {  	v18 =	vadd.f32 v19, v18  }
0x10f: {  	v31 =	vmul.f32 v20, v13;
	v21 =	vadd.f32 v29, v21;
	v30 =	vadd.f32 v25, v23;
	_ =	sdelay $0x1  }
0x110: {  	v18 =	vadd.f32 v31, v18;
	v32 =	vmul.f32 v21, v21;
	v33 =	vmul.f32 v30, v30;
	_ =	sdelay $0x1  }
0x111: {  	v18 =	vmul.f32 v18, v18;
	v19 =	vadd.f32 v33, v32;
	_ =	sdelay $0x1  }
0x112: {  	v18 =	vadd.f32 v19, v18;
	_ =	sdelay $0x1  }
0x113: {  	v19 =	vmax.f32 v18, $9.999999960e-13  }
0x114: {  	v34 =	vshra.s32 v19, $0x1;
	v35 =	vmul.f32 $5.000000000e-01, v19  }
0x115: {  	v20 =	vsub.s32 $0x5F3759DF, v34  }
0x116: {  	v36 =	vmul.f32 v20, v35;
	_ =	sdelay $0x1  }
0x117: {  	v22 =	vmul.f32 v20, v36;
	_ =	sdelay $0x1  }
0x118: {  	v22 =	vsub.f32 $1.500000000e+00, v22;
	_ =	sdelay $0x1  }
0x119: {  	v20 =	vmul.f32 v20, v22;
	_ =	sdelay $0x1  }
0x11a: {  	v21 =	vmul.f32 v20, v35;
	_ =	sdelay $0x1  }
0x11b: {  	v21 =	vmul.f32 v21, v20;
	_ =	sdelay $0x1  }
0x11c: {  	v21 =	vsub.f32 $1.500000000e+00, v21;
	_ =	sdelay $0x1  }
0x11d: {  	v20 =	vmul.f32 v21, v20;
	_ =	sdelay $0x1  }
0x11e: {  	v20 =	vmul.f32 v20, v19;
	_ =	sdelay $0x1  }
0x11f: {  	v20 =	vmin.f32 v20, $4.000000000e+00  }
0x120: {  	v20 =	vmul.f32 $1.000000000e+02, v20;
	_ =	sdelay $0x1  }
0x121: {  	v20 =	vtrunc.f32 v20  }
0x122: {  	v20 =	vcvt.f32.s32 v20;
	_ =	sdelay $0x1  }
0x123: {  	v37 =	vadd.s32 $0x1, v20;
	_ =	sdelay $0x3  }
0x124: {  	v38 =	vld.idx.msk [tilespmem:v20+s21+$0x0], $0xffff  }
0x125: {  	v21 =	vld.idx.msk [tilespmem:v37+s21+$0x0], $0xffff;
	_ =	sdelay $0x4  }
0x126: {  	vm10 =	vlt.f32 v19, v38;
	vm9 =	vge.f32 v19, v21  }
0x127: {  	v40 =	vsel vm10, $0xFFFFFFFF, v4;
	v39 =	vsel vm9, $0x1, v4  }
0x128: {  	v19 =	vadd.s32 v39, v40  }
0x129: {  	v19 =	vadd.s32 v20, v19  }
0x12a: {  	vm9 =	vlt.s32 v19, $0x12C  }
0x12b: {  	v19 =	vnsel vm9, $0x12C, v19;
	_ =	sdelay $0x2  }
0x12c: {  	v15 =	vld.idx.msk [tilespmem:v15+s26+$0x0], $0xffff  }
0x12d: {  	v16 =	vld.idx.msk [tilespmem:v16+s26+$0x0], $0xffff  }
0x12e: {  	v19 =	vld.idx.msk [tilespmem:v19+s24+$0x0], $0xffff  }
0x12f: {  	v17 =	vld.idx.msk [tilespmem:v17+s26+$0x0], $0xffff;
	_ =	sdelay $0x3  }
0x130: {  	v15 =	vadd.s32 v15, v16;
	v19 =	vmul.f32 v19, v14  }
0x131: {  	s2 =	sshra.s32 s31, $0x2;
	v15 =	vadd.s32 v17, v15;
	vm9 =	vle.f32 v18, $9.000000000e+00  }
0x132: {  	[tilespmem:s2+$0x5480] =	vst v15;
	v18 =	vnsel vm9, $0x0, v19  }
0x133: {  	[tilespmem:s2+$0x4B80] =	vst v18  }
0x134: {  	v15 =	vld [tilespmem:s0+$0xFFFFFD50]  }
0x135: {  	v41 =	vld [tilespmem:s0+$0xFFFFFDD0]  }
0x136: {  	v42 =	vld [tilespmem:s0+$0xFFFFFE50];
	_ =	sdelay $0x5  }
0x137: {  	v18 =	vld.idx.msk [tilespmem:v15+s25+$0x0], $0xffff  }
0x138: {  	v43 =	vld.idx.msk [tilespmem:v41+s25+$0x0], $0xffff  }
0x139: {  	v44 =	vld.idx.msk [tilespmem:v42+s25+$0x0], $0xffff;
	_ =	sdelay $0x2  }
0x13a: {  	v45 =	vmul.f32 v18, v5  }
0x13b: {  	v46 =	vmul.f32 v43, v6;
	v47 =	vmul.f32 v18, v8  }
0x13c: {  	v48 =	vmul.f32 v43, v9;
	v49 =	vmul.f32 v44, v7  }
0x13d: {  	v18 =	vmul.f32 v18, v11;
	v19 =	vmul.f32 v43, v12  }
0x13e: {  	v50 =	vmul.f32 v44, v10;
	v21 =	vadd.f32 v46, v45;
	v23 =	vadd.f32 v48, v47  }
0x13f: {  	v18 =	vadd.f32 v19, v18  }
0x140: {  	v52 =	vmul.f32 v44, v13;
	v21 =	vadd.f32 v49, v21;
	v51 =	vadd.f32 v50, v23;
	_ =	sdelay $0x1  }
0x141: {  	v18 =	vadd.f32 v52, v18;
	v53 =	vmul.f32 v21, v21;
	v54 =	vmul.f32 v51, v51;
	_ =	sdelay $0x1  }
0x142: {  	v18 =	vmul.f32 v18, v18;
	v19 =	vadd.f32 v54, v53;
	_ =	sdelay $0x1  }
0x143: {  	v18 =	vadd.f32 v19, v18;
	_ =	sdelay $0x1  }
0x144: {  	v19 =	vmax.f32 v18, $9.999999960e-13  }
0x145: {  	v55 =	vshra.s32 v19, $0x1;
	v56 =	vmul.f32 $5.000000000e-01, v19  }
0x146: {  	v20 =	vsub.s32 $0x5F3759DF, v55  }
0x147: {  	v57 =	vmul.f32 v20, v56;
	_ =	sdelay $0x1  }
0x148: {  	v22 =	vmul.f32 v20, v57;
	_ =	sdelay $0x1  }
0x149: {  	v22 =	vsub.f32 $1.500000000e+00, v22;
	_ =	sdelay $0x1  }
0x14a: {  	v20 =	vmul.f32 v20, v22;
	_ =	sdelay $0x1  }
0x14b: {  	v21 =	vmul.f32 v20, v56;
	_ =	sdelay $0x1  }
0x14c: {  	v21 =	vmul.f32 v21, v20;
	_ =	sdelay $0x1  }
0x14d: {  	v21 =	vsub.f32 $1.500000000e+00, v21;
	_ =	sdelay $0x1  }
0x14e: {  	v20 =	vmul.f32 v21, v20;
	_ =	sdelay $0x1  }
0x14f: {  	v20 =	vmul.f32 v20, v19;
	_ =	sdelay $0x1  }
0x150: {  	v20 =	vmin.f32 v20, $4.000000000e+00  }
0x151: {  	v20 =	vmul.f32 $1.000000000e+02, v20;
	_ =	sdelay $0x1  }
0x152: {  	v20 =	vtrunc.f32 v20  }
0x153: {  	v20 =	vcvt.f32.s32 v20;
	_ =	sdelay $0x1  }
0x154: {  	v58 =	vadd.s32 $0x1, v20;
	_ =	sdelay $0x3  }
0x155: {  	v59 =	vld.idx.msk [tilespmem:v20+s21+$0x0], $0xffff  }
0x156: {  	v21 =	vld.idx.msk [tilespmem:v58+s21+$0x0], $0xffff;
	_ =	sdelay $0x4  }
0x157: {  	vm10 =	vlt.f32 v19, v59;
	vm9 =	vge.f32 v19, v21  }
0x158: {  	v61 =	vsel vm10, $0xFFFFFFFF, v4;
	v60 =	vsel vm9, $0x1, v4  }
0x159: {  	v19 =	vadd.s32 v60, v61  }
0x15a: {  	v19 =	vadd.s32 v20, v19  }
0x15b: {  	vm9 =	vlt.s32 v19, $0x12C  }
0x15c: {  	v19 =	vnsel vm9, $0x12C, v19;
	_ =	sdelay $0x2  }
0x15d: {  	v15 =	vld.idx.msk [tilespmem:v15+s26+$0x0], $0xffff  }
0x15e: {  	v16 =	vld.idx.msk [tilespmem:v41+s26+$0x0], $0xffff  }
0x15f: {  	v19 =	vld.idx.msk [tilespmem:v19+s24+$0x0], $0xffff  }
0x160: {  	v17 =	vld.idx.msk [tilespmem:v42+s26+$0x0], $0xffff;
	_ =	sdelay $0x3  }
0x161: {  	v15 =	vadd.s32 v15, v16;
	v19 =	vmul.f32 v19, v14  }
0x162: {  	v15 =	vadd.s32 v17, v15;
	vm9 =	vle.f32 v18, $9.000000000e+00  }
0x163: {  	[tilespmem:s2+$0x5490] =	vst v15;
	v18 =	vnsel vm9, $0x0, v19  }
0x164: {  	[tilespmem:s2+$0x4B90] =	vst v18  }
0x165: {  	v15 =	vld [tilespmem:s0+$0xFFFFFD60]  }
0x166: {  	v62 =	vld [tilespmem:s0+$0xFFFFFDE0]  }
0x167: {  	v63 =	vld [tilespmem:s0+$0xFFFFFE60];
	_ =	sdelay $0x5  }
0x168: {  	v18 =	vld.idx.msk [tilespmem:v15+s25+$0x0], $0xffff  }
0x169: {  	v28 =	vld.idx.msk [tilespmem:v62+s25+$0x0], $0xffff  }
0x16a: {  	v29 =	vld.idx.msk [tilespmem:v63+s25+$0x0], $0xffff;
	_ =	sdelay $0x2  }
0x16b: {  	v30 =	vmul.f32 v18, v5  }
0x16c: {  	v31 =	vmul.f32 v28, v6;
	v32 =	vmul.f32 v18, v8  }
0x16d: {  	v33 =	vmul.f32 v28, v9;
	v34 =	vmul.f32 v29, v7  }
0x16e: {  	v18 =	vmul.f32 v18, v11;
	v19 =	vmul.f32 v28, v12  }
0x16f: {  	v35 =	vmul.f32 v29, v10;
	v21 =	vadd.f32 v31, v30;
	v23 =	vadd.f32 v33, v32  }
0x170: {  	v18 =	vadd.f32 v19, v18  }
0x171: {  	v37 =	vmul.f32 v29, v13;
	v21 =	vadd.f32 v34, v21;
	v36 =	vadd.f32 v35, v23;
	_ =	sdelay $0x1  }
0x172: {  	v18 =	vadd.f32 v37, v18;
	v38 =	vmul.f32 v21, v21;
	v39 =	vmul.f32 v36, v36;
	_ =	sdelay $0x1  }
0x173: {  	v18 =	vmul.f32 v18, v18;
	v19 =	vadd.f32 v39, v38;
	_ =	sdelay $0x1  }
0x174: {  	v18 =	vadd.f32 v19, v18;
	_ =	sdelay $0x1  }
0x175: {  	v19 =	vmax.f32 v18, $9.999999960e-13  }
0x176: {  	v40 =	vshra.s32 v19, $0x1;
	v41 =	vmul.f32 $5.000000000e-01, v19  }
0x177: {  	v20 =	vsub.s32 $0x5F3759DF, v40  }
0x178: {  	v42 =	vmul.f32 v20, v41;
	_ =	sdelay $0x1  }
0x179: {  	v22 =	vmul.f32 v20, v42;
	_ =	sdelay $0x1  }
0x17a: {  	v22 =	vsub.f32 $1.500000000e+00, v22;
	_ =	sdelay $0x1  }
0x17b: {  	v20 =	vmul.f32 v20, v22;
	_ =	sdelay $0x1  }
0x17c: {  	v21 =	vmul.f32 v20, v41;
	_ =	sdelay $0x1  }
0x17d: {  	v21 =	vmul.f32 v21, v20;
	_ =	sdelay $0x1  }
0x17e: {  	v21 =	vsub.f32 $1.500000000e+00, v21;
	_ =	sdelay $0x1  }
0x17f: {  	v20 =	vmul.f32 v21, v20;
	_ =	sdelay $0x1  }
0x180: {  	v20 =	vmul.f32 v20, v19;
	_ =	sdelay $0x1  }
0x181: {  	v20 =	vmin.f32 v20, $4.000000000e+00  }
0x182: {  	v20 =	vmul.f32 $1.000000000e+02, v20;
	_ =	sdelay $0x1  }
0x183: {  	v20 =	vtrunc.f32 v20  }
0x184: {  	v20 =	vcvt.f32.s32 v20;
	_ =	sdelay $0x1  }
0x185: {  	v43 =	vadd.s32 $0x1, v20;
	_ =	sdelay $0x3  }
0x186: {  	v44 =	vld.idx.msk [tilespmem:v20+s21+$0x0], $0xffff  }
0x187: {  	v21 =	vld.idx.msk [tilespmem:v43+s21+$0x0], $0xffff;
	_ =	sdelay $0x4  }
0x188: {  	vm10 =	vlt.f32 v19, v44;
	vm9 =	vge.f32 v19, v21  }
0x189: {  	v46 =	vsel vm10, $0xFFFFFFFF, v4;
	v45 =	vsel vm9, $0x1, v4  }
0x18a: {  	v19 =	vadd.s32 v45, v46  }
0x18b: {  	v19 =	vadd.s32 v20, v19  }
0x18c: {  	vm9 =	vlt.s32 v19, $0x12C  }
0x18d: {  	v19 =	vnsel vm9, $0x12C, v19;
	_ =	sdelay $0x2  }
0x18e: {  	v15 =	vld.idx.msk [tilespmem:v15+s26+$0x0], $0xffff  }
0x18f: {  	v16 =	vld.idx.msk [tilespmem:v62+s26+$0x0], $0xffff  }
0x190: {  	v19 =	vld.idx.msk [tilespmem:v19+s24+$0x0], $0xffff  }
0x191: {  	v17 =	vld.idx.msk [tilespmem:v63+s26+$0x0], $0xffff;
	_ =	sdelay $0x3  }
0x192: {  	v15 =	vadd.s32 v15, v16;
	v19 =	vmul.f32 v19, v14  }
0x193: {  	v15 =	vadd.s32 v17, v15;
	vm9 =	vle.f32 v18, $9.000000000e+00  }
0x194: {  	[tilespmem:s2+$0x54A0] =	vst v15;
	v18 =	vnsel vm9, $0x0, v19  }
0x195: {  	[tilespmem:s2+$0x4BA0] =	vst v18  }
0x196: {  	v15 =	vld [tilespmem:s0+$0xFFFFFD70]  }
0x197: {  	v47 =	vld [tilespmem:s0+$0xFFFFFDF0]  }
0x198: {  	v48 =	vld [tilespmem:s0+$0xFFFFFE70];
	_ =	sdelay $0x5  }
0x199: {  	v18 =	vld.idx.msk [tilespmem:v15+s25+$0x0], $0xffff  }
0x19a: {  	v49 =	vld.idx.msk [tilespmem:v47+s25+$0x0], $0xffff  }
0x19b: {  	v50 =	vld.idx.msk [tilespmem:v48+s25+$0x0], $0xffff;
	_ =	sdelay $0x2  }
0x19c: {  	v51 =	vmul.f32 v18, v5  }
0x19d: {  	v52 =	vmul.f32 v49, v6;
	v53 =	vmul.f32 v18, v8  }
0x19e: {  	v54 =	vmul.f32 v49, v9;
	v55 =	vmul.f32 v50, v7  }
0x19f: {  	v18 =	vmul.f32 v18, v11;
	v19 =	vmul.f32 v49, v12  }
0x1a0: {  	v56 =	vmul.f32 v50, v10;
	v21 =	vadd.f32 v52, v51;
	v23 =	vadd.f32 v54, v53  }
0x1a1: {  	v18 =	vadd.f32 v19, v18  }
0x1a2: {  	v58 =	vmul.f32 v50, v13;
	v21 =	vadd.f32 v55, v21;
	v57 =	vadd.f32 v56, v23;
	_ =	sdelay $0x1  }
0x1a3: {  	v18 =	vadd.f32 v58, v18;
	v59 =	vmul.f32 v21, v21;
	v60 =	vmul.f32 v57, v57;
	_ =	sdelay $0x1  }
0x1a4: {  	v18 =	vmul.f32 v18, v18;
	v19 =	vadd.f32 v60, v59;
	_ =	sdelay $0x1  }
0x1a5: {  	v18 =	vadd.f32 v19, v18;
	_ =	sdelay $0x1  }
0x1a6: {  	v19 =	vmax.f32 v18, $9.999999960e-13  }
0x1a7: {  	v61 =	vshra.s32 v19, $0x1;
	v62 =	vmul.f32 $5.000000000e-01, v19  }
0x1a8: {  	v20 =	vsub.s32 $0x5F3759DF, v61  }
0x1a9: {  	v63 =	vmul.f32 v20, v62;
	_ =	sdelay $0x1  }
0x1aa: {  	v22 =	vmul.f32 v20, v63;
	_ =	sdelay $0x1  }
0x1ab: {  	v22 =	vsub.f32 $1.500000000e+00, v22;
	_ =	sdelay $0x1  }
0x1ac: {  	v20 =	vmul.f32 v20, v22;
	_ =	sdelay $0x1  }
0x1ad: {  	v21 =	vmul.f32 v20, v62;
	_ =	sdelay $0x1  }
0x1ae: {  	v21 =	vmul.f32 v21, v20;
	_ =	sdelay $0x1  }
0x1af: {  	v21 =	vsub.f32 $1.500000000e+00, v21;
	_ =	sdelay $0x1  }
0x1b0: {  	v20 =	vmul.f32 v21, v20;
	_ =	sdelay $0x1  }
0x1b1: {  	v20 =	vmul.f32 v20, v19;
	_ =	sdelay $0x1  }
0x1b2: {  	v20 =	vmin.f32 v20, $4.000000000e+00  }
0x1b3: {  	v20 =	vmul.f32 $1.000000000e+02, v20;
	_ =	sdelay $0x1  }
0x1b4: {  	v20 =	vtrunc.f32 v20  }
0x1b5: {  	v20 =	vcvt.f32.s32 v20;
	_ =	sdelay $0x1  }
0x1b6: {  	v24 =	vadd.s32 $0x1, v20;
	_ =	sdelay $0x3  }
0x1b7: {  	v25 =	vld.idx.msk [tilespmem:v20+s21+$0x0], $0xffff  }
0x1b8: {  	v21 =	vld.idx.msk [tilespmem:v24+s21+$0x0], $0xffff;
	_ =	sdelay $0x4  }
0x1b9: {  	vm10 =	vlt.f32 v19, v25;
	vm9 =	vge.f32 v19, v21  }
0x1ba: {  	v27 =	vsel vm10, $0xFFFFFFFF, v4;
	v26 =	vsel vm9, $0x1, v4  }
0x1bb: {  	v19 =	vadd.s32 v26, v27  }
0x1bc: {  	v19 =	vadd.s32 v20, v19  }
0x1bd: {  	vm9 =	vlt.s32 v19, $0x12C  }
0x1be: {  	v19 =	vnsel vm9, $0x12C, v19;
	_ =	sdelay $0x2  }
0x1bf: {  	v15 =	vld.idx.msk [tilespmem:v15+s26+$0x0], $0xffff  }
0x1c0: {  	v16 =	vld.idx.msk [tilespmem:v47+s26+$0x0], $0xffff  }
0x1c1: {  	v19 =	vld.idx.msk [tilespmem:v19+s24+$0x0], $0xffff  }
0x1c2: {  	v17 =	vld.idx.msk [tilespmem:v48+s26+$0x0], $0xffff;
	_ =	sdelay $0x3  }
0x1c3: {  	v15 =	vadd.s32 v15, v16;
	v19 =	vmul.f32 v19, v14  }
0x1c4: {  	v15 =	vadd.s32 v17, v15;
	vm9 =	vle.f32 v18, $9.000000000e+00  }
0x1c5: {  	[tilespmem:s2+$0x54B0] =	vst v15;
	v18 =	vnsel vm9, $0x0, v19  }
0x1c6: {  	[tilespmem:s2+$0x4BB0] =	vst v18  }
0x1c7: {  	v15 =	vld [tilespmem:s0+$0xFFFFFD80]  }
0x1c8: {  	v28 =	vld [tilespmem:s0+$0xFFFFFE00]  }
0x1c9: {  	v29 =	vld [tilespmem:s0+$0xFFFFFE80];
	_ =	sdelay $0x5  }
0x1ca: {  	v18 =	vld.idx.msk [tilespmem:v15+s25+$0x0], $0xffff  }
0x1cb: {  	v30 =	vld.idx.msk [tilespmem:v28+s25+$0x0], $0xffff  }
0x1cc: {  	v31 =	vld.idx.msk [tilespmem:v29+s25+$0x0], $0xffff;
	_ =	sdelay $0x2  }
0x1cd: {  	v32 =	vmul.f32 v18, v5  }
0x1ce: {  	v33 =	vmul.f32 v30, v6;
	v34 =	vmul.f32 v18, v8  }
0x1cf: {  	v35 =	vmul.f32 v30, v9;
	v36 =	vmul.f32 v31, v7  }
0x1d0: {  	v18 =	vmul.f32 v18, v11;
	v19 =	vmul.f32 v30, v12  }
0x1d1: {  	v37 =	vmul.f32 v31, v10;
	v21 =	vadd.f32 v33, v32;
	v23 =	vadd.f32 v35, v34  }
0x1d2: {  	v18 =	vadd.f32 v19, v18  }
0x1d3: {  	v39 =	vmul.f32 v31, v13;
	v21 =	vadd.f32 v36, v21;
	v38 =	vadd.f32 v37, v23;
	_ =	sdelay $0x1  }
0x1d4: {  	v18 =	vadd.f32 v39, v18;
	v40 =	vmul.f32 v21, v21;
	v41 =	vmul.f32 v38, v38;
	_ =	sdelay $0x1  }
0x1d5: {  	v18 =	vmul.f32 v18, v18;
	v19 =	vadd.f32 v41, v40;
	_ =	sdelay $0x1  }
0x1d6: {  	v18 =	vadd.f32 v19, v18;
	_ =	sdelay $0x1  }
0x1d7: {  	v19 =	vmax.f32 v18, $9.999999960e-13  }
0x1d8: {  	v42 =	vshra.s32 v19, $0x1;
	v43 =	vmul.f32 $5.000000000e-01, v19  }
0x1d9: {  	v20 =	vsub.s32 $0x5F3759DF, v42  }
0x1da: {  	v44 =	vmul.f32 v20, v43;
	_ =	sdelay $0x1  }
0x1db: {  	v22 =	vmul.f32 v20, v44;
	_ =	sdelay $0x1  }
0x1dc: {  	v22 =	vsub.f32 $1.500000000e+00, v22;
	_ =	sdelay $0x1  }
0x1dd: {  	v20 =	vmul.f32 v20, v22;
	_ =	sdelay $0x1  }
0x1de: {  	v21 =	vmul.f32 v20, v43;
	_ =	sdelay $0x1  }
0x1df: {  	v21 =	vmul.f32 v21, v20;
	_ =	sdelay $0x1  }
0x1e0: {  	v21 =	vsub.f32 $1.500000000e+00, v21;
	_ =	sdelay $0x1  }
0x1e1: {  	v20 =	vmul.f32 v21, v20;
	_ =	sdelay $0x1  }
0x1e2: {  	v20 =	vmul.f32 v20, v19;
	_ =	sdelay $0x1  }
0x1e3: {  	v20 =	vmin.f32 v20, $4.000000000e+00  }
0x1e4: {  	v20 =	vmul.f32 $1.000000000e+02, v20;
	_ =	sdelay $0x1  }
0x1e5: {  	v20 =	vtrunc.f32 v20  }
0x1e6: {  	v20 =	vcvt.f32.s32 v20;
	_ =	sdelay $0x1  }
0x1e7: {  	v45 =	vadd.s32 $0x1, v20;
	_ =	sdelay $0x3  }
0x1e8: {  	v46 =	vld.idx.msk [tilespmem:v20+s21+$0x0], $0xffff  }
0x1e9: {  	v21 =	vld.idx.msk [tilespmem:v45+s21+$0x0], $0xffff;
	_ =	sdelay $0x4  }
0x1ea: {  	vm10 =	vlt.f32 v19, v46;
	vm9 =	vge.f32 v19, v21  }
0x1eb: {  	v48 =	vsel vm10, $0xFFFFFFFF, v4;
	v47 =	vsel vm9, $0x1, v4  }
0x1ec: {  	v19 =	vadd.s32 v47, v48  }
0x1ed: {  	v19 =	vadd.s32 v20, v19  }
0x1ee: {  	vm9 =	vlt.s32 v19, $0x12C  }
0x1ef: {  	v19 =	vnsel vm9, $0x12C, v19;
	_ =	sdelay $0x2  }
0x1f0: {  	v15 =	vld.idx.msk [tilespmem:v15+s26+$0x0], $0xffff  }
0x1f1: {  	v16 =	vld.idx.msk [tilespmem:v28+s26+$0x0], $0xffff  }
0x1f2: {  	v19 =	vld.idx.msk [tilespmem:v19+s24+$0x0], $0xffff  }
0x1f3: {  	v17 =	vld.idx.msk [tilespmem:v29+s26+$0x0], $0xffff;
	_ =	sdelay $0x3  }
0x1f4: {  	v15 =	vadd.s32 v15, v16;
	v19 =	vmul.f32 v19, v14  }
0x1f5: {  	v15 =	vadd.s32 v17, v15;
	vm9 =	vle.f32 v18, $9.000000000e+00  }
0x1f6: {  	[tilespmem:s2+$0x54C0] =	vst v15;
	v18 =	vnsel vm9, $0x0, v19  }
0x1f7: {  	[tilespmem:s2+$0x4BC0] =	vst v18  }
0x1f8: {  	v15 =	vld [tilespmem:s0+$0xFFFFFD90]  }
0x1f9: {  	v49 =	vld [tilespmem:s0+$0xFFFFFE10]  }
0x1fa: {  	v50 =	vld [tilespmem:s0+$0xFFFFFE90];
	_ =	sdelay $0x5  }
0x1fb: {  	v18 =	vld.idx.msk [tilespmem:v15+s25+$0x0], $0xffff  }
0x1fc: {  	v51 =	vld.idx.msk [tilespmem:v49+s25+$0x0], $0xffff  }
0x1fd: {  	v52 =	vld.idx.msk [tilespmem:v50+s25+$0x0], $0xffff;
	_ =	sdelay $0x2  }
0x1fe: {  	v53 =	vmul.f32 v18, v5  }
0x1ff: {  	v54 =	vmul.f32 v51, v6;
	v55 =	vmul.f32 v18, v8  }
0x200: {  	v56 =	vmul.f32 v51, v9;
	v57 =	vmul.f32 v52, v7  }
0x201: {  	v18 =	vmul.f32 v18, v11;
	v19 =	vmul.f32 v51, v12  }
0x202: {  	v58 =	vmul.f32 v52, v10;
	v21 =	vadd.f32 v54, v53;
	v23 =	vadd.f32 v56, v55  }
0x203: {  	v18 =	vadd.f32 v19, v18  }
0x204: {  	v60 =	vmul.f32 v52, v13;
	v21 =	vadd.f32 v57, v21;
	v59 =	vadd.f32 v58, v23;
	_ =	sdelay $0x1  }
0x205: {  	v18 =	vadd.f32 v60, v18;
	v61 =	vmul.f32 v21, v21;
	v62 =	vmul.f32 v59, v59;
	_ =	sdelay $0x1  }
0x206: {  	v18 =	vmul.f32 v18, v18;
	v19 =	vadd.f32 v62, v61;
	_ =	sdelay $0x1  }
0x207: {  	v18 =	vadd.f32 v19, v18;
	_ =	sdelay $0x1  }
0x208: {  	v19 =	vmax.f32 v18, $9.999999960e-13  }
0x209: {  	v63 =	vshra.s32 v19, $0x1;
	v24 =	vmul.f32 $5.000000000e-01, v19  }
0x20a: {  	v20 =	vsub.s32 $0x5F3759DF, v63  }
0x20b: {  	v25 =	vmul.f32 v20, v24;
	_ =	sdelay $0x1  }
0x20c: {  	v22 =	vmul.f32 v20, v25;
	_ =	sdelay $0x1  }
0x20d: {  	v22 =	vsub.f32 $1.500000000e+00, v22;
	_ =	sdelay $0x1  }
0x20e: {  	v20 =	vmul.f32 v20, v22;
	_ =	sdelay $0x1  }
0x20f: {  	v21 =	vmul.f32 v20, v24;
	_ =	sdelay $0x1  }
0x210: {  	v21 =	vmul.f32 v21, v20;
	_ =	sdelay $0x1  }
0x211: {  	v21 =	vsub.f32 $1.500000000e+00, v21;
	_ =	sdelay $0x1  }
0x212: {  	v20 =	vmul.f32 v21, v20;
	_ =	sdelay $0x1  }
0x213: {  	v20 =	vmul.f32 v20, v19;
	_ =	sdelay $0x1  }
0x214: {  	v20 =	vmin.f32 v20, $4.000000000e+00  }
0x215: {  	v20 =	vmul.f32 $1.000000000e+02, v20;
	_ =	sdelay $0x1  }
0x216: {  	v20 =	vtrunc.f32 v20  }
0x217: {  	v20 =	vcvt.f32.s32 v20;
	_ =	sdelay $0x1  }
0x218: {  	v26 =	vadd.s32 $0x1, v20;
	_ =	sdelay $0x3  }
0x219: {  	v27 =	vld.idx.msk [tilespmem:v20+s21+$0x0], $0xffff  }
0x21a: {  	v21 =	vld.idx.msk [tilespmem:v26+s21+$0x0], $0xffff;
	_ =	sdelay $0x4  }
0x21b: {  	vm10 =	vlt.f32 v19, v27;
	vm9 =	vge.f32 v19, v21  }
0x21c: {  	v29 =	vsel vm10, $0xFFFFFFFF, v4;
	v28 =	vsel vm9, $0x1, v4  }
0x21d: {  	v19 =	vadd.s32 v28, v29  }
0x21e: {  	v19 =	vadd.s32 v20, v19  }
0x21f: {  	vm9 =	vlt.s32 v19, $0x12C  }
0x220: {  	v19 =	vnsel vm9, $0x12C, v19;
	_ =	sdelay $0x2  }
0x221: {  	v15 =	vld.idx.msk [tilespmem:v15+s26+$0x0], $0xffff  }
0x222: {  	v16 =	vld.idx.msk [tilespmem:v49+s26+$0x0], $0xffff  }
0x223: {  	v19 =	vld.idx.msk [tilespmem:v19+s24+$0x0], $0xffff  }
0x224: {  	v17 =	vld.idx.msk [tilespmem:v50+s26+$0x0], $0xffff;
	_ =	sdelay $0x3  }
0x225: {  	v15 =	vadd.s32 v15, v16;
	v19 =	vmul.f32 v19, v14  }
0x226: {  	v15 =	vadd.s32 v17, v15;
	vm9 =	vle.f32 v18, $9.000000000e+00  }
0x227: {  	[tilespmem:s2+$0x54D0] =	vst v15;
	v18 =	vnsel vm9, $0x0, v19  }
0x228: {  	[tilespmem:s2+$0x4BD0] =	vst v18  }
0x229: {  	v15 =	vld [tilespmem:s0+$0xFFFFFDA0]  }
0x22a: {  	v30 =	vld [tilespmem:s0+$0xFFFFFE20]  }
0x22b: {  	v31 =	vld [tilespmem:s0+$0xFFFFFEA0];
	_ =	sdelay $0x5  }
0x22c: {  	v18 =	vld.idx.msk [tilespmem:v15+s25+$0x0], $0xffff  }
0x22d: {  	v32 =	vld.idx.msk [tilespmem:v30+s25+$0x0], $0xffff  }
0x22e: {  	v33 =	vld.idx.msk [tilespmem:v31+s25+$0x0], $0xffff;
	_ =	sdelay $0x2  }
0x22f: {  	v34 =	vmul.f32 v18, v5  }
0x230: {  	v35 =	vmul.f32 v32, v6;
	v36 =	vmul.f32 v18, v8  }
0x231: {  	v37 =	vmul.f32 v32, v9;
	v38 =	vmul.f32 v33, v7  }
0x232: {  	v18 =	vmul.f32 v18, v11;
	v19 =	vmul.f32 v32, v12  }
0x233: {  	v39 =	vmul.f32 v33, v10;
	v21 =	vadd.f32 v35, v34;
	v23 =	vadd.f32 v37, v36  }
0x234: {  	v18 =	vadd.f32 v19, v18  }
0x235: {  	v41 =	vmul.f32 v33, v13;
	v21 =	vadd.f32 v38, v21;
	v40 =	vadd.f32 v39, v23;
	_ =	sdelay $0x1  }
0x236: {  	v18 =	vadd.f32 v41, v18;
	v42 =	vmul.f32 v21, v21;
	v43 =	vmul.f32 v40, v40;
	_ =	sdelay $0x1  }
0x237: {  	v18 =	vmul.f32 v18, v18;
	v19 =	vadd.f32 v43, v42;
	_ =	sdelay $0x1  }
0x238: {  	v18 =	vadd.f32 v19, v18;
	_ =	sdelay $0x1  }
0x239: {  	v19 =	vmax.f32 v18, $9.999999960e-13  }
0x23a: {  	v44 =	vshra.s32 v19, $0x1;
	v45 =	vmul.f32 $5.000000000e-01, v19  }
0x23b: {  	v20 =	vsub.s32 $0x5F3759DF, v44  }
0x23c: {  	v46 =	vmul.f32 v20, v45;
	_ =	sdelay $0x1  }
0x23d: {  	v22 =	vmul.f32 v20, v46;
	_ =	sdelay $0x1  }
0x23e: {  	v22 =	vsub.f32 $1.500000000e+00, v22;
	_ =	sdelay $0x1  }
0x23f: {  	v20 =	vmul.f32 v20, v22;
	_ =	sdelay $0x1  }
0x240: {  	v21 =	vmul.f32 v20, v45;
	_ =	sdelay $0x1  }
0x241: {  	v21 =	vmul.f32 v21, v20;
	_ =	sdelay $0x1  }
0x242: {  	v21 =	vsub.f32 $1.500000000e+00, v21;
	_ =	sdelay $0x1  }
0x243: {  	v20 =	vmul.f32 v21, v20;
	_ =	sdelay $0x1  }
0x244: {  	v20 =	vmul.f32 v20, v19;
	_ =	sdelay $0x1  }
0x245: {  	v20 =	vmin.f32 v20, $4.000000000e+00  }
0x246: {  	v20 =	vmul.f32 $1.000000000e+02, v20;
	_ =	sdelay $0x1  }
0x247: {  	v20 =	vtrunc.f32 v20  }
0x248: {  	v20 =	vcvt.f32.s32 v20;
	_ =	sdelay $0x1  }
0x249: {  	v47 =	vadd.s32 $0x1, v20;
	_ =	sdelay $0x3  }
0x24a: {  	v48 =	vld.idx.msk [tilespmem:v20+s21+$0x0], $0xffff  }
0x24b: {  	v21 =	vld.idx.msk [tilespmem:v47+s21+$0x0], $0xffff;
	_ =	sdelay $0x4  }
0x24c: {  	vm10 =	vlt.f32 v19, v48;
	vm9 =	vge.f32 v19, v21  }
0x24d: {  	v50 =	vsel vm10, $0xFFFFFFFF, v4;
	v49 =	vsel vm9, $0x1, v4  }
0x24e: {  	v19 =	vadd.s32 v49, v50  }
0x24f: {  	v19 =	vadd.s32 v20, v19  }
0x250: {  	vm9 =	vlt.s32 v19, $0x12C  }
0x251: {  	v19 =	vnsel vm9, $0x12C, v19;
	_ =	sdelay $0x2  }
0x252: {  	v15 =	vld.idx.msk [tilespmem:v15+s26+$0x0], $0xffff  }
0x253: {  	v16 =	vld.idx.msk [tilespmem:v30+s26+$0x0], $0xffff  }
0x254: {  	v19 =	vld.idx.msk [tilespmem:v19+s24+$0x0], $0xffff  }
0x255: {  	v17 =	vld.idx.msk [tilespmem:v31+s26+$0x0], $0xffff;
	_ =	sdelay $0x3  }
0x256: {  	v15 =	vadd.s32 v15, v16;
	v19 =	vmul.f32 v19, v14  }
0x257: {  	v15 =	vadd.s32 v17, v15;
	vm9 =	vle.f32 v18, $9.000000000e+00  }
0x258: {  	[tilespmem:s2+$0x54E0] =	vst v15;
	v18 =	vnsel vm9, $0x0, v19  }
0x259: {  	[tilespmem:s2+$0x4BE0] =	vst v18  }
0x25a: {  	v15 =	vld [tilespmem:s0+$0xFFFFFDB0]  }
0x25b: {  	v51 =	vld [tilespmem:s0+$0xFFFFFE30]  }
0x25c: {  	v52 =	vld [tilespmem:s0+$0xFFFFFEB0];
	_ =	sdelay $0x5  }
0x25d: {  	v18 =	vld.idx.msk [tilespmem:v15+s25+$0x0], $0xffff  }
0x25e: {  	v53 =	vld.idx.msk [tilespmem:v51+s25+$0x0], $0xffff  }
0x25f: {  	v54 =	vld.idx.msk [tilespmem:v52+s25+$0x0], $0xffff;
	_ =	sdelay $0x2  }
0x260: {  	v55 =	vmul.f32 v18, v5  }
0x261: {  	v56 =	vmul.f32 v53, v6;
	v57 =	vmul.f32 v18, v8  }
0x262: {  	v58 =	vmul.f32 v53, v9;
	v59 =	vmul.f32 v54, v7  }
0x263: {  	v18 =	vmul.f32 v18, v11;
	v19 =	vmul.f32 v53, v12  }
0x264: {  	v60 =	vmul.f32 v54, v10;
	v21 =	vadd.f32 v56, v55;
	v23 =	vadd.f32 v58, v57  }
0x265: {  	v18 =	vadd.f32 v19, v18  }
0x266: {  	v62 =	vmul.f32 v54, v13;
	v21 =	vadd.f32 v59, v21;
	v61 =	vadd.f32 v60, v23;
	_ =	sdelay $0x1  }
0x267: {  	v18 =	vadd.f32 v62, v18;
	v63 =	vmul.f32 v21, v21;
	v24 =	vmul.f32 v61, v61;
	_ =	sdelay $0x1  }
0x268: {  	v18 =	vmul.f32 v18, v18;
	v19 =	vadd.f32 v24, v63;
	_ =	sdelay $0x1  }
0x269: {  	v18 =	vadd.f32 v19, v18;
	_ =	sdelay $0x1  }
0x26a: {  	v19 =	vmax.f32 v18, $9.999999960e-13  }
0x26b: {  	v25 =	vshra.s32 v19, $0x1;
	v26 =	vmul.f32 $5.000000000e-01, v19  }
0x26c: {  	v20 =	vsub.s32 $0x5F3759DF, v25  }
0x26d: {  	v27 =	vmul.f32 v20, v26;
	_ =	sdelay $0x1  }
0x26e: {  	v22 =	vmul.f32 v20, v27;
	_ =	sdelay $0x1  }
0x26f: {  	v22 =	vsub.f32 $1.500000000e+00, v22;
	_ =	sdelay $0x1  }
0x270: {  	v20 =	vmul.f32 v20, v22;
	_ =	sdelay $0x1  }
0x271: {  	v21 =	vmul.f32 v20, v26;
	_ =	sdelay $0x1  }
0x272: {  	v21 =	vmul.f32 v21, v20;
	_ =	sdelay $0x1  }
0x273: {  	v21 =	vsub.f32 $1.500000000e+00, v21;
	_ =	sdelay $0x1  }
0x274: {  	v20 =	vmul.f32 v21, v20;
	_ =	sdelay $0x1  }
0x275: {  	v20 =	vmul.f32 v20, v19;
	_ =	sdelay $0x1  }
0x276: {  	v20 =	vmin.f32 v20, $4.000000000e+00  }
0x277: {  	v20 =	vmul.f32 $1.000000000e+02, v20;
	_ =	sdelay $0x1  }
0x278: {  	v20 =	vtrunc.f32 v20  }
0x279: {  	v20 =	vcvt.f32.s32 v20;
	_ =	sdelay $0x1  }
0x27a: {  	v28 =	vadd.s32 $0x1, v20;
	_ =	sdelay $0x3  }
0x27b: {  	v29 =	vld.idx.msk [tilespmem:v20+s21+$0x0], $0xffff  }
0x27c: {  	v21 =	vld.idx.msk [tilespmem:v28+s21+$0x0], $0xffff;
	_ =	sdelay $0x4  }
0x27d: {  	vm10 =	vlt.f32 v19, v29;
	vm9 =	vge.f32 v19, v21  }
0x27e: {  	v31 =	vsel vm10, $0xFFFFFFFF, v4;
	v30 =	vsel vm9, $0x1, v4  }
0x27f: {  	v19 =	vadd.s32 v30, v31  }
0x280: {  	v19 =	vadd.s32 v20, v19  }
0x281: {  	vm9 =	vlt.s32 v19, $0x12C  }
0x282: {  	v19 =	vnsel vm9, $0x12C, v19;
	_ =	sdelay $0x2  }
0x283: {  	v15 =	vld.idx.msk [tilespmem:v15+s26+$0x0], $0xffff  }
0x284: {  	v16 =	vld.idx.msk [tilespmem:v51+s26+$0x0], $0xffff  }
0x285: {  	v19 =	vld.idx.msk [tilespmem:v19+s24+$0x0], $0xffff  }
0x286: {  	v17 =	vld.idx.msk [tilespmem:v52+s26+$0x0], $0xffff;
	_ =	sdelay $0x3  }
0x287: {  	v15 =	vadd.s32 v15, v16;
	v19 =	vmul.f32 v19, v14  }
0x288: {  	v15 =	vadd.s32 v17, v15;
	vm9 =	vle.f32 v18, $9.000000000e+00  }
0x289: {  	[tilespmem:s2+$0x54F0] =	vst v15;
	v18 =	vnsel vm9, $0x0, v19  }
0x28a: {  	s1 =	sadd.s32 $0x4B80, s2;
	s3 =	sadd.s32 $0x5480, s2;
	[tilespmem:s2+$0x4BF0] =	vst v18  }
0x28b: {  	[spmem:s4] =	stream.indirect.scatter.add.f32 [tilespmem:s1], [sflag:$0x1], $0x1, s3, s7, $0xb8;
	[tilespmem:$0x13880] =	vst v63  }
0x28c: {  	v15 =	vld [tilespmem:s0+$0xFFFFFF40]  }
0x28d: {  	v32 =	vld [tilespmem:s0+$0xFFFFFFC0]  }
0x28e: {  	v33 =	vld [tilespmem:s0+$0x40];
	_ =	sdelay $0x5  }
0x28f: {  	v34 =	vld.idx.msk [tilespmem:v15+s25+$0x0], $0xffff  }
0x290: {  	v35 =	vld.idx.msk [tilespmem:v32+s25+$0x0], $0xffff  }
0x291: {  	v36 =	vld.idx.msk [tilespmem:v33+s25+$0x0], $0xffff;
	_ =	sdelay $0x2  }
0x292: {  	v37 =	vmul.f32 v34, v5  }
0x293: {  	v38 =	vmul.f32 v35, v6;
	v39 =	vmul.f32 v34, v8  }
0x294: {  	v40 =	vmul.f32 v35, v9;
	v41 =	vmul.f32 v36, v7  }
0x295: {  	v18 =	vmul.f32 v34, v11;
	v19 =	vmul.f32 v35, v12  }
0x296: {  	v42 =	vmul.f32 v36, v10;
	v21 =	vadd.f32 v38, v37;
	v23 =	vadd.f32 v40, v39  }
0x297: {  	v18 =	vadd.f32 v19, v18  }
0x298: {  	v44 =	vmul.f32 v36, v13;
	v21 =	vadd.f32 v41, v21;
	v43 =	vadd.f32 v42, v23;
	_ =	sdelay $0x1  }
0x299: {  	v18 =	vadd.f32 v44, v18;
	v45 =	vmul.f32 v21, v21;
	v46 =	vmul.f32 v43, v43;
	_ =	sdelay $0x1  }
0x29a: {  	v18 =	vmul.f32 v18, v18;
	v19 =	vadd.f32 v46, v45;
	_ =	sdelay $0x1  }
0x29b: {  	v18 =	vadd.f32 v19, v18;
	_ =	sdelay $0x1  }
0x29c: {  	v19 =	vmax.f32 v18, $9.999999960e-13  }
0x29d: {  	v47 =	vshra.s32 v19, $0x1;
	v48 =	vmul.f32 $5.000000000e-01, v19  }
0x29e: {  	v20 =	vsub.s32 $0x5F3759DF, v47  }
0x29f: {  	v49 =	vmul.f32 v20, v48;
	_ =	sdelay $0x1  }
0x2a0: {  	v22 =	vmul.f32 v20, v49;
	_ =	sdelay $0x1  }
0x2a1: {  	v22 =	vsub.f32 $1.500000000e+00, v22;
	_ =	sdelay $0x1  }
0x2a2: {  	v20 =	vmul.f32 v20, v22;
	_ =	sdelay $0x1  }
0x2a3: {  	v21 =	vmul.f32 v20, v48;
	_ =	sdelay $0x1  }
0x2a4: {  	v21 =	vmul.f32 v21, v20;
	_ =	sdelay $0x1  }
0x2a5: {  	v21 =	vsub.f32 $1.500000000e+00, v21;
	_ =	sdelay $0x1  }
0x2a6: {  	v20 =	vmul.f32 v21, v20;
	_ =	sdelay $0x1  }
0x2a7: {  	v20 =	vmul.f32 v20, v19;
	_ =	sdelay $0x1  }
0x2a8: {  	v20 =	vmin.f32 v20, $4.000000000e+00  }
0x2a9: {  	v20 =	vmul.f32 $1.000000000e+02, v20;
	_ =	sdelay $0x1  }
0x2aa: {  	v20 =	vtrunc.f32 v20  }
0x2ab: {  	v20 =	vcvt.f32.s32 v20;
	_ =	sdelay $0x1  }
0x2ac: {  	v50 =	vadd.s32 $0x1, v20;
	_ =	sdelay $0x3  }
0x2ad: {  	v51 =	vld.idx.msk [tilespmem:v20+s21+$0x0], $0xffff  }
0x2ae: {  	v21 =	vld.idx.msk [tilespmem:v50+s21+$0x0], $0xffff;
	_ =	sdelay $0x4  }
0x2af: {  	vm10 =	vlt.f32 v19, v51;
	vm9 =	vge.f32 v19, v21  }
0x2b0: {  	v53 =	vsel vm10, $0xFFFFFFFF, v4;
	v52 =	vsel vm9, $0x1, v4  }
0x2b1: {  	v19 =	vadd.s32 v52, v53  }
0x2b2: {  	v19 =	vadd.s32 v20, v19  }
0x2b3: {  	vm9 =	vlt.s32 v19, $0x12C  }
0x2b4: {  	v19 =	vnsel vm9, $0x12C, v19;
	_ =	sdelay $0x2  }
0x2b5: {  	v15 =	vld.idx.msk [tilespmem:v15+s26+$0x0], $0xffff  }
0x2b6: {  	v16 =	vld.idx.msk [tilespmem:v32+s26+$0x0], $0xffff  }
0x2b7: {  	v19 =	vld.idx.msk [tilespmem:v19+s24+$0x0], $0xffff  }
0x2b8: {  	v17 =	vld.idx.msk [tilespmem:v33+s26+$0x0], $0xffff;
	_ =	sdelay $0x3  }
0x2b9: {  	v15 =	vadd.s32 v15, v16;
	v19 =	vmul.f32 v19, v14  }
0x2ba: {  	v15 =	vadd.s32 v17, v15;
	vm9 =	vle.f32 v18, $9.000000000e+00  }
0x2bb: {  	[tilespmem:s2+$0x5500] =	vst v15;
	v18 =	vnsel vm9, $0x0, v19  }
0x2bc: {  	[tilespmem:s2+$0x4C00] =	vst v18  }
0x2bd: {  	v15 =	vld [tilespmem:s0+$0xFFFFFF50]  }
0x2be: {  	v54 =	vld [tilespmem:s0+$0xFFFFFFD0]  }
0x2bf: {  	v55 =	vld [tilespmem:s0+$0x50];
	_ =	sdelay $0x5  }
0x2c0: {  	v18 =	vld.idx.msk [tilespmem:v15+s25+$0x0], $0xffff  }
0x2c1: {  	v56 =	vld.idx.msk [tilespmem:v54+s25+$0x0], $0xffff  }
0x2c2: {  	v57 =	vld.idx.msk [tilespmem:v55+s25+$0x0], $0xffff;
	_ =	sdelay $0x2  }
0x2c3: {  	v58 =	vmul.f32 v18, v5  }
0x2c4: {  	v59 =	vmul.f32 v56, v6;
	v60 =	vmul.f32 v18, v8  }
0x2c5: {  	v61 =	vmul.f32 v56, v9;
	v62 =	vmul.f32 v57, v7  }
0x2c6: {  	v18 =	vmul.f32 v18, v11;
	v19 =	vmul.f32 v56, v12  }
0x2c7: {  	v63 =	vmul.f32 v57, v10;
	v21 =	vadd.f32 v59, v58;
	v23 =	vadd.f32 v61, v60  }
0x2c8: {  	v18 =	vadd.f32 v19, v18  }
0x2c9: {  	v26 =	vmul.f32 v57, v13;
	v21 =	vadd.f32 v62, v21;
	v25 =	vadd.f32 v63, v23;
	_ =	sdelay $0x1  }
0x2ca: {  	v18 =	vadd.f32 v26, v18;
	v27 =	vmul.f32 v21, v21;
	v28 =	vmul.f32 v25, v25;
	_ =	sdelay $0x1  }
0x2cb: {  	v18 =	vmul.f32 v18, v18;
	v19 =	vadd.f32 v28, v27;
	_ =	sdelay $0x1  }
0x2cc: {  	v18 =	vadd.f32 v19, v18;
	_ =	sdelay $0x1  }
0x2cd: {  	v19 =	vmax.f32 v18, $9.999999960e-13  }
0x2ce: {  	v29 =	vshra.s32 v19, $0x1;
	v30 =	vmul.f32 $5.000000000e-01, v19  }
0x2cf: {  	v20 =	vsub.s32 $0x5F3759DF, v29  }
0x2d0: {  	v31 =	vmul.f32 v20, v30;
	_ =	sdelay $0x1  }
0x2d1: {  	v22 =	vmul.f32 v20, v31;
	_ =	sdelay $0x1  }
0x2d2: {  	v22 =	vsub.f32 $1.500000000e+00, v22;
	_ =	sdelay $0x1  }
0x2d3: {  	v20 =	vmul.f32 v20, v22;
	_ =	sdelay $0x1  }
0x2d4: {  	v21 =	vmul.f32 v20, v30;
	_ =	sdelay $0x1  }
0x2d5: {  	v21 =	vmul.f32 v21, v20;
	_ =	sdelay $0x1  }
0x2d6: {  	v21 =	vsub.f32 $1.500000000e+00, v21;
	_ =	sdelay $0x1  }
0x2d7: {  	v20 =	vmul.f32 v21, v20;
	_ =	sdelay $0x1  }
0x2d8: {  	v20 =	vmul.f32 v20, v19;
	_ =	sdelay $0x1  }
0x2d9: {  	v20 =	vmin.f32 v20, $4.000000000e+00  }
0x2da: {  	v20 =	vmul.f32 $1.000000000e+02, v20;
	_ =	sdelay $0x1  }
0x2db: {  	v20 =	vtrunc.f32 v20  }
0x2dc: {  	v20 =	vcvt.f32.s32 v20;
	_ =	sdelay $0x1  }
0x2dd: {  	v32 =	vadd.s32 $0x1, v20;
	_ =	sdelay $0x3  }
0x2de: {  	v33 =	vld.idx.msk [tilespmem:v20+s21+$0x0], $0xffff  }
0x2df: {  	v21 =	vld.idx.msk [tilespmem:v32+s21+$0x0], $0xffff;
	_ =	sdelay $0x4  }
0x2e0: {  	vm10 =	vlt.f32 v19, v33;
	vm9 =	vge.f32 v19, v21  }
0x2e1: {  	v35 =	vsel vm10, $0xFFFFFFFF, v4;
	v34 =	vsel vm9, $0x1, v4  }
0x2e2: {  	v19 =	vadd.s32 v34, v35  }
0x2e3: {  	v19 =	vadd.s32 v20, v19  }
0x2e4: {  	vm9 =	vlt.s32 v19, $0x12C  }
0x2e5: {  	v19 =	vnsel vm9, $0x12C, v19;
	_ =	sdelay $0x2  }
0x2e6: {  	v15 =	vld.idx.msk [tilespmem:v15+s26+$0x0], $0xffff  }
0x2e7: {  	v16 =	vld.idx.msk [tilespmem:v54+s26+$0x0], $0xffff  }
0x2e8: {  	v19 =	vld.idx.msk [tilespmem:v19+s24+$0x0], $0xffff  }
0x2e9: {  	v17 =	vld.idx.msk [tilespmem:v55+s26+$0x0], $0xffff;
	_ =	sdelay $0x3  }
0x2ea: {  	v15 =	vadd.s32 v15, v16;
	v19 =	vmul.f32 v19, v14  }
0x2eb: {  	v15 =	vadd.s32 v17, v15;
	vm9 =	vle.f32 v18, $9.000000000e+00  }
0x2ec: {  	[tilespmem:s2+$0x5510] =	vst v15;
	v18 =	vnsel vm9, $0x0, v19  }
0x2ed: {  	[tilespmem:s2+$0x4C10] =	vst v18  }
0x2ee: {  	v15 =	vld [tilespmem:s0+$0xFFFFFF60]  }
0x2ef: {  	v36 =	vld [tilespmem:s0+$0xFFFFFFE0]  }
0x2f0: {  	v37 =	vld [tilespmem:s0+$0x60];
	_ =	sdelay $0x5  }
0x2f1: {  	v18 =	vld.idx.msk [tilespmem:v15+s25+$0x0], $0xffff  }
0x2f2: {  	v38 =	vld.idx.msk [tilespmem:v36+s25+$0x0], $0xffff  }
0x2f3: {  	v39 =	vld.idx.msk [tilespmem:v37+s25+$0x0], $0xffff;
	_ =	sdelay $0x2  }
0x2f4: {  	v40 =	vmul.f32 v18, v5  }
0x2f5: {  	v41 =	vmul.f32 v38, v6;
	v42 =	vmul.f32 v18, v8  }
0x2f6: {  	v43 =	vmul.f32 v38, v9;
	v44 =	vmul.f32 v39, v7  }
0x2f7: {  	v18 =	vmul.f32 v18, v11;
	v19 =	vmul.f32 v38, v12  }
0x2f8: {  	v45 =	vmul.f32 v39, v10;
	v21 =	vadd.f32 v41, v40;
	v23 =	vadd.f32 v43, v42  }
0x2f9: {  	v18 =	vadd.f32 v19, v18  }
0x2fa: {  	v47 =	vmul.f32 v39, v13;
	v21 =	vadd.f32 v44, v21;
	v46 =	vadd.f32 v45, v23;
	_ =	sdelay $0x1  }
0x2fb: {  	v18 =	vadd.f32 v47, v18;
	v48 =	vmul.f32 v21, v21;
	v49 =	vmul.f32 v46, v46;
	_ =	sdelay $0x1  }
0x2fc: {  	v18 =	vmul.f32 v18, v18;
	v19 =	vadd.f32 v49, v48;
	_ =	sdelay $0x1  }
0x2fd: {  	v18 =	vadd.f32 v19, v18;
	_ =	sdelay $0x1  }
0x2fe: {  	v19 =	vmax.f32 v18, $9.999999960e-13  }
0x2ff: {  	v50 =	vshra.s32 v19, $0x1;
	v51 =	vmul.f32 $5.000000000e-01, v19  }
0x300: {  	v20 =	vsub.s32 $0x5F3759DF, v50  }
0x301: {  	v52 =	vmul.f32 v20, v51;
	_ =	sdelay $0x1  }
0x302: {  	v22 =	vmul.f32 v20, v52;
	_ =	sdelay $0x1  }
0x303: {  	v22 =	vsub.f32 $1.500000000e+00, v22;
	_ =	sdelay $0x1  }
0x304: {  	v20 =	vmul.f32 v20, v22;
	_ =	sdelay $0x1  }
0x305: {  	v21 =	vmul.f32 v20, v51;
	_ =	sdelay $0x1  }
0x306: {  	v21 =	vmul.f32 v21, v20;
	_ =	sdelay $0x1  }
0x307: {  	v21 =	vsub.f32 $1.500000000e+00, v21;
	_ =	sdelay $0x1  }
0x308: {  	v20 =	vmul.f32 v21, v20;
	_ =	sdelay $0x1  }
0x309: {  	v20 =	vmul.f32 v20, v19;
	_ =	sdelay $0x1  }
0x30a: {  	v20 =	vmin.f32 v20, $4.000000000e+00  }
0x30b: {  	v20 =	vmul.f32 $1.000000000e+02, v20;
	_ =	sdelay $0x1  }
0x30c: {  	v20 =	vtrunc.f32 v20  }
0x30d: {  	v20 =	vcvt.f32.s32 v20;
	_ =	sdelay $0x1  }
0x30e: {  	v53 =	vadd.s32 $0x1, v20;
	_ =	sdelay $0x3  }
0x30f: {  	v54 =	vld.idx.msk [tilespmem:v20+s21+$0x0], $0xffff  }
0x310: {  	v21 =	vld.idx.msk [tilespmem:v53+s21+$0x0], $0xffff;
	_ =	sdelay $0x4  }
0x311: {  	vm10 =	vlt.f32 v19, v54;
	vm9 =	vge.f32 v19, v21  }
0x312: {  	v56 =	vsel vm10, $0xFFFFFFFF, v4;
	v55 =	vsel vm9, $0x1, v4  }
0x313: {  	v19 =	vadd.s32 v55, v56  }
0x314: {  	v19 =	vadd.s32 v20, v19  }
0x315: {  	vm9 =	vlt.s32 v19, $0x12C  }
0x316: {  	v19 =	vnsel vm9, $0x12C, v19;
	_ =	sdelay $0x2  }
0x317: {  	v15 =	vld.idx.msk [tilespmem:v15+s26+$0x0], $0xffff  }
0x318: {  	v16 =	vld.idx.msk [tilespmem:v36+s26+$0x0], $0xffff  }
0x319: {  	v19 =	vld.idx.msk [tilespmem:v19+s24+$0x0], $0xffff  }
0x31a: {  	v17 =	vld.idx.msk [tilespmem:v37+s26+$0x0], $0xffff;
	_ =	sdelay $0x3  }
0x31b: {  	v15 =	vadd.s32 v15, v16;
	v19 =	vmul.f32 v19, v14  }
0x31c: {  	v15 =	vadd.s32 v17, v15;
	vm9 =	vle.f32 v18, $9.000000000e+00  }
0x31d: {  	[tilespmem:s2+$0x5520] =	vst v15;
	v18 =	vnsel vm9, $0x0, v19  }
0x31e: {  	[tilespmem:s2+$0x4C20] =	vst v18  }
0x31f: {  	v15 =	vld [tilespmem:s0+$0xFFFFFF70]  }
0x320: {  	v57 =	vld [tilespmem:s0+$0xFFFFFFF0]  }
0x321: {  	v58 =	vld [tilespmem:s0+$0x70];
	_ =	sdelay $0x5  }
0x322: {  	v18 =	vld.idx.msk [tilespmem:v15+s25+$0x0], $0xffff  }
0x323: {  	v59 =	vld.idx.msk [tilespmem:v57+s25+$0x0], $0xffff  }
0x324: {  	v60 =	vld.idx.msk [tilespmem:v58+s25+$0x0], $0xffff;
	_ =	sdelay $0x2  }
0x325: {  	v61 =	vmul.f32 v18, v5  }
0x326: {  	v62 =	vmul.f32 v59, v6;
	v63 =	vmul.f32 v18, v8  }
0x327: {  	v28 =	vmul.f32 v59, v9;
	v29 =	vmul.f32 v60, v7  }
0x328: {  	v18 =	vmul.f32 v18, v11;
	v19 =	vmul.f32 v59, v12  }
0x329: {  	v30 =	vmul.f32 v60, v10;
	v21 =	vadd.f32 v62, v61;
	v23 =	vadd.f32 v28, v63  }
0x32a: {  	v18 =	vadd.f32 v19, v18  }
0x32b: {  	v32 =	vmul.f32 v60, v13;
	v21 =	vadd.f32 v29, v21;
	v31 =	vadd.f32 v30, v23;
	_ =	sdelay $0x1  }
0x32c: {  	v18 =	vadd.f32 v32, v18;
	v33 =	vmul.f32 v21, v21;
	v34 =	vmul.f32 v31, v31;
	_ =	sdelay $0x1  }
0x32d: {  	v18 =	vmul.f32 v18, v18;
	v19 =	vadd.f32 v34, v33;
	_ =	sdelay $0x1  }
0x32e: {  	v18 =	vadd.f32 v19, v18;
	_ =	sdelay $0x1  }
0x32f: {  	v19 =	vmax.f32 v18, $9.999999960e-13  }
0x330: {  	v35 =	vshra.s32 v19, $0x1;
	v36 =	vmul.f32 $5.000000000e-01, v19  }
0x331: {  	v20 =	vsub.s32 $0x5F3759DF, v35  }
0x332: {  	v37 =	vmul.f32 v20, v36;
	_ =	sdelay $0x1  }
0x333: {  	v22 =	vmul.f32 v20, v37;
	_ =	sdelay $0x1  }
0x334: {  	v22 =	vsub.f32 $1.500000000e+00, v22;
	_ =	sdelay $0x1  }
0x335: {  	v20 =	vmul.f32 v20, v22;
	_ =	sdelay $0x1  }
0x336: {  	v21 =	vmul.f32 v20, v36;
	_ =	sdelay $0x1  }
0x337: {  	v21 =	vmul.f32 v21, v20;
	_ =	sdelay $0x1  }
0x338: {  	v21 =	vsub.f32 $1.500000000e+00, v21;
	_ =	sdelay $0x1  }
0x339: {  	v20 =	vmul.f32 v21, v20;
	_ =	sdelay $0x1  }
0x33a: {  	v20 =	vmul.f32 v20, v19;
	_ =	sdelay $0x1  }
0x33b: {  	v20 =	vmin.f32 v20, $4.000000000e+00  }
0x33c: {  	v20 =	vmul.f32 $1.000000000e+02, v20;
	_ =	sdelay $0x1  }
0x33d: {  	v20 =	vtrunc.f32 v20  }
0x33e: {  	v20 =	vcvt.f32.s32 v20;
	_ =	sdelay $0x1  }
0x33f: {  	v38 =	vadd.s32 $0x1, v20;
	_ =	sdelay $0x3  }
0x340: {  	v39 =	vld.idx.msk [tilespmem:v20+s21+$0x0], $0xffff  }
0x341: {  	v21 =	vld.idx.msk [tilespmem:v38+s21+$0x0], $0xffff;
	_ =	sdelay $0x4  }
0x342: {  	vm10 =	vlt.f32 v19, v39;
	vm9 =	vge.f32 v19, v21  }
0x343: {  	v41 =	vsel vm10, $0xFFFFFFFF, v4;
	v40 =	vsel vm9, $0x1, v4  }
0x344: {  	v19 =	vadd.s32 v40, v41  }
0x345: {  	v19 =	vadd.s32 v20, v19  }
0x346: {  	vm9 =	vlt.s32 v19, $0x12C  }
0x347: {  	v19 =	vnsel vm9, $0x12C, v19;
	_ =	sdelay $0x2  }
0x348: {  	v15 =	vld.idx.msk [tilespmem:v15+s26+$0x0], $0xffff  }
0x349: {  	v16 =	vld.idx.msk [tilespmem:v57+s26+$0x0], $0xffff  }
0x34a: {  	v19 =	vld.idx.msk [tilespmem:v19+s24+$0x0], $0xffff  }
0x34b: {  	v17 =	vld.idx.msk [tilespmem:v58+s26+$0x0], $0xffff;
	_ =	sdelay $0x3  }
0x34c: {  	v15 =	vadd.s32 v15, v16;
	v19 =	vmul.f32 v19, v14  }
0x34d: {  	v15 =	vadd.s32 v17, v15;
	vm9 =	vle.f32 v18, $9.000000000e+00  }
0x34e: {  	[tilespmem:s2+$0x5530] =	vst v15;
	v18 =	vnsel vm9, $0x0, v19  }
0x34f: {  	[tilespmem:s2+$0x4C30] =	vst v18  }
0x350: {  	v15 =	vld [tilespmem:s0+$0xFFFFFF80]  }
0x351: {  	v42 =	vld [tilespmem:s0+$0x0]  }
0x352: {  	v43 =	vld [tilespmem:s0+$0x80];
	_ =	sdelay $0x5  }
0x353: {  	v18 =	vld.idx.msk [tilespmem:v15+s25+$0x0], $0xffff  }
0x354: {  	v44 =	vld.idx.msk [tilespmem:v42+s25+$0x0], $0xffff  }
0x355: {  	v45 =	vld.idx.msk [tilespmem:v43+s25+$0x0], $0xffff;
	_ =	sdelay $0x2  }
0x356: {  	v46 =	vmul.f32 v18, v5  }
0x357: {  	v47 =	vmul.f32 v44, v6;
	v48 =	vmul.f32 v18, v8  }
0x358: {  	v49 =	vmul.f32 v44, v9;
	v50 =	vmul.f32 v45, v7  }
0x359: {  	v18 =	vmul.f32 v18, v11;
	v19 =	vmul.f32 v44, v12  }
0x35a: {  	v51 =	vmul.f32 v45, v10;
	v21 =	vadd.f32 v47, v46;
	v23 =	vadd.f32 v49, v48  }
0x35b: {  	v18 =	vadd.f32 v19, v18  }
0x35c: {  	v53 =	vmul.f32 v45, v13;
	v21 =	vadd.f32 v50, v21;
	v52 =	vadd.f32 v51, v23;
	_ =	sdelay $0x1  }
0x35d: {  	v18 =	vadd.f32 v53, v18;
	v54 =	vmul.f32 v21, v21;
	v55 =	vmul.f32 v52, v52;
	_ =	sdelay $0x1  }
0x35e: {  	v18 =	vmul.f32 v18, v18;
	v19 =	vadd.f32 v55, v54;
	_ =	sdelay $0x1  }
0x35f: {  	v18 =	vadd.f32 v19, v18;
	_ =	sdelay $0x1  }
0x360: {  	v19 =	vmax.f32 v18, $9.999999960e-13  }
0x361: {  	v56 =	vshra.s32 v19, $0x1;
	v57 =	vmul.f32 $5.000000000e-01, v19  }
0x362: {  	v20 =	vsub.s32 $0x5F3759DF, v56  }
0x363: {  	v58 =	vmul.f32 v20, v57;
	_ =	sdelay $0x1  }
0x364: {  	v22 =	vmul.f32 v20, v58;
	_ =	sdelay $0x1  }
0x365: {  	v22 =	vsub.f32 $1.500000000e+00, v22;
	_ =	sdelay $0x1  }
0x366: {  	v20 =	vmul.f32 v20, v22;
	_ =	sdelay $0x1  }
0x367: {  	v21 =	vmul.f32 v20, v57;
	_ =	sdelay $0x1  }
0x368: {  	v21 =	vmul.f32 v21, v20;
	_ =	sdelay $0x1  }
0x369: {  	v21 =	vsub.f32 $1.500000000e+00, v21;
	_ =	sdelay $0x1  }
0x36a: {  	v20 =	vmul.f32 v21, v20;
	_ =	sdelay $0x1  }
0x36b: {  	v20 =	vmul.f32 v20, v19;
	_ =	sdelay $0x1  }
0x36c: {  	v20 =	vmin.f32 v20, $4.000000000e+00  }
0x36d: {  	v20 =	vmul.f32 $1.000000000e+02, v20;
	_ =	sdelay $0x1  }
0x36e: {  	v20 =	vtrunc.f32 v20  }
0x36f: {  	v20 =	vcvt.f32.s32 v20;
	_ =	sdelay $0x1  }
0x370: {  	v59 =	vadd.s32 $0x1, v20;
	_ =	sdelay $0x3  }
0x371: {  	v60 =	vld.idx.msk [tilespmem:v20+s21+$0x0], $0xffff  }
0x372: {  	v21 =	vld.idx.msk [tilespmem:v59+s21+$0x0], $0xffff;
	_ =	sdelay $0x4  }
0x373: {  	vm10 =	vlt.f32 v19, v60;
	vm9 =	vge.f32 v19, v21  }
0x374: {  	v62 =	vsel vm10, $0xFFFFFFFF, v4;
	v61 =	vsel vm9, $0x1, v4  }
0x375: {  	v19 =	vadd.s32 v61, v62  }
0x376: {  	v19 =	vadd.s32 v20, v19  }
0x377: {  	vm9 =	vlt.s32 v19, $0x12C  }
0x378: {  	v19 =	vnsel vm9, $0x12C, v19;
	_ =	sdelay $0x2  }
0x379: {  	v15 =	vld.idx.msk [tilespmem:v15+s26+$0x0], $0xffff  }
0x37a: {  	v16 =	vld.idx.msk [tilespmem:v42+s26+$0x0], $0xffff  }
0x37b: {  	v19 =	vld.idx.msk [tilespmem:v19+s24+$0x0], $0xffff  }
0x37c: {  	v17 =	vld.idx.msk [tilespmem:v43+s26+$0x0], $0xffff;
	_ =	sdelay $0x3  }
0x37d: {  	v15 =	vadd.s32 v15, v16;
	v19 =	vmul.f32 v19, v14  }
0x37e: {  	v15 =	vadd.s32 v17, v15;
	vm9 =	vle.f32 v18, $9.000000000e+00  }
0x37f: {  	[tilespmem:s2+$0x5540] =	vst v15;
	v18 =	vnsel vm9, $0x0, v19  }
0x380: {  	[tilespmem:s2+$0x4C40] =	vst v18  }
0x381: {  	v15 =	vld [tilespmem:s0+$0xFFFFFF90]  }
0x382: {  	v63 =	vld [tilespmem:s0+$0x10]  }
0x383: {  	v28 =	vld [tilespmem:s0+$0x90];
	_ =	sdelay $0x5  }
0x384: {  	v18 =	vld.idx.msk [tilespmem:v15+s25+$0x0], $0xffff  }
0x385: {  	v29 =	vld.idx.msk [tilespmem:v63+s25+$0x0], $0xffff  }
0x386: {  	v30 =	vld.idx.msk [tilespmem:v28+s25+$0x0], $0xffff;
	_ =	sdelay $0x2  }
0x387: {  	v31 =	vmul.f32 v18, v5  }
0x388: {  	v32 =	vmul.f32 v29, v6;
	v33 =	vmul.f32 v18, v8  }
0x389: {  	v34 =	vmul.f32 v29, v9;
	v35 =	vmul.f32 v30, v7  }
0x38a: {  	v18 =	vmul.f32 v18, v11;
	v19 =	vmul.f32 v29, v12  }
0x38b: {  	v36 =	vmul.f32 v30, v10;
	v21 =	vadd.f32 v32, v31;
	v23 =	vadd.f32 v34, v33  }
0x38c: {  	v18 =	vadd.f32 v19, v18  }
0x38d: {  	v38 =	vmul.f32 v30, v13;
	v21 =	vadd.f32 v35, v21;
	v37 =	vadd.f32 v36, v23;
	_ =	sdelay $0x1  }
0x38e: {  	v18 =	vadd.f32 v38, v18;
	v39 =	vmul.f32 v21, v21;
	v40 =	vmul.f32 v37, v37;
	_ =	sdelay $0x1  }
0x38f: {  	v18 =	vmul.f32 v18, v18;
	v19 =	vadd.f32 v40, v39;
	_ =	sdelay $0x1  }
0x390: {  	v18 =	vadd.f32 v19, v18;
	_ =	sdelay $0x1  }
0x391: {  	v19 =	vmax.f32 v18, $9.999999960e-13  }
0x392: {  	v41 =	vshra.s32 v19, $0x1;
	v42 =	vmul.f32 $5.000000000e-01, v19  }
0x393: {  	v20 =	vsub.s32 $0x5F3759DF, v41  }
0x394: {  	v43 =	vmul.f32 v20, v42;
	_ =	sdelay $0x1  }
0x395: {  	v22 =	vmul.f32 v20, v43;
	_ =	sdelay $0x1  }
0x396: {  	v22 =	vsub.f32 $1.500000000e+00, v22;
	_ =	sdelay $0x1  }
0x397: {  	v20 =	vmul.f32 v20, v22;
	_ =	sdelay $0x1  }
0x398: {  	v21 =	vmul.f32 v20, v42;
	_ =	sdelay $0x1  }
0x399: {  	v21 =	vmul.f32 v21, v20;
	_ =	sdelay $0x1  }
0x39a: {  	v21 =	vsub.f32 $1.500000000e+00, v21;
	_ =	sdelay $0x1  }
0x39b: {  	v20 =	vmul.f32 v21, v20;
	_ =	sdelay $0x1  }
0x39c: {  	v20 =	vmul.f32 v20, v19;
	_ =	sdelay $0x1  }
0x39d: {  	v20 =	vmin.f32 v20, $4.000000000e+00  }
0x39e: {  	v20 =	vmul.f32 $1.000000000e+02, v20;
	_ =	sdelay $0x1  }
0x39f: {  	v20 =	vtrunc.f32 v20  }
0x3a0: {  	v20 =	vcvt.f32.s32 v20;
	_ =	sdelay $0x1  }
0x3a1: {  	v44 =	vadd.s32 $0x1, v20;
	_ =	sdelay $0x3  }
0x3a2: {  	v45 =	vld.idx.msk [tilespmem:v20+s21+$0x0], $0xffff  }
0x3a3: {  	v21 =	vld.idx.msk [tilespmem:v44+s21+$0x0], $0xffff;
	_ =	sdelay $0x4  }
0x3a4: {  	vm10 =	vlt.f32 v19, v45;
	vm9 =	vge.f32 v19, v21  }
0x3a5: {  	v47 =	vsel vm10, $0xFFFFFFFF, v4;
	v46 =	vsel vm9, $0x1, v4  }
0x3a6: {  	v19 =	vadd.s32 v46, v47  }
0x3a7: {  	v19 =	vadd.s32 v20, v19  }
0x3a8: {  	vm9 =	vlt.s32 v19, $0x12C  }
0x3a9: {  	v19 =	vnsel vm9, $0x12C, v19;
	_ =	sdelay $0x2  }
0x3aa: {  	v15 =	vld.idx.msk [tilespmem:v15+s26+$0x0], $0xffff  }
0x3ab: {  	v16 =	vld.idx.msk [tilespmem:v63+s26+$0x0], $0xffff  }
0x3ac: {  	v19 =	vld.idx.msk [tilespmem:v19+s24+$0x0], $0xffff  }
0x3ad: {  	v17 =	vld.idx.msk [tilespmem:v28+s26+$0x0], $0xffff;
	_ =	sdelay $0x3  }
0x3ae: {  	v15 =	vadd.s32 v15, v16;
	v19 =	vmul.f32 v19, v14  }
0x3af: {  	v15 =	vadd.s32 v17, v15;
	vm9 =	vle.f32 v18, $9.000000000e+00  }
0x3b0: {  	[tilespmem:s2+$0x5550] =	vst v15;
	v18 =	vnsel vm9, $0x0, v19  }
0x3b1: {  	[tilespmem:s2+$0x4C50] =	vst v18  }
0x3b2: {  	v15 =	vld [tilespmem:s0+$0xFFFFFFA0]  }
0x3b3: {  	v48 =	vld [tilespmem:s0+$0x20]  }
0x3b4: {  	v49 =	vld [tilespmem:s0+$0xA0];
	_ =	sdelay $0x5  }
0x3b5: {  	v18 =	vld.idx.msk [tilespmem:v15+s25+$0x0], $0xffff  }
0x3b6: {  	v50 =	vld.idx.msk [tilespmem:v48+s25+$0x0], $0xffff  }
0x3b7: {  	v51 =	vld.idx.msk [tilespmem:v49+s25+$0x0], $0xffff;
	_ =	sdelay $0x2  }
0x3b8: {  	v52 =	vmul.f32 v18, v5  }
0x3b9: {  	v53 =	vmul.f32 v50, v6;
	v54 =	vmul.f32 v18, v8  }
0x3ba: {  	v55 =	vmul.f32 v50, v9;
	v56 =	vmul.f32 v51, v7  }
0x3bb: {  	v18 =	vmul.f32 v18, v11;
	v19 =	vmul.f32 v50, v12  }
0x3bc: {  	v57 =	vmul.f32 v51, v10;
	v21 =	vadd.f32 v53, v52;
	v23 =	vadd.f32 v55, v54  }
0x3bd: {  	v18 =	vadd.f32 v19, v18  }
0x3be: {  	v59 =	vmul.f32 v51, v13;
	v21 =	vadd.f32 v56, v21;
	v58 =	vadd.f32 v57, v23;
	_ =	sdelay $0x1  }
0x3bf: {  	v18 =	vadd.f32 v59, v18;
	v60 =	vmul.f32 v21, v21;
	v61 =	vmul.f32 v58, v58;
	_ =	sdelay $0x1  }
0x3c0: {  	v18 =	vmul.f32 v18, v18;
	v19 =	vadd.f32 v61, v60;
	_ =	sdelay $0x1  }
0x3c1: {  	v18 =	vadd.f32 v19, v18;
	_ =	sdelay $0x1  }
0x3c2: {  	v19 =	vmax.f32 v18, $9.999999960e-13  }
0x3c3: {  	v62 =	vshra.s32 v19, $0x1;
	v63 =	vmul.f32 $5.000000000e-01, v19  }
0x3c4: {  	v20 =	vsub.s32 $0x5F3759DF, v62  }
0x3c5: {  	v24 =	vmul.f32 v20, v63;
	_ =	sdelay $0x1  }
0x3c6: {  	v22 =	vmul.f32 v20, v24;
	_ =	sdelay $0x1  }
0x3c7: {  	v22 =	vsub.f32 $1.500000000e+00, v22;
	_ =	sdelay $0x1  }
0x3c8: {  	v20 =	vmul.f32 v20, v22;
	_ =	sdelay $0x1  }
0x3c9: {  	v21 =	vmul.f32 v20, v63;
	_ =	sdelay $0x1  }
0x3ca: {  	v21 =	vmul.f32 v21, v20;
	_ =	sdelay $0x1  }
0x3cb: {  	v21 =	vsub.f32 $1.500000000e+00, v21;
	_ =	sdelay $0x1  }
0x3cc: {  	v20 =	vmul.f32 v21, v20;
	_ =	sdelay $0x1  }
0x3cd: {  	v20 =	vmul.f32 v20, v19;
	_ =	sdelay $0x1  }
0x3ce: {  	v20 =	vmin.f32 v20, $4.000000000e+00  }
0x3cf: {  	v20 =	vmul.f32 $1.000000000e+02, v20;
	_ =	sdelay $0x1  }
0x3d0: {  	v20 =	vtrunc.f32 v20  }
0x3d1: {  	v20 =	vcvt.f32.s32 v20;
	_ =	sdelay $0x1  }
0x3d2: {  	v25 =	vadd.s32 $0x1, v20;
	_ =	sdelay $0x3  }
0x3d3: {  	v26 =	vld.idx.msk [tilespmem:v20+s21+$0x0], $0xffff  }
0x3d4: {  	v21 =	vld.idx.msk [tilespmem:v25+s21+$0x0], $0xffff;
	_ =	sdelay $0x4  }
0x3d5: {  	vm10 =	vlt.f32 v19, v26;
	vm9 =	vge.f32 v19, v21  }
0x3d6: {  	v28 =	vsel vm10, $0xFFFFFFFF, v4;
	v27 =	vsel vm9, $0x1, v4  }
0x3d7: {  	v19 =	vadd.s32 v27, v28  }
0x3d8: {  	v19 =	vadd.s32 v20, v19  }
0x3d9: {  	vm9 =	vlt.s32 v19, $0x12C  }
0x3da: {  	v19 =	vnsel vm9, $0x12C, v19;
	_ =	sdelay $0x2  }
0x3db: {  	v15 =	vld.idx.msk [tilespmem:v15+s26+$0x0], $0xffff  }
0x3dc: {  	v16 =	vld.idx.msk [tilespmem:v48+s26+$0x0], $0xffff  }
0x3dd: {  	v19 =	vld.idx.msk [tilespmem:v19+s24+$0x0], $0xffff  }
0x3de: {  	v17 =	vld.idx.msk [tilespmem:v49+s26+$0x0], $0xffff;
	_ =	sdelay $0x3  }
0x3df: {  	v15 =	vadd.s32 v15, v16;
	v19 =	vmul.f32 v19, v14  }
0x3e0: {  	v15 =	vadd.s32 v17, v15;
	vm9 =	vle.f32 v18, $9.000000000e+00  }
0x3e1: {  	[tilespmem:s2+$0x5560] =	vst v15;
	v18 =	vnsel vm9, $0x0, v19  }
0x3e2: {  	[tilespmem:s2+$0x4C60] =	vst v18  }
0x3e3: {  	v15 =	vld [tilespmem:s0+$0xFFFFFFB0]  }
0x3e4: {  	v29 =	vld [tilespmem:s0+$0x30]  }
0x3e5: {  	v30 =	vld [tilespmem:s0+$0xB0];
	_ =	sdelay $0x5  }
0x3e6: {  	v18 =	vld.idx.msk [tilespmem:v15+s25+$0x0], $0xffff  }
0x3e7: {  	v31 =	vld.idx.msk [tilespmem:v29+s25+$0x0], $0xffff  }
0x3e8: {  	v32 =	vld.idx.msk [tilespmem:v30+s25+$0x0], $0xffff;
	_ =	sdelay $0x2  }
0x3e9: {  	v33 =	vmul.f32 v18, v5  }
0x3ea: {  	v34 =	vmul.f32 v31, v6;
	v35 =	vmul.f32 v18, v8  }
0x3eb: {  	v36 =	vmul.f32 v31, v9;
	v37 =	vmul.f32 v32, v7  }
0x3ec: {  	v18 =	vmul.f32 v18, v11;
	v19 =	vmul.f32 v31, v12  }
0x3ed: {  	v38 =	vmul.f32 v32, v10;
	v21 =	vadd.f32 v34, v33;
	v23 =	vadd.f32 v36, v35  }
0x3ee: {  	v18 =	vadd.f32 v19, v18  }
0x3ef: {  	v40 =	vmul.f32 v32, v13;
	v21 =	vadd.f32 v37, v21;
	v39 =	vadd.f32 v38, v23;
	_ =	sdelay $0x1  }
0x3f0: {  	v18 =	vadd.f32 v40, v18;
	v41 =	vmul.f32 v21, v21;
	v42 =	vmul.f32 v39, v39;
	_ =	sdelay $0x1  }
0x3f1: {  	v18 =	vmul.f32 v18, v18;
	v19 =	vadd.f32 v42, v41;
	_ =	sdelay $0x1  }
0x3f2: {  	v18 =	vadd.f32 v19, v18;
	_ =	sdelay $0x1  }
0x3f3: {  	v19 =	vmax.f32 v18, $9.999999960e-13  }
0x3f4: {  	v43 =	vshra.s32 v19, $0x1;
	v44 =	vmul.f32 $5.000000000e-01, v19  }
0x3f5: {  	v20 =	vsub.s32 $0x5F3759DF, v43  }
0x3f6: {  	v45 =	vmul.f32 v20, v44;
	_ =	sdelay $0x1  }
0x3f7: {  	v22 =	vmul.f32 v20, v45;
	_ =	sdelay $0x1  }
0x3f8: {  	v22 =	vsub.f32 $1.500000000e+00, v22;
	_ =	sdelay $0x1  }
0x3f9: {  	v20 =	vmul.f32 v20, v22;
	_ =	sdelay $0x1  }
0x3fa: {  	v21 =	vmul.f32 v20, v44;
	_ =	sdelay $0x1  }
0x3fb: {  	v21 =	vmul.f32 v21, v20;
	_ =	sdelay $0x1  }
0x3fc: {  	v21 =	vsub.f32 $1.500000000e+00, v21;
	_ =	sdelay $0x1  }
0x3fd: {  	v20 =	vmul.f32 v21, v20;
	_ =	sdelay $0x1  }
0x3fe: {  	v20 =	vmul.f32 v20, v19;
	_ =	sdelay $0x1  }
0x3ff: {  	v20 =	vmin.f32 v20, $4.000000000e+00  }
0x400: {  	v20 =	vmul.f32 $1.000000000e+02, v20;
	_ =	sdelay $0x1  }
0x401: {  	v20 =	vtrunc.f32 v20  }
0x402: {  	v20 =	vcvt.f32.s32 v20;
	_ =	sdelay $0x1  }
0x403: {  	v46 =	vadd.s32 $0x1, v20;
	_ =	sdelay $0x3  }
0x404: {  	v47 =	vld.idx.msk [tilespmem:v20+s21+$0x0], $0xffff  }
0x405: {  	v21 =	vld.idx.msk [tilespmem:v46+s21+$0x0], $0xffff;
	_ =	sdelay $0x4  }
0x406: {  	vm10 =	vlt.f32 v19, v47;
	vm9 =	vge.f32 v19, v21  }
0x407: {  	v49 =	vsel vm10, $0xFFFFFFFF, v4;
	v48 =	vsel vm9, $0x1, v4  }
0x408: {  	v19 =	vadd.s32 v48, v49  }
0x409: {  	v19 =	vadd.s32 v20, v19  }
0x40a: {  	vm9 =	vlt.s32 v19, $0x12C  }
0x40b: {  	v19 =	vnsel vm9, $0x12C, v19;
	_ =	sdelay $0x2  }
0x40c: {  	v15 =	vld.idx.msk [tilespmem:v15+s26+$0x0], $0xffff  }
0x40d: {  	v16 =	vld.idx.msk [tilespmem:v29+s26+$0x0], $0xffff  }
0x40e: {  	v19 =	vld.idx.msk [tilespmem:v19+s24+$0x0], $0xffff  }
0x40f: {  	v17 =	vld.idx.msk [tilespmem:v30+s26+$0x0], $0xffff;
	_ =	sdelay $0x3  }
0x410: {  	v15 =	vadd.s32 v15, v16;
	v19 =	vmul.f32 v19, v14  }
0x411: {  	v15 =	vadd.s32 v17, v15;
	vm9 =	vle.f32 v18, $9.000000000e+00  }
0x412: {  	[tilespmem:s2+$0x5570] =	vst v15;
	v18 =	vnsel vm9, $0x0, v19  }
0x413: {  	s22 =	sadd.s32 $0x4C00, s2;
	s23 =	sadd.s32 $0x5500, s2;
	[tilespmem:s2+$0x4C70] =	vst v18  }
0x414: {  	[spmem:s4] =	stream.indirect.scatter.add.f32 [tilespmem:s22], [sflag:$0x1], $0x1, s23, s7, $0xb8;
	[tilespmem:$0x13880] =	vst v63  }
0x415: {  	v15 =	vld [tilespmem:s0+$0x140]  }
0x416: {  	v50 =	vld [tilespmem:s0+$0x1C0]  }
0x417: {  	v51 =	vld [tilespmem:s0+$0x240];
	_ =	sdelay $0x5  }
0x418: {  	v52 =	vld.idx.msk [tilespmem:v15+s25+$0x0], $0xffff  }
0x419: {  	v53 =	vld.idx.msk [tilespmem:v50+s25+$0x0], $0xffff  }
0x41a: {  	v54 =	vld.idx.msk [tilespmem:v51+s25+$0x0], $0xffff;
	_ =	sdelay $0x2  }
0x41b: {  	v55 =	vmul.f32 v52, v5  }
0x41c: {  	v56 =	vmul.f32 v53, v6;
	v57 =	vmul.f32 v52, v8  }
0x41d: {  	v58 =	vmul.f32 v53, v9;
	v59 =	vmul.f32 v54, v7  }
0x41e: {  	v18 =	vmul.f32 v52, v11;
	v19 =	vmul.f32 v53, v12  }
0x41f: {  	v60 =	vmul.f32 v54, v10;
	v21 =	vadd.f32 v56, v55;
	v23 =	vadd.f32 v58, v57  }
0x420: {  	v18 =	vadd.f32 v19, v18  }
0x421: {  	v62 =	vmul.f32 v54, v13;
	v21 =	vadd.f32 v59, v21;
	v61 =	vadd.f32 v60, v23;
	_ =	sdelay $0x1  }
0x422: {  	v18 =	vadd.f32 v62, v18;
	v63 =	vmul.f32 v21, v21;
	v24 =	vmul.f32 v61, v61;
	_ =	sdelay $0x1  }
0x423: {  	v18 =	vmul.f32 v18, v18;
	v19 =	vadd.f32 v24, v63;
	_ =	sdelay $0x1  }
0x424: {  	v18 =	vadd.f32 v19, v18;
	_ =	sdelay $0x1  }
0x425: {  	v19 =	vmax.f32 v18, $9.999999960e-13  }
0x426: {  	v25 =	vshra.s32 v19, $0x1;
	v26 =	vmul.f32 $5.000000000e-01, v19  }
0x427: {  	v20 =	vsub.s32 $0x5F3759DF, v25  }
0x428: {  	v27 =	vmul.f32 v20, v26;
	_ =	sdelay $0x1  }
0x429: {  	v22 =	vmul.f32 v20, v27;
	_ =	sdelay $0x1  }
0x42a: {  	v22 =	vsub.f32 $1.500000000e+00, v22;
	_ =	sdelay $0x1  }
0x42b: {  	v20 =	vmul.f32 v20, v22;
	_ =	sdelay $0x1  }
0x42c: {  	v21 =	vmul.f32 v20, v26;
	_ =	sdelay $0x1  }
0x42d: {  	v21 =	vmul.f32 v21, v20;
	_ =	sdelay $0x1  }
0x42e: {  	v21 =	vsub.f32 $1.500000000e+00, v21;
	_ =	sdelay $0x1  }
0x42f: {  	v20 =	vmul.f32 v21, v20;
	_ =	sdelay $0x1  }
0x430: {  	v20 =	vmul.f32 v20, v19;
	_ =	sdelay $0x1  }
0x431: {  	v20 =	vmin.f32 v20, $4.000000000e+00  }
0x432: {  	v20 =	vmul.f32 $1.000000000e+02, v20;
	_ =	sdelay $0x1  }
0x433: {  	v20 =	vtrunc.f32 v20  }
0x434: {  	v20 =	vcvt.f32.s32 v20;
	_ =	sdelay $0x1  }
0x435: {  	v28 =	vadd.s32 $0x1, v20;
	_ =	sdelay $0x3  }
0x436: {  	v29 =	vld.idx.msk [tilespmem:v20+s21+$0x0], $0xffff  }
0x437: {  	v21 =	vld.idx.msk [tilespmem:v28+s21+$0x0], $0xffff;
	_ =	sdelay $0x4  }
0x438: {  	vm10 =	vlt.f32 v19, v29;
	vm9 =	vge.f32 v19, v21  }
0x439: {  	v31 =	vsel vm10, $0xFFFFFFFF, v4;
	v30 =	vsel vm9, $0x1, v4  }
0x43a: {  	v19 =	vadd.s32 v30, v31  }
0x43b: {  	v19 =	vadd.s32 v20, v19  }
0x43c: {  	vm9 =	vlt.s32 v19, $0x12C  }
0x43d: {  	v19 =	vnsel vm9, $0x12C, v19;
	_ =	sdelay $0x2  }
0x43e: {  	v15 =	vld.idx.msk [tilespmem:v15+s26+$0x0], $0xffff  }
0x43f: {  	v16 =	vld.idx.msk [tilespmem:v50+s26+$0x0], $0xffff  }
0x440: {  	v19 =	vld.idx.msk [tilespmem:v19+s24+$0x0], $0xffff  }
0x441: {  	v17 =	vld.idx.msk [tilespmem:v51+s26+$0x0], $0xffff;
	_ =	sdelay $0x3  }
0x442: {  	v15 =	vadd.s32 v15, v16;
	v19 =	vmul.f32 v19, v14  }
0x443: {  	v15 =	vadd.s32 v17, v15;
	vm9 =	vle.f32 v18, $9.000000000e+00  }
0x444: {  	[tilespmem:s2+$0x5580] =	vst v15;
	v18 =	vnsel vm9, $0x0, v19  }
0x445: {  	[tilespmem:s2+$0x4C80] =	vst v18  }
0x446: {  	v15 =	vld [tilespmem:s0+$0x150]  }
0x447: {  	v32 =	vld [tilespmem:s0+$0x1D0]  }
0x448: {  	v33 =	vld [tilespmem:s0+$0x250];
	_ =	sdelay $0x5  }
0x449: {  	v18 =	vld.idx.msk [tilespmem:v15+s25+$0x0], $0xffff  }
0x44a: {  	v34 =	vld.idx.msk [tilespmem:v32+s25+$0x0], $0xffff  }
0x44b: {  	v35 =	vld.idx.msk [tilespmem:v33+s25+$0x0], $0xffff;
	_ =	sdelay $0x2  }
0x44c: {  	v36 =	vmul.f32 v18, v5  }
0x44d: {  	v37 =	vmul.f32 v34, v6;
	v38 =	vmul.f32 v18, v8  }
0x44e: {  	v39 =	vmul.f32 v34, v9;
	v40 =	vmul.f32 v35, v7  }
0x44f: {  	v18 =	vmul.f32 v18, v11;
	v19 =	vmul.f32 v34, v12  }
0x450: {  	v41 =	vmul.f32 v35, v10;
	v21 =	vadd.f32 v37, v36;
	v23 =	vadd.f32 v39, v38  }
0x451: {  	v18 =	vadd.f32 v19, v18  }
0x452: {  	v43 =	vmul.f32 v35, v13;
	v21 =	vadd.f32 v40, v21;
	v42 =	vadd.f32 v41, v23;
	_ =	sdelay $0x1  }
0x453: {  	v18 =	vadd.f32 v43, v18;
	v44 =	vmul.f32 v21, v21;
	v45 =	vmul.f32 v42, v42;
	_ =	sdelay $0x1  }
0x454: {  	v18 =	vmul.f32 v18, v18;
	v19 =	vadd.f32 v45, v44;
	_ =	sdelay $0x1  }
0x455: {  	v18 =	vadd.f32 v19, v18;
	_ =	sdelay $0x1  }
0x456: {  	v19 =	vmax.f32 v18, $9.999999960e-13  }
0x457: {  	v46 =	vshra.s32 v19, $0x1;
	v47 =	vmul.f32 $5.000000000e-01, v19  }
0x458: {  	v20 =	vsub.s32 $0x5F3759DF, v46  }
0x459: {  	v48 =	vmul.f32 v20, v47;
	_ =	sdelay $0x1  }
0x45a: {  	v22 =	vmul.f32 v20, v48;
	_ =	sdelay $0x1  }
0x45b: {  	v22 =	vsub.f32 $1.500000000e+00, v22;
	_ =	sdelay $0x1  }
0x45c: {  	v20 =	vmul.f32 v20, v22;
	_ =	sdelay $0x1  }
0x45d: {  	v21 =	vmul.f32 v20, v47;
	_ =	sdelay $0x1  }
0x45e: {  	v21 =	vmul.f32 v21, v20;
	_ =	sdelay $0x1  }
0x45f: {  	v21 =	vsub.f32 $1.500000000e+00, v21;
	_ =	sdelay $0x1  }
0x460: {  	v20 =	vmul.f32 v21, v20;
	_ =	sdelay $0x1  }
0x461: {  	v20 =	vmul.f32 v20, v19;
	_ =	sdelay $0x1  }
0x462: {  	v20 =	vmin.f32 v20, $4.000000000e+00  }
0x463: {  	v20 =	vmul.f32 $1.000000000e+02, v20;
	_ =	sdelay $0x1  }
0x464: {  	v20 =	vtrunc.f32 v20  }
0x465: {  	v20 =	vcvt.f32.s32 v20;
	_ =	sdelay $0x1  }
0x466: {  	v49 =	vadd.s32 $0x1, v20;
	_ =	sdelay $0x3  }
0x467: {  	v50 =	vld.idx.msk [tilespmem:v20+s21+$0x0], $0xffff  }
0x468: {  	v21 =	vld.idx.msk [tilespmem:v49+s21+$0x0], $0xffff;
	_ =	sdelay $0x4  }
0x469: {  	vm10 =	vlt.f32 v19, v50;
	vm9 =	vge.f32 v19, v21  }
0x46a: {  	v52 =	vsel vm10, $0xFFFFFFFF, v4;
	v51 =	vsel vm9, $0x1, v4  }
0x46b: {  	v19 =	vadd.s32 v51, v52  }
0x46c: {  	v19 =	vadd.s32 v20, v19  }
0x46d: {  	vm9 =	vlt.s32 v19, $0x12C  }
0x46e: {  	v19 =	vnsel vm9, $0x12C, v19;
	_ =	sdelay $0x2  }
0x46f: {  	v15 =	vld.idx.msk [tilespmem:v15+s26+$0x0], $0xffff  }
0x470: {  	v16 =	vld.idx.msk [tilespmem:v32+s26+$0x0], $0xffff  }
0x471: {  	v19 =	vld.idx.msk [tilespmem:v19+s24+$0x0], $0xffff  }
0x472: {  	v17 =	vld.idx.msk [tilespmem:v33+s26+$0x0], $0xffff;
	_ =	sdelay $0x3  }
0x473: {  	v15 =	vadd.s32 v15, v16;
	v19 =	vmul.f32 v19, v14  }
0x474: {  	v15 =	vadd.s32 v17, v15;
	vm9 =	vle.f32 v18, $9.000000000e+00  }
0x475: {  	[tilespmem:s2+$0x5590] =	vst v15;
	v18 =	vnsel vm9, $0x0, v19  }
0x476: {  	[tilespmem:s2+$0x4C90] =	vst v18  }
0x477: {  	v15 =	vld [tilespmem:s0+$0x160]  }
0x478: {  	v53 =	vld [tilespmem:s0+$0x1E0]  }
0x479: {  	v54 =	vld [tilespmem:s0+$0x260];
	_ =	sdelay $0x5  }
0x47a: {  	v18 =	vld.idx.msk [tilespmem:v15+s25+$0x0], $0xffff  }
0x47b: {  	v55 =	vld.idx.msk [tilespmem:v53+s25+$0x0], $0xffff  }
0x47c: {  	v56 =	vld.idx.msk [tilespmem:v54+s25+$0x0], $0xffff;
	_ =	sdelay $0x2  }
0x47d: {  	v57 =	vmul.f32 v18, v5  }
0x47e: {  	v58 =	vmul.f32 v55, v6;
	v59 =	vmul.f32 v18, v8  }
0x47f: {  	v60 =	vmul.f32 v55, v9;
	v61 =	vmul.f32 v56, v7  }
0x480: {  	v18 =	vmul.f32 v18, v11;
	v19 =	vmul.f32 v55, v12  }
0x481: {  	v62 =	vmul.f32 v56, v10;
	v21 =	vadd.f32 v58, v57;
	v23 =	vadd.f32 v60, v59  }
0x482: {  	v18 =	vadd.f32 v19, v18  }
0x483: {  	v21 =	vadd.f32 v61, v21;
	v63 =	vadd.f32 v62, v23;
	v23 =	vmul.f32 v56, v13;
	_ =	sdelay $0x1  }
0x484: {  	v18 =	vadd.f32 v23, v18;
	v24 =	vmul.f32 v21, v21;
	v25 =	vmul.f32 v63, v63;
	_ =	sdelay $0x1  }
0x485: {  	v19 =	vadd.f32 v25, v24;
	v18 =	vmul.f32 v18, v18;
	_ =	sdelay $0x1  }
0x486: {  	v18 =	vadd.f32 v19, v18;
	_ =	sdelay $0x1  }
0x487: {  	v19 =	vmax.f32 v18, $9.999999960e-13  }
0x488: {  	v26 =	vshra.s32 v19, $0x1;
	v27 =	vmul.f32 $5.000000000e-01, v19  }
0x489: {  	v20 =	vsub.s32 $0x5F3759DF, v26  }
0x48a: {  	v28 =	vmul.f32 v20, v27;
	_ =	sdelay $0x1  }
0x48b: {  	v22 =	vmul.f32 v20, v28;
	_ =	sdelay $0x1  }
0x48c: {  	v22 =	vsub.f32 $1.500000000e+00, v22;
	_ =	sdelay $0x1  }
0x48d: {  	v20 =	vmul.f32 v20, v22;
	_ =	sdelay $0x1  }
0x48e: {  	v21 =	vmul.f32 v20, v27;
	_ =	sdelay $0x1  }
0x48f: {  	v21 =	vmul.f32 v21, v20;
	_ =	sdelay $0x1  }
0x490: {  	v21 =	vsub.f32 $1.500000000e+00, v21;
	_ =	sdelay $0x1  }
0x491: {  	v20 =	vmul.f32 v21, v20;
	_ =	sdelay $0x1  }
0x492: {  	v20 =	vmul.f32 v20, v19;
	_ =	sdelay $0x1  }
0x493: {  	v20 =	vmin.f32 v20, $4.000000000e+00  }
0x494: {  	v20 =	vmul.f32 $1.000000000e+02, v20;
	_ =	sdelay $0x1  }
0x495: {  	v20 =	vtrunc.f32 v20  }
0x496: {  	v20 =	vcvt.f32.s32 v20;
	_ =	sdelay $0x1  }
0x497: {  	v29 =	vadd.s32 $0x1, v20;
	_ =	sdelay $0x3  }
0x498: {  	v30 =	vld.idx.msk [tilespmem:v20+s21+$0x0], $0xffff  }
0x499: {  	v21 =	vld.idx.msk [tilespmem:v29+s21+$0x0], $0xffff;
	_ =	sdelay $0x4  }
0x49a: {  	vm10 =	vlt.f32 v19, v30;
	vm9 =	vge.f32 v19, v21  }
0x49b: {  	v32 =	vsel vm10, $0xFFFFFFFF, v4;
	v31 =	vsel vm9, $0x1, v4  }
0x49c: {  	v19 =	vadd.s32 v31, v32  }
0x49d: {  	v19 =	vadd.s32 v20, v19  }
0x49e: {  	vm9 =	vlt.s32 v19, $0x12C  }
0x49f: {  	v19 =	vnsel vm9, $0x12C, v19;
	_ =	sdelay $0x2  }
0x4a0: {  	v15 =	vld.idx.msk [tilespmem:v15+s26+$0x0], $0xffff  }
0x4a1: {  	v16 =	vld.idx.msk [tilespmem:v53+s26+$0x0], $0xffff  }
0x4a2: {  	v19 =	vld.idx.msk [tilespmem:v19+s24+$0x0], $0xffff  }
0x4a3: {  	v17 =	vld.idx.msk [tilespmem:v54+s26+$0x0], $0xffff;
	_ =	sdelay $0x3  }
0x4a4: {  	v15 =	vadd.s32 v15, v16;
	v19 =	vmul.f32 v19, v14  }
0x4a5: {  	v15 =	vadd.s32 v17, v15;
	vm9 =	vle.f32 v18, $9.000000000e+00  }
0x4a6: {  	[tilespmem:s2+$0x55A0] =	vst v15;
	v18 =	vnsel vm9, $0x0, v19  }
0x4a7: {  	[tilespmem:s2+$0x4CA0] =	vst v18  }
0x4a8: {  	v15 =	vld [tilespmem:s0+$0x170]  }
0x4a9: {  	v33 =	vld [tilespmem:s0+$0x1F0]  }
0x4aa: {  	v34 =	vld [tilespmem:s0+$0x270];
	_ =	sdelay $0x5  }
0x4ab: {  	v18 =	vld.idx.msk [tilespmem:v15+s25+$0x0], $0xffff  }
0x4ac: {  	v35 =	vld.idx.msk [tilespmem:v33+s25+$0x0], $0xffff  }
0x4ad: {  	v36 =	vld.idx.msk [tilespmem:v34+s25+$0x0], $0xffff;
	_ =	sdelay $0x2  }
0x4ae: {  	v37 =	vmul.f32 v18, v5  }
0x4af: {  	v38 =	vmul.f32 v35, v6;
	v39 =	vmul.f32 v18, v8  }
0x4b0: {  	v40 =	vmul.f32 v35, v9;
	v41 =	vmul.f32 v36, v7  }
0x4b1: {  	v18 =	vmul.f32 v18, v11;
	v19 =	vmul.f32 v35, v12  }
0x4b2: {  	v42 =	vmul.f32 v36, v10;
	v21 =	vadd.f32 v38, v37;
	v23 =	vadd.f32 v40, v39  }
0x4b3: {  	v18 =	vadd.f32 v19, v18  }
0x4b4: {  	v44 =	vmul.f32 v36, v13;
	v21 =	vadd.f32 v41, v21;
	v43 =	vadd.f32 v42, v23;
	_ =	sdelay $0x1  }
0x4b5: {  	v18 =	vadd.f32 v44, v18;
	v45 =	vmul.f32 v21, v21;
	v46 =	vmul.f32 v43, v43;
	_ =	sdelay $0x1  }
0x4b6: {  	v18 =	vmul.f32 v18, v18;
	v19 =	vadd.f32 v46, v45;
	_ =	sdelay $0x1  }
0x4b7: {  	v18 =	vadd.f32 v19, v18;
	_ =	sdelay $0x1  }
0x4b8: {  	v19 =	vmax.f32 v18, $9.999999960e-13  }
0x4b9: {  	v47 =	vshra.s32 v19, $0x1;
	v48 =	vmul.f32 $5.000000000e-01, v19  }
0x4ba: {  	v20 =	vsub.s32 $0x5F3759DF, v47  }
0x4bb: {  	v49 =	vmul.f32 v20, v48;
	_ =	sdelay $0x1  }
0x4bc: {  	v22 =	vmul.f32 v20, v49;
	_ =	sdelay $0x1  }
0x4bd: {  	v22 =	vsub.f32 $1.500000000e+00, v22;
	_ =	sdelay $0x1  }
0x4be: {  	v20 =	vmul.f32 v20, v22;
	_ =	sdelay $0x1  }
0x4bf: {  	v21 =	vmul.f32 v20, v48;
	_ =	sdelay $0x1  }
0x4c0: {  	v21 =	vmul.f32 v21, v20;
	_ =	sdelay $0x1  }
0x4c1: {  	v21 =	vsub.f32 $1.500000000e+00, v21;
	_ =	sdelay $0x1  }
0x4c2: {  	v20 =	vmul.f32 v21, v20;
	_ =	sdelay $0x1  }
0x4c3: {  	v20 =	vmul.f32 v20, v19;
	_ =	sdelay $0x1  }
0x4c4: {  	v20 =	vmin.f32 v20, $4.000000000e+00  }
0x4c5: {  	v20 =	vmul.f32 $1.000000000e+02, v20;
	_ =	sdelay $0x1  }
0x4c6: {  	v20 =	vtrunc.f32 v20  }
0x4c7: {  	v20 =	vcvt.f32.s32 v20;
	_ =	sdelay $0x1  }
0x4c8: {  	v50 =	vadd.s32 $0x1, v20;
	_ =	sdelay $0x3  }
0x4c9: {  	v51 =	vld.idx.msk [tilespmem:v20+s21+$0x0], $0xffff  }
0x4ca: {  	v21 =	vld.idx.msk [tilespmem:v50+s21+$0x0], $0xffff;
	_ =	sdelay $0x4  }
0x4cb: {  	vm10 =	vlt.f32 v19, v51;
	vm9 =	vge.f32 v19, v21  }
0x4cc: {  	v53 =	vsel vm10, $0xFFFFFFFF, v4;
	v52 =	vsel vm9, $0x1, v4  }
0x4cd: {  	v19 =	vadd.s32 v52, v53  }
0x4ce: {  	v19 =	vadd.s32 v20, v19  }
0x4cf: {  	vm9 =	vlt.s32 v19, $0x12C  }
0x4d0: {  	v19 =	vnsel vm9, $0x12C, v19;
	_ =	sdelay $0x2  }
0x4d1: {  	v15 =	vld.idx.msk [tilespmem:v15+s26+$0x0], $0xffff  }
0x4d2: {  	v16 =	vld.idx.msk [tilespmem:v33+s26+$0x0], $0xffff  }
0x4d3: {  	v19 =	vld.idx.msk [tilespmem:v19+s24+$0x0], $0xffff  }
0x4d4: {  	v17 =	vld.idx.msk [tilespmem:v34+s26+$0x0], $0xffff;
	_ =	sdelay $0x3  }
0x4d5: {  	v15 =	vadd.s32 v15, v16;
	v19 =	vmul.f32 v19, v14  }
0x4d6: {  	v15 =	vadd.s32 v17, v15;
	vm9 =	vle.f32 v18, $9.000000000e+00  }
0x4d7: {  	[tilespmem:s2+$0x55B0] =	vst v15;
	v18 =	vnsel vm9, $0x0, v19  }
0x4d8: {  	[tilespmem:s2+$0x4CB0] =	vst v18  }
0x4d9: {  	v15 =	vld [tilespmem:s0+$0x180]  }
0x4da: {  	v54 =	vld [tilespmem:s0+$0x200]  }
0x4db: {  	v55 =	vld [tilespmem:s0+$0x280];
	_ =	sdelay $0x5  }
0x4dc: {  	v18 =	vld.idx.msk [tilespmem:v15+s25+$0x0], $0xffff  }
0x4dd: {  	v56 =	vld.idx.msk [tilespmem:v54+s25+$0x0], $0xffff  }
0x4de: {  	v57 =	vld.idx.msk [tilespmem:v55+s25+$0x0], $0xffff;
	_ =	sdelay $0x2  }
0x4df: {  	v58 =	vmul.f32 v18, v5  }
0x4e0: {  	v59 =	vmul.f32 v56, v6;
	v60 =	vmul.f32 v18, v8  }
0x4e1: {  	v61 =	vmul.f32 v56, v9;
	v62 =	vmul.f32 v57, v7  }
0x4e2: {  	v18 =	vmul.f32 v18, v11;
	v19 =	vmul.f32 v56, v12  }
0x4e3: {  	v63 =	vmul.f32 v57, v10;
	v21 =	vadd.f32 v59, v58;
	v23 =	vadd.f32 v61, v60  }
0x4e4: {  	v18 =	vadd.f32 v19, v18  }
0x4e5: {  	v27 =	vmul.f32 v57, v13;
	v21 =	vadd.f32 v62, v21;
	v26 =	vadd.f32 v63, v23;
	_ =	sdelay $0x1  }
0x4e6: {  	v18 =	vadd.f32 v27, v18;
	v28 =	vmul.f32 v21, v21;
	v29 =	vmul.f32 v26, v26;
	_ =	sdelay $0x1  }
0x4e7: {  	v18 =	vmul.f32 v18, v18;
	v19 =	vadd.f32 v29, v28;
	_ =	sdelay $0x1  }
0x4e8: {  	v18 =	vadd.f32 v19, v18;
	_ =	sdelay $0x1  }
0x4e9: {  	v19 =	vmax.f32 v18, $9.999999960e-13  }
0x4ea: {  	v30 =	vshra.s32 v19, $0x1;
	v31 =	vmul.f32 $5.000000000e-01, v19  }
0x4eb: {  	v20 =	vsub.s32 $0x5F3759DF, v30  }
0x4ec: {  	v32 =	vmul.f32 v20, v31;
	_ =	sdelay $0x1  }
0x4ed: {  	v22 =	vmul.f32 v20, v32;
	_ =	sdelay $0x1  }
0x4ee: {  	v22 =	vsub.f32 $1.500000000e+00, v22;
	_ =	sdelay $0x1  }
0x4ef: {  	v20 =	vmul.f32 v20, v22;
	_ =	sdelay $0x1  }
0x4f0: {  	v21 =	vmul.f32 v20, v31;
	_ =	sdelay $0x1  }
0x4f1: {  	v21 =	vmul.f32 v21, v20;
	_ =	sdelay $0x1  }
0x4f2: {  	v21 =	vsub.f32 $1.500000000e+00, v21;
	_ =	sdelay $0x1  }
0x4f3: {  	v20 =	vmul.f32 v21, v20;
	_ =	sdelay $0x1  }
0x4f4: {  	v20 =	vmul.f32 v20, v19;
	_ =	sdelay $0x1  }
0x4f5: {  	v20 =	vmin.f32 v20, $4.000000000e+00  }
0x4f6: {  	v20 =	vmul.f32 $1.000000000e+02, v20;
	_ =	sdelay $0x1  }
0x4f7: {  	v20 =	vtrunc.f32 v20  }
0x4f8: {  	v20 =	vcvt.f32.s32 v20;
	_ =	sdelay $0x1  }
0x4f9: {  	v33 =	vadd.s32 $0x1, v20;
	_ =	sdelay $0x3  }
0x4fa: {  	v34 =	vld.idx.msk [tilespmem:v20+s21+$0x0], $0xffff  }
0x4fb: {  	v21 =	vld.idx.msk [tilespmem:v33+s21+$0x0], $0xffff;
	_ =	sdelay $0x4  }
0x4fc: {  	vm10 =	vlt.f32 v19, v34;
	vm9 =	vge.f32 v19, v21  }
0x4fd: {  	v36 =	vsel vm10, $0xFFFFFFFF, v4;
	v35 =	vsel vm9, $0x1, v4  }
0x4fe: {  	v19 =	vadd.s32 v35, v36  }
0x4ff: {  	v19 =	vadd.s32 v20, v19  }
0x500: {  	vm9 =	vlt.s32 v19, $0x12C  }
0x501: {  	v19 =	vnsel vm9, $0x12C, v19;
	_ =	sdelay $0x2  }
0x502: {  	v15 =	vld.idx.msk [tilespmem:v15+s26+$0x0], $0xffff  }
0x503: {  	v16 =	vld.idx.msk [tilespmem:v54+s26+$0x0], $0xffff  }
0x504: {  	v19 =	vld.idx.msk [tilespmem:v19+s24+$0x0], $0xffff  }
0x505: {  	v17 =	vld.idx.msk [tilespmem:v55+s26+$0x0], $0xffff;
	_ =	sdelay $0x3  }
0x506: {  	v15 =	vadd.s32 v15, v16;
	v19 =	vmul.f32 v19, v14  }
0x507: {  	v15 =	vadd.s32 v17, v15;
	vm9 =	vle.f32 v18, $9.000000000e+00  }
0x508: {  	[tilespmem:s2+$0x55C0] =	vst v15;
	v18 =	vnsel vm9, $0x0, v19  }
0x509: {  	[tilespmem:s2+$0x4CC0] =	vst v18  }
0x50a: {  	v15 =	vld [tilespmem:s0+$0x190]  }
0x50b: {  	v37 =	vld [tilespmem:s0+$0x210]  }
0x50c: {  	v38 =	vld [tilespmem:s0+$0x290];
	_ =	sdelay $0x5  }
0x50d: {  	v18 =	vld.idx.msk [tilespmem:v15+s25+$0x0], $0xffff  }
0x50e: {  	v39 =	vld.idx.msk [tilespmem:v37+s25+$0x0], $0xffff  }
0x50f: {  	v40 =	vld.idx.msk [tilespmem:v38+s25+$0x0], $0xffff;
	_ =	sdelay $0x2  }
0x510: {  	v41 =	vmul.f32 v18, v5  }
0x511: {  	v42 =	vmul.f32 v39, v6;
	v43 =	vmul.f32 v18, v8  }
0x512: {  	v44 =	vmul.f32 v39, v9;
	v45 =	vmul.f32 v40, v7  }
0x513: {  	v18 =	vmul.f32 v18, v11;
	v19 =	vmul.f32 v39, v12  }
0x514: {  	v46 =	vmul.f32 v40, v10;
	v21 =	vadd.f32 v42, v41;
	v23 =	vadd.f32 v44, v43  }
0x515: {  	v18 =	vadd.f32 v19, v18  }
0x516: {  	v48 =	vmul.f32 v40, v13;
	v21 =	vadd.f32 v45, v21;
	v47 =	vadd.f32 v46, v23;
	_ =	sdelay $0x1  }
0x517: {  	v18 =	vadd.f32 v48, v18;
	v49 =	vmul.f32 v21, v21;
	v50 =	vmul.f32 v47, v47;
	_ =	sdelay $0x1  }
0x518: {  	v18 =	vmul.f32 v18, v18;
	v19 =	vadd.f32 v50, v49;
	_ =	sdelay $0x1  }
0x519: {  	v18 =	vadd.f32 v19, v18;
	_ =	sdelay $0x1  }
0x51a: {  	v19 =	vmax.f32 v18, $9.999999960e-13  }
0x51b: {  	v51 =	vshra.s32 v19, $0x1;
	v52 =	vmul.f32 $5.000000000e-01, v19  }
0x51c: {  	v20 =	vsub.s32 $0x5F3759DF, v51  }
0x51d: {  	v53 =	vmul.f32 v20, v52;
	_ =	sdelay $0x1  }
0x51e: {  	v22 =	vmul.f32 v20, v53;
	_ =	sdelay $0x1  }
0x51f: {  	v22 =	vsub.f32 $1.500000000e+00, v22;
	_ =	sdelay $0x1  }
0x520: {  	v20 =	vmul.f32 v20, v22;
	_ =	sdelay $0x1  }
0x521: {  	v21 =	vmul.f32 v20, v52;
	_ =	sdelay $0x1  }
0x522: {  	v21 =	vmul.f32 v21, v20;
	_ =	sdelay $0x1  }
0x523: {  	v21 =	vsub.f32 $1.500000000e+00, v21;
	_ =	sdelay $0x1  }
0x524: {  	v20 =	vmul.f32 v21, v20;
	_ =	sdelay $0x1  }
0x525: {  	v20 =	vmul.f32 v20, v19;
	_ =	sdelay $0x1  }
0x526: {  	v20 =	vmin.f32 v20, $4.000000000e+00  }
0x527: {  	v20 =	vmul.f32 $1.000000000e+02, v20;
	_ =	sdelay $0x1  }
0x528: {  	v20 =	vtrunc.f32 v20  }
0x529: {  	v20 =	vcvt.f32.s32 v20;
	_ =	sdelay $0x1  }
0x52a: {  	v54 =	vadd.s32 $0x1, v20;
	_ =	sdelay $0x3  }
0x52b: {  	v55 =	vld.idx.msk [tilespmem:v20+s21+$0x0], $0xffff  }
0x52c: {  	v21 =	vld.idx.msk [tilespmem:v54+s21+$0x0], $0xffff;
	_ =	sdelay $0x4  }
0x52d: {  	vm10 =	vlt.f32 v19, v55;
	vm9 =	vge.f32 v19, v21  }
0x52e: {  	v57 =	vsel vm10, $0xFFFFFFFF, v4;
	v56 =	vsel vm9, $0x1, v4  }
0x52f: {  	v19 =	vadd.s32 v56, v57  }
0x530: {  	v19 =	vadd.s32 v20, v19  }
0x531: {  	vm9 =	vlt.s32 v19, $0x12C  }
0x532: {  	v19 =	vnsel vm9, $0x12C, v19;
	_ =	sdelay $0x2  }
0x533: {  	v15 =	vld.idx.msk [tilespmem:v15+s26+$0x0], $0xffff  }
0x534: {  	v16 =	vld.idx.msk [tilespmem:v37+s26+$0x0], $0xffff  }
0x535: {  	v19 =	vld.idx.msk [tilespmem:v19+s24+$0x0], $0xffff  }
0x536: {  	v17 =	vld.idx.msk [tilespmem:v38+s26+$0x0], $0xffff;
	_ =	sdelay $0x3  }
0x537: {  	v15 =	vadd.s32 v15, v16;
	v19 =	vmul.f32 v19, v14  }
0x538: {  	v15 =	vadd.s32 v17, v15;
	vm9 =	vle.f32 v18, $9.000000000e+00  }
0x539: {  	[tilespmem:s2+$0x55D0] =	vst v15;
	v18 =	vnsel vm9, $0x0, v19  }
0x53a: {  	[tilespmem:s2+$0x4CD0] =	vst v18  }
0x53b: {  	v15 =	vld [tilespmem:s0+$0x1A0]  }
0x53c: {  	v58 =	vld [tilespmem:s0+$0x220]  }
0x53d: {  	v59 =	vld [tilespmem:s0+$0x2A0];
	_ =	sdelay $0x5  }
0x53e: {  	v18 =	vld.idx.msk [tilespmem:v15+s25+$0x0], $0xffff  }
0x53f: {  	v60 =	vld.idx.msk [tilespmem:v58+s25+$0x0], $0xffff  }
0x540: {  	v61 =	vld.idx.msk [tilespmem:v59+s25+$0x0], $0xffff;
	_ =	sdelay $0x2  }
0x541: {  	v62 =	vmul.f32 v18, v5  }
0x542: {  	v63 =	vmul.f32 v60, v6;
	v28 =	vmul.f32 v18, v8  }
0x543: {  	v29 =	vmul.f32 v60, v9;
	v30 =	vmul.f32 v61, v7  }
0x544: {  	v18 =	vmul.f32 v18, v11;
	v19 =	vmul.f32 v60, v12  }
0x545: {  	v31 =	vmul.f32 v61, v10;
	v21 =	vadd.f32 v63, v62;
	v23 =	vadd.f32 v29, v28  }
0x546: {  	v18 =	vadd.f32 v19, v18  }
0x547: {  	v33 =	vmul.f32 v61, v13;
	v21 =	vadd.f32 v30, v21;
	v32 =	vadd.f32 v31, v23;
	_ =	sdelay $0x1  }
0x548: {  	v18 =	vadd.f32 v33, v18;
	v34 =	vmul.f32 v21, v21;
	v35 =	vmul.f32 v32, v32;
	_ =	sdelay $0x1  }
0x549: {  	v18 =	vmul.f32 v18, v18;
	v19 =	vadd.f32 v35, v34;
	_ =	sdelay $0x1  }
0x54a: {  	v18 =	vadd.f32 v19, v18;
	_ =	sdelay $0x1  }
0x54b: {  	v19 =	vmax.f32 v18, $9.999999960e-13  }
0x54c: {  	v36 =	vshra.s32 v19, $0x1;
	v37 =	vmul.f32 $5.000000000e-01, v19  }
0x54d: {  	v20 =	vsub.s32 $0x5F3759DF, v36  }
0x54e: {  	v38 =	vmul.f32 v20, v37;
	_ =	sdelay $0x1  }
0x54f: {  	v22 =	vmul.f32 v20, v38;
	_ =	sdelay $0x1  }
0x550: {  	v22 =	vsub.f32 $1.500000000e+00, v22;
	_ =	sdelay $0x1  }
0x551: {  	v20 =	vmul.f32 v20, v22;
	_ =	sdelay $0x1  }
0x552: {  	v21 =	vmul.f32 v20, v37;
	_ =	sdelay $0x1  }
0x553: {  	v21 =	vmul.f32 v21, v20;
	_ =	sdelay $0x1  }
0x554: {  	v21 =	vsub.f32 $1.500000000e+00, v21;
	_ =	sdelay $0x1  }
0x555: {  	v20 =	vmul.f32 v21, v20;
	_ =	sdelay $0x1  }
0x556: {  	v20 =	vmul.f32 v20, v19;
	_ =	sdelay $0x1  }
0x557: {  	v20 =	vmin.f32 v20, $4.000000000e+00  }
0x558: {  	v20 =	vmul.f32 $1.000000000e+02, v20;
	_ =	sdelay $0x1  }
0x559: {  	v20 =	vtrunc.f32 v20  }
0x55a: {  	v20 =	vcvt.f32.s32 v20;
	_ =	sdelay $0x1  }
0x55b: {  	v39 =	vadd.s32 $0x1, v20;
	_ =	sdelay $0x3  }
0x55c: {  	v40 =	vld.idx.msk [tilespmem:v20+s21+$0x0], $0xffff  }
0x55d: {  	v21 =	vld.idx.msk [tilespmem:v39+s21+$0x0], $0xffff;
	_ =	sdelay $0x4  }
0x55e: {  	vm10 =	vlt.f32 v19, v40;
	vm9 =	vge.f32 v19, v21  }
0x55f: {  	v42 =	vsel vm10, $0xFFFFFFFF, v4;
	v41 =	vsel vm9, $0x1, v4  }
0x560: {  	v19 =	vadd.s32 v41, v42  }
0x561: {  	v19 =	vadd.s32 v20, v19  }
0x562: {  	vm9 =	vlt.s32 v19, $0x12C  }
0x563: {  	v19 =	vnsel vm9, $0x12C, v19;
	_ =	sdelay $0x2  }
0x564: {  	v15 =	vld.idx.msk [tilespmem:v15+s26+$0x0], $0xffff  }
0x565: {  	v16 =	vld.idx.msk [tilespmem:v58+s26+$0x0], $0xffff  }
0x566: {  	v19 =	vld.idx.msk [tilespmem:v19+s24+$0x0], $0xffff  }
0x567: {  	v17 =	vld.idx.msk [tilespmem:v59+s26+$0x0], $0xffff;
	_ =	sdelay $0x3  }
0x568: {  	v15 =	vadd.s32 v15, v16;
	v19 =	vmul.f32 v19, v14  }
0x569: {  	v15 =	vadd.s32 v17, v15;
	vm9 =	vle.f32 v18, $9.000000000e+00  }
0x56a: {  	[tilespmem:s2+$0x55E0] =	vst v15;
	v18 =	vnsel vm9, $0x0, v19  }
0x56b: {  	[tilespmem:s2+$0x4CE0] =	vst v18  }
0x56c: {  	v15 =	vld [tilespmem:s0+$0x1B0]  }
0x56d: {  	v43 =	vld [tilespmem:s0+$0x230]  }
0x56e: {  	v44 =	vld [tilespmem:s0+$0x2B0];
	_ =	sdelay $0x5  }
0x56f: {  	v18 =	vld.idx.msk [tilespmem:v15+s25+$0x0], $0xffff  }
0x570: {  	v45 =	vld.idx.msk [tilespmem:v43+s25+$0x0], $0xffff  }
0x571: {  	v46 =	vld.idx.msk [tilespmem:v44+s25+$0x0], $0xffff;
	_ =	sdelay $0x2  }
0x572: {  	v47 =	vmul.f32 v18, v5  }
0x573: {  	v48 =	vmul.f32 v45, v6;
	v49 =	vmul.f32 v18, v8  }
0x574: {  	v50 =	vmul.f32 v45, v9;
	v51 =	vmul.f32 v46, v7  }
0x575: {  	v18 =	vmul.f32 v18, v11;
	v19 =	vmul.f32 v45, v12  }
0x576: {  	v52 =	vmul.f32 v46, v10;
	v21 =	vadd.f32 v48, v47;
	v23 =	vadd.f32 v50, v49  }
0x577: {  	v18 =	vadd.f32 v19, v18  }
0x578: {  	v54 =	vmul.f32 v46, v13;
	v21 =	vadd.f32 v51, v21;
	v53 =	vadd.f32 v52, v23;
	_ =	sdelay $0x1  }
0x579: {  	v18 =	vadd.f32 v54, v18;
	v55 =	vmul.f32 v21, v21;
	v56 =	vmul.f32 v53, v53;
	_ =	sdelay $0x1  }
0x57a: {  	v18 =	vmul.f32 v18, v18;
	v19 =	vadd.f32 v56, v55;
	_ =	sdelay $0x1  }
0x57b: {  	v18 =	vadd.f32 v19, v18;
	_ =	sdelay $0x1  }
0x57c: {  	v19 =	vmax.f32 v18, $9.999999960e-13  }
0x57d: {  	v57 =	vshra.s32 v19, $0x1;
	v58 =	vmul.f32 $5.000000000e-01, v19  }
0x57e: {  	v20 =	vsub.s32 $0x5F3759DF, v57  }
0x57f: {  	v59 =	vmul.f32 v20, v58;
	_ =	sdelay $0x1  }
0x580: {  	v22 =	vmul.f32 v20, v59;
	_ =	sdelay $0x1  }
0x581: {  	v22 =	vsub.f32 $1.500000000e+00, v22;
	_ =	sdelay $0x1  }
0x582: {  	v20 =	vmul.f32 v20, v22;
	_ =	sdelay $0x1  }
0x583: {  	v21 =	vmul.f32 v20, v58;
	_ =	sdelay $0x1  }
0x584: {  	v21 =	vmul.f32 v21, v20;
	_ =	sdelay $0x1  }
0x585: {  	v21 =	vsub.f32 $1.500000000e+00, v21;
	_ =	sdelay $0x1  }
0x586: {  	v20 =	vmul.f32 v21, v20;
	_ =	sdelay $0x1  }
0x587: {  	v20 =	vmul.f32 v20, v19;
	_ =	sdelay $0x1  }
0x588: {  	v20 =	vmin.f32 v20, $4.000000000e+00  }
0x589: {  	v20 =	vmul.f32 $1.000000000e+02, v20;
	_ =	sdelay $0x1  }
0x58a: {  	v20 =	vtrunc.f32 v20  }
0x58b: {  	v20 =	vcvt.f32.s32 v20;
	_ =	sdelay $0x1  }
0x58c: {  	v60 =	vadd.s32 $0x1, v20;
	_ =	sdelay $0x3  }
0x58d: {  	v61 =	vld.idx.msk [tilespmem:v20+s21+$0x0], $0xffff  }
0x58e: {  	v21 =	vld.idx.msk [tilespmem:v60+s21+$0x0], $0xffff;
	_ =	sdelay $0x4  }
0x58f: {  	vm10 =	vlt.f32 v19, v61;
	vm9 =	vge.f32 v19, v21  }
0x590: {  	v63 =	vsel vm10, $0xFFFFFFFF, v4;
	v62 =	vsel vm9, $0x1, v4  }
0x591: {  	v19 =	vadd.s32 v62, v63  }
0x592: {  	v19 =	vadd.s32 v20, v19  }
0x593: {  	vm9 =	vlt.s32 v19, $0x12C  }
0x594: {  	v19 =	vnsel vm9, $0x12C, v19;
	_ =	sdelay $0x2  }
0x595: {  	v15 =	vld.idx.msk [tilespmem:v15+s26+$0x0], $0xffff  }
0x596: {  	v16 =	vld.idx.msk [tilespmem:v43+s26+$0x0], $0xffff  }
0x597: {  	v19 =	vld.idx.msk [tilespmem:v19+s24+$0x0], $0xffff  }
0x598: {  	v17 =	vld.idx.msk [tilespmem:v44+s26+$0x0], $0xffff;
	_ =	sdelay $0x1  }
0x599: {  	s30 =	sadd.s32 $0x3, s30  }
0x59a: {  	p0 =	slt.u32 s30, $0xF  }
.Ltmp0:
0x59b: {  	v15 =	vadd.s32 v15, v16;
	v19 =	vmul.f32 v19, v14;
	(pc) =	sbr.rel @p0 .LBB2_3-.Ltmp0, $4  }
0x59c: {  	v15 =	vadd.s32 v17, v15;
	vm9 =	vle.f32 v18, $9.000000000e+00  }
0x59d: {  	s31 =	sadd.s32 $0x600, s31;
	[tilespmem:s2+$0x55F0] =	vst v15;
	v18 =	vnsel vm9, $0x0, v19  }
0x59e: {  	s28 =	sadd.s32 $0x4C80, s2;
	s29 =	sadd.s32 $0x5580, s2;
	s0 =	sadd.s32 $0x600, s0;
	[tilespmem:s2+$0x4CF0] =	vst v18  }
0x59f: {  	[spmem:s4] =	stream.indirect.scatter.add.f32 [tilespmem:s28], [sflag:$0x1], $0x1, s29, s7, $0xb8;
	[tilespmem:$0x13880] =	vst v63  }
0x5a0: {  	s3 =	simm.s32 $0x1  }
0x5a1: {  	_ =	swait.ge [sflag:s3], $0x80  }
0x5a2: {  	[sflag:s3] =	ssyncset.done $0x0  }
0x5a3: {  	[sflag:s3] =	ssyncadd.s32 $0xFFFFFF80  }
0x5a4: {  	_ =	swait.ge [sflag:s3], $0x80  }
0x5a5: {  	[sflag:s3] =	ssyncset.done $0x0  }
0x5a6: {  	[sflag:s3] =	ssyncadd.s32 $0xFFFFFF80  }
0x5a7: {  	_ =	swait.ge [sflag:s3], $0x80  }
0x5a8: {  	[sflag:s3] =	ssyncset.done $0x0  }
0x5a9: {  	[sflag:s3] =	ssyncadd.s32 $0xFFFFFF80  }
0x5aa: {  	_ =	swait.ge [sflag:s3], $0x80  }
0x5ab: {  	[sflag:s3] =	ssyncset.done $0x0  }
0x5ac: {  	[sflag:s3] =	ssyncadd.s32 $0xFFFFFF80  }
0x5ad: {  	_ =	swait.ge [sflag:s3], $0x80  }
0x5ae: {  	[sflag:s3] =	ssyncset.done $0x0  }
0x5af: {  	[sflag:s3] =	ssyncadd.s32 $0xFFFFFF80  }
0x5b0: {  	_ =	swait.ge [sflag:s3], $0x80  }
0x5b1: {  	[sflag:s3] =	ssyncset.done $0x0  }
0x5b2: {  	[sflag:s3] =	ssyncadd.s32 $0xFFFFFF80  }
0x5b3: {  	_ =	swait.ge [sflag:s3], $0x80  }
0x5b4: {  	[sflag:s3] =	ssyncset.done $0x0  }
0x5b5: {  	[sflag:s3] =	ssyncadd.s32 $0xFFFFFF80  }
0x5b6: {  	_ =	swait.ge [sflag:s3], $0x80  }
0x5b7: {  	[sflag:s3] =	ssyncset.done $0x0  }
0x5b8: {  	[sflag:s3] =	ssyncadd.s32 $0xFFFFFF80  }
0x5b9: {  	_ =	swait.ge [sflag:s3], $0x80  }
0x5ba: {  	[sflag:s3] =	ssyncset.done $0x0  }
0x5bb: {  	[sflag:s3] =	ssyncadd.s32 $0xFFFFFF80  }
0x5bc: {  	_ =	swait.ge [sflag:s3], $0x80  }
0x5bd: {  	[sflag:s3] =	ssyncset.done $0x0  }
0x5be: {  	[sflag:s3] =	ssyncadd.s32 $0xFFFFFF80  }
0x5bf: {  	_ =	swait.ge [sflag:s3], $0x80  }
0x5c0: {  	[sflag:s3] =	ssyncset.done $0x0  }
0x5c1: {  	[sflag:s3] =	ssyncadd.s32 $0xFFFFFF80  }
0x5c2: {  	_ =	swait.ge [sflag:s3], $0x80  }
0x5c3: {  	[sflag:s3] =	ssyncset.done $0x0  }
0x5c4: {  	[sflag:s3] =	ssyncadd.s32 $0xFFFFFF80  }
0x5c5: {  	_ =	swait.ge [sflag:s3], $0x80  }
0x5c6: {  	[sflag:s3] =	ssyncset.done $0x0  }
0x5c7: {  	[sflag:s3] =	ssyncadd.s32 $0xFFFFFF80  }
0x5c8: {  	_ =	swait.ge [sflag:s3], $0x80  }
0x5c9: {  	[sflag:s3] =	ssyncset.done $0x0  }
0x5ca: {  	[sflag:s3] =	ssyncadd.s32 $0xFFFFFF80  }
0x5cb: {  	_ =	swait.ge [sflag:s3], $0x80  }
0x5cc: {  	[sflag:s3] =	ssyncset.done $0x0  }
0x5cd: {  	[sflag:s3] =	ssyncadd.s32 $0xFFFFFF80  }
0x5ce: {  	_ =	swait.ge [sflag:s3], $0x80  }
0x5cf: {  	[sflag:s3] =	ssyncset.done $0x0  }
0x5d0: {  	[sflag:s3] =	ssyncadd.s32 $0xFFFFFF80  }
0x5d1: {  	_ =	swait.ge [sflag:s3], $0x80  }
0x5d2: {  	[sflag:s3] =	ssyncset.done $0x0  }
0x5d3: {  	[sflag:s3] =	ssyncadd.s32 $0xFFFFFF80  }
0x5d4: {  	_ =	swait.ge [sflag:s3], $0x80  }
0x5d5: {  	s4 =	rddreg [dreg:$0x10]  }
0x5d6: {  	s4 =	sadd.s32 $0x1, s4  }
0x5d7: {  	p0 =	sne.s32 s4, $0x20  }
.Ltmp1:
0x5d8: {  	_ = 	snop;
	(pc) =	sbr.rel @p0 .LBB2_2-.Ltmp1, $3  }
0x5d9: {  	_ =	sdelay $0x1  }
0x5da: {  	[sflag:s3] =	ssyncset.done $0x0  }
0x5db: {  	s6 =	simm.s32 $0x2;
	[sflag:s3] =	ssyncadd.s32 $0xFFFFFF80  }
0x5dc: {  	[bflag:$0x0] =	sbarrier.arrive $0xFFFF  }
0x5dd: {  	s1 =	rddreg [dreg:$0x9]  }
0x5de: {  	s0 =	rddreg [dreg:$0xc]  }
0x5df: {  	s4 =	simm.s32 $0x10;
	s5 =	simm.s32 $0x20;
	s2 =	rddreg [dreg:$0xe]  }
0x5e0: {  	[hbm:s0@s5], [sflag:s1] =	dma.strided [spmem:s2@s4], $0x1B00, s3, $0x10   }
0x5e1: {  	_ =	swait.ge [sflag:s6], $0x1B00  }
0x5e2: {  	s8 =	rddreg [dreg:$0xf]  }
0x5e3: {  	s31 =	rddreg [dreg:$0xd];
	s8 =	sadd.s32 $0x1, s8  }
0x5e4: {  	p0 =	sne.s32 s8, s31  }
.Ltmp2:
0x5e5: {  	_ = 	snop;
	(pc) =	sbr.rel @p0 .LBB2_1-.Ltmp2, $3  }
0x5e6: {  	_ =	sdelay $0x1  }
0x5e7: {  	[sflag:s6] =	ssyncset.done $0x0  }
0x5e8: {  	[sflag:s6] =	ssyncadd.s32 $0xFFFFE500  }
0x5e9: {  	_ =	sfence.sel $0x180000  }
0x5ea: {  	[bflag:$0x0] =	sbarrier.arrive $0xFFFF  }
0x5eb: {  	_ =	strace $0x90000047  }
0x5ec: {  	s0 =	stileid.u32;
	[bflag:$0x2] =	sbarrier.arrive $0xFFFF  }
0x5ed: {  	p0 =	sne.s32 s0, $0x0;
	s0 =	rddreg [dreg:$0x3]  }
0x5ee: {  	s0 =	sadd.s32 @!p0 $0x100000, s0  }
0x5ef: {  	[sflag:s0] =	ssyncadd.tile.s32 @!p0 $0x1;
	_ =	shalt  }
.Lfunc_end2:
_tile_overlayer_lowered:
.L_overlay_start_2:
0x5f0: {  	(tag) =	ssettag $0x2  }
0x5f1: {  	s0 =	rddreg [dreg:$0x0];
	s2 =	stileid.u32  }
0x5f2: {  	s1 =	rddreg [dreg:$0x1];
	p0 =	sne.s32 s2, $0x0  }
0x5f3: {  	s3 =	rddreg [dreg:$0x2];
	[bflag:$0x3] =	sbarrier.arrive $0xFFFF;
	s2 =	simm.s32 @!p0 $0x1C02  }
0x5f4: {  	[timem:s3], [sflag:s2] =	dma.local @!p0 [hbm:s0], s1  }
0x5f5: {  	s0 =	simm.s32 @!p0 $0x2  }
0x5f6: {  	_ =	swait.ge @!p0 [sflag:s0], s1  }
0x5f7: {  	s1 =	ssub.s32 @!p0 $0x0, s1;
	[sflag:s0] =	ssyncset.done @!p0 $0x0  }
0x5f8: {  	[sflag:s0] =	ssyncadd.s32 @!p0 s1  }
0x5f9: {  	[bflag:$0x3] =	sbarrier.arrive $0xFFFF  }
0x5fa: {  	_ =	shalt  }

</sc_bundles>
